<compile_context>
chip_gen: v7x
topology: tpu7x:2x2x1
jax: 0.10.2.dev20260603
libtpu: 0.0.44.dev20260713+nightly
codegen_flags: <defaults>
</compile_context>

<pallas_src>
import jax
import jax.numpy as jnp
from jax import lax
from jax.experimental import pallas as pl
from jax.experimental.pallas import tpu as pltpu
from jax.experimental.pallas import tpu_sc as plsc

EPS = 1e-10
PROMPT_LENGTH = 32
K_VAL = 50

V = 50257
E = 768
VPAD = 50272
NVEC = VPAD // 16
NEG_INF = float("-inf")
IMIN = -2147483648

_VB = 1024

_NC = 2
_NS = 16
_NW = _NC * _NS


def _splat(x):
    return jnp.full((16,), x, jnp.int32)


def _hist_walk(hist, slab_base, krem):
    lanes = lax.iota(jnp.int32, 16)
    zero = _splat(0)

    def chunk(c2, carry):
        carry_cnt, done, dstar, cntab = carry
        c = 15 - c2
        didx = jnp.left_shift(_splat(c * 16) + lanes, 4)
        t = zero
        for l in range(16):
            t = t + plsc.load_gather(hist, [didx + _splat(slab_base + l)])
        r = lax.rev(t, (0,))
        cs = plsc.cumsum(r) + carry_cnt
        m = cs >= krem
        found = jnp.any(m)
        j0 = plsc.all_reduce_ffs(m)
        dstar_new = _splat(c * 16 + 15) - j0
        below = jnp.where(lanes < j0, r, zero)
        cntab_new = carry_cnt + _splat(jnp.sum(below))
        upd = jnp.logical_and(found, jnp.logical_not(done))
        dstar = jnp.where(upd, dstar_new, dstar)
        cntab = jnp.where(upd, cntab_new, cntab)
        done = jnp.logical_or(done, found)
        carry_cnt = carry_cnt + _splat(jnp.sum(t))
        return carry_cnt, done, dstar, cntab

    init = (zero, jnp.zeros((16,), jnp.bool_), zero, zero)
    _, _, dstar, cntab = lax.fori_loop(0, 16, chunk, init)
    return dstar, cntab


def _sc_body(lg, gx1, cur, gum_h, emb, ce_out, ids_out,
             row_v, hist, cand_v, cand_i, gflat, gxv, gum_v, cur_v,
             ids_v, ce_v, sem):
    wid = lax.axis_index("s") * _NC + lax.axis_index("c")
    base = wid * 16
    lanes = lax.iota(jnp.int32, 16)
    ones = _splat(1)
    zero = _splat(0)
    izeros = jnp.zeros((16,), jnp.int32)
    fzeros = jnp.zeros((16,), jnp.float32)

    pltpu.sync_copy(cur.at[pl.ds(base, 16)], cur_v)

    def row_step(i, aids):
        r = base + i
        pltpu.sync_copy(lg.at[r], row_v)
        pltpu.sync_copy(gum_h.at[r], gum_v)

        @plsc.parallel_loop(0, 1024, unroll=8)
        def _zr(j):
            hist[pl.ds(j * 16, 16)] = izeros
        for a in range(4):
            cand_v[pl.ds(a * 16, 16)] = izeros
            cand_i[pl.ds(a * 16, 16)] = izeros

        @plsc.parallel_loop(0, NVEC, unroll=4)
        def _p0(j):
            x = row_v[pl.ds(j * 16, 16)]
            b = lax.bitcast_convert_type(x, jnp.int32)
            s = jnp.right_shift(b, 31)
            v = jnp.bitwise_xor(b, jnp.bitwise_and(s, 0x7FFFFFFF))
            row_v[pl.ds(j * 16, 16)] = lax.bitcast_convert_type(v, jnp.float32)
            d1 = jnp.right_shift(v, 24) + 128
            idx = jnp.left_shift(d1, 4) + lanes
            plsc.addupdate_scatter(hist, [idx], ones)

        krem = _splat(K_VAL)
        b1, cntab = _hist_walk(hist, 0, krem)
        krem = krem - cntab
        p1 = b1 - 128

        @plsc.parallel_loop(0, NVEC, unroll=4)
        def _p2s(j):
            v = lax.bitcast_convert_type(row_v[pl.ds(j * 16, 16)], jnp.int32)
            pm = jnp.right_shift(v, 24) == p1
            d = jnp.bitwise_and(jnp.right_shift(v, 16), 0xFF)
            idx = 4096 + jnp.left_shift(d, 4) + lanes
            plsc.addupdate_scatter(hist, [idx], ones, mask=pm)
        b2, cntab = _hist_walk(hist, 4096, krem)
        krem = krem - cntab
        p2 = p1 * 256 + b2

        @plsc.parallel_loop(0, NVEC, unroll=4)
        def _p3s(j):
            v = lax.bitcast_convert_type(row_v[pl.ds(j * 16, 16)], jnp.int32)
            pm = jnp.right_shift(v, 16) == p2
            d = jnp.bitwise_and(jnp.right_shift(v, 8), 0xFF)
            idx = 8192 + jnp.left_shift(d, 4) + lanes
            plsc.addupdate_scatter(hist, [idx], ones, mask=pm)
        b3, cntab = _hist_walk(hist, 8192, krem)
        krem = krem - cntab
        p3 = p2 * 256 + b3

        @plsc.parallel_loop(0, NVEC, unroll=4)
        def _p4s(j):
            v = lax.bitcast_convert_type(row_v[pl.ds(j * 16, 16)], jnp.int32)
            pm = jnp.right_shift(v, 8) == p3
            d = jnp.bitwise_and(v, 0xFF)
            idx = 12288 + jnp.left_shift(d, 4) + lanes
            plsc.addupdate_scatter(hist, [idx], ones, mask=pm)
        b4, cntab = _hist_walk(hist, 12288, krem)
        quota = krem - cntab
        tval = p3 * 256 + b4

        @plsc.parallel_loop(0, NVEC, unroll=2, carry=(zero, zero))
        def coll(j, carry):
            ncoll, eqcnt = carry
            v = lax.bitcast_convert_type(row_v[pl.ds(j * 16, 16)], jnp.int32)
            gt = v > tval
            eq = v == tval
            pref = plsc.cumsum(eq.astype(jnp.int32)) + eqcnt
            acc = jnp.logical_and(eq, pref <= quota)
            msk = jnp.logical_or(gt, acc)
            pos = plsc.cumsum(msk.astype(jnp.int32)) - 1 + ncoll
            pos = jnp.where(msk, pos, _splat(64) + lanes)
            gidx = _splat(j * 16) + lanes
            plsc.addupdate_scatter(cand_v, [pos], v, mask=msk)
            plsc.addupdate_scatter(cand_i, [pos], gidx, mask=msk)
            ncoll = ncoll + _splat(jnp.sum(msk.astype(jnp.int32)))
            eqcnt = eqcnt + _splat(jnp.sum(eq.astype(jnp.int32)))
            return ncoll, eqcnt
        ncoll_f, _eq_f = coll

        rv = r * V
        tail = cand_v[pl.ds(48, 16)]
        cand_v[pl.ds(48, 16)] = jnp.where(lanes < 2, tail, _splat(IMIN))
        cu = []
        ci = []
        for a in range(4):
            cu.append(cand_v[pl.ds(a * 16, 16)])
            ci.append(cand_i[pl.ds(a * 16, 16)])
            safe = jnp.clip(ci[a], 0, V - 1)
            gflat[pl.ds(a * 16, 16)] = safe + _splat(rv)
        pltpu.async_copy(gx1.at[gflat], gxv, sem).wait()

        @plsc.parallel_loop(0, 64, unroll=4,
                            carry=(izeros, izeros, izeros, izeros))
        def rank_step(t, rk):
            ts = _splat(t)
            ub = plsc.load_gather(cand_v, [ts])
            ib = plsc.load_gather(cand_i, [ts])
            out = []
            for a in range(4):
                c = jnp.logical_or(
                    ub > cu[a],
                    jnp.logical_and(ub == cu[a], ib < ci[a]))
                out.append(rk[a] + c.astype(jnp.int32))
            return tuple(out)
        ranks = rank_step

        curid = plsc.load_gather(cur_v, [_splat(i)])
        best = jnp.full((16,), NEG_INF, jnp.float32)
        scs = []
        for a in range(4):
            gv = plsc.load_gather(gum_v, [ranks[a]])
            xg = gxv[pl.ds(a * 16, 16)]
            neg = -xg
            dist = jnp.where(ci[a] == curid, neg * EPS, neg)
            sc = dist + gv
            if a == 3:
                sc = jnp.where(lanes < 2, sc, jnp.full((16,), NEG_INF, jnp.float32))
            scs.append(sc)
            best = jnp.maximum(best, sc)
        msp = jnp.full((16,), jnp.max(best), jnp.float32)
        rmin = _splat(64)
        for a in range(4):
            rmin = jnp.minimum(rmin, jnp.where(scs[a] == msp, ranks[a], _splat(64)))
        rmin = _splat(jnp.min(rmin))
        aid = zero
        for a in range(4):
            aid = aid + jnp.where(ranks[a] == rmin, ci[a], zero)
        aid = _splat(jnp.sum(aid))
        return jnp.where(lanes == _splat(i), aid, aids)

    aids = lax.fori_loop(0, 16, row_step, izeros)
    ids_v[...] = jnp.clip(aids, 0, V - 1)
    pltpu.async_copy(emb.at[ids_v], ce_v, sem).wait()
    pltpu.sync_copy(ce_v, ce_out.at[pl.ds(base, 16)])
    pltpu.sync_copy(ids_v, ids_out.at[pl.ds(base, 16)])


@jax.jit
def _sc_sample(lg_pad, gx1, cur, gum, emb):
    mesh = plsc.VectorSubcoreMesh(core_axis_name="c", subcore_axis_name="s")
    f = pl.kernel(
        _sc_body,
        out_type=[
            jax.ShapeDtypeStruct((_NW * 16, E), jnp.float32),
            jax.ShapeDtypeStruct((_NW * 16,), jnp.int32),
        ],
        mesh=mesh,
        compiler_params=pltpu.CompilerParams(needs_layout_passes=False),
        scratch_types=[
            pltpu.VMEM((VPAD,), jnp.float32),
            pltpu.VMEM((16384,), jnp.int32),
            pltpu.VMEM((96,), jnp.int32),
            pltpu.VMEM((96,), jnp.int32),
            pltpu.VMEM((64,), jnp.int32),
            pltpu.VMEM((64,), jnp.float32),
            pltpu.VMEM((80,), jnp.float32),
            pltpu.VMEM((16,), jnp.int32),
            pltpu.VMEM((16,), jnp.int32),
            pltpu.VMEM((16, E), jnp.float32),
            pltpu.SemaphoreType.DMA,
        ],
    )
    return f(lg_pad, gx1, cur, gum, emb)


def _bias_body(ce_ref, w_ref, out_ref):
    ce = ce_ref[...]
    w = w_ref[...]
    t1 = jnp.sum(w * w, axis=1)
    t3 = jnp.sum(ce * ce, axis=1)
    t2 = lax.dot_general(
        ce.astype(jnp.bfloat16), w.astype(jnp.bfloat16),
        (((1,), (1,)), ((), ())), preferred_element_type=jnp.float32)
    out_ref[...] = 2.0 * t2 - t1[None, :] - t3[:, None]


def _bias_matmul(ce, embed_weight):
    R = ce.shape[0]
    nv = pl.cdiv(V, _VB)
    return pl.pallas_call(
        _bias_body,
        grid=(nv,),
        in_specs=[
            pl.BlockSpec((R, E), lambda j: (0, 0)),
            pl.BlockSpec((_VB, E), lambda j: (j, 0)),
        ],
        out_specs=pl.BlockSpec((R, _VB), lambda j: (0, j)),
        out_shape=jax.ShapeDtypeStruct((R, V), jnp.float32),
    )(ce, embed_weight)


def kernel(gx, logits, embed_weight, cur_token_ids):
    B, L, _ = gx.shape
    lg_pad = jnp.pad(
        logits[:, PROMPT_LENGTH:, :].reshape(B * L, V),
        ((0, 0), (0, VPAD - V)), constant_values=NEG_INF)
    gx1 = gx.reshape(-1)
    cur = cur_token_ids[:, PROMPT_LENGTH:].reshape(-1)
    gum = jax.random.gumbel(jax.random.key(42), (B, L, K_VAL), dtype=jnp.float32)
    gum = jnp.pad(gum.reshape(B * L, K_VAL), ((0, 0), (0, 80 - K_VAL)))

    ce, _ids = _sc_sample(lg_pad, gx1, cur, gum, embed_weight)
    bias = _bias_matmul(ce, embed_weight)
    return bias.reshape(B, L, V)

# --- scband reference (transcript-rebuilt; emitter-appended) ---
"""Pipeline reference for scband-langevin-sampler-53317724013243 (READ-ONLY COPY).

The authoritative reference and input builder live on the scoring server;
editing this copy changes nothing except your own understanding.
"""

import jax, jax.numpy as jnp
import numpy as np

EPS = 1e-10
PROMPT_LENGTH = 32
K_VAL = 50
TEMP = 1.0
WEIGHT_VAL = 1.0


def setup_inputs(seed: int = 0) -> dict:
    key = jax.random.key(seed)
    k1, k2, k3, k4 = jax.random.split(key, 4)
    B, S, V, E = 16, 64, 50257, 768
    L = S - PROMPT_LENGTH
    gx = jax.random.normal(k1, (B, L, V), dtype=jnp.float32)
    logits = jax.random.normal(k2, (B, S, V), dtype=jnp.float32)
    embed_weight = jax.random.normal(k3, (V, E), dtype=jnp.float32) * 0.02
    cur_token_ids = jax.random.randint(k4, (B, S), 0, V, dtype=jnp.int64) if jax.config.read('jax_enable_x64') else jax.random.randint(k4, (B, S), 0, V, dtype=jnp.int32)
    return {"gx": gx, "logits": logits, "embed_weight": embed_weight, "cur_token_ids": cur_token_ids}


def reference(gx, logits, embed_weight, cur_token_ids):
    # One step of LangevinSampler.step with filter_type='topk', filter_logit='gpt'.
    # gx is the (detached, post-prompt) gradient of the energy wrt the one-hot inputs.
    B, L, V = gx.shape
    logits_s = logits[:, PROMPT_LENGTH:, :]
    cur_ids_s = cur_token_ids[:, PROMPT_LENGTH:]

    # get_unfiltered_dist: mask out current token positions with EPS
    b_idx = jnp.arange(B)[:, None]
    s_idx = jnp.arange(L)[None, :]
    token_dist = jnp.ones_like(gx).at[b_idx, s_idx, cur_ids_s].set(EPS)
    unfiltered_dist = -gx * token_dist

    # get_top_k_dlp_dist with filter_logit == 'gpt': top-k ids from LM logits
    _, topk_ids = jax.lax.top_k(logits_s, K_VAL)
    dist_logits = jnp.take_along_axis(unfiltered_dist, topk_ids, axis=-1)

    # Categorical(logits=dist_logits / temp).sample() via Gumbel-max (fixed key)
    gumbel = jax.random.gumbel(jax.random.key(42), dist_logits.shape, dtype=dist_logits.dtype)
    sampled_dist_ids = jnp.argmax(dist_logits / TEMP + gumbel, axis=-1)
    actual_ids = jnp.take_along_axis(topk_ids, sampled_dist_ids[..., None], axis=-1)[..., 0]

    # compute_bias: squared-distance bias in embedding space
    cur_embeds = jnp.take(embed_weight, actual_ids, axis=0)  # [B, L, E]
    t1 = jnp.sum(embed_weight ** 2, axis=-1)[None, None, :]  # [1, 1, V]
    t2 = jnp.einsum('bse,ve->bsv', cur_embeds, embed_weight)  # [B, L, V]
    t3 = jnp.sum(cur_embeds ** 2, axis=-1)[..., None]  # [B, L, 1]
    bias = -1.0 * WEIGHT_VAL * (t1 - 2.0 * t2 + t3)
    return bias

if __name__ == "__main__":
    import jax
    _d = setup_inputs()
    print(jax.jit(kernel)(*tuple(_d.values())))

</pallas_src>

<mosaic_0001>
#map = affine_map<(d0, d1) -> (0, 0)>
#map1 = affine_map<(d0, d1) -> (0)>
module attributes {stable_mosaic.version = 14 : i64} {
  func.func @_sc_body(%arg0: i32, %arg1: i32, %arg2: memref<512x50272xf32, #tpu.memory_space<hbm>>, %arg3: memref<25731584xf32, #tpu.memory_space<hbm>>, %arg4: memref<512xi32, #tpu.memory_space<hbm>>, %arg5: memref<512x80xf32, #tpu.memory_space<hbm>>, %arg6: memref<50257x768xf32, #tpu.memory_space<hbm>>, %arg7: memref<512x768xf32, #tpu.memory_space<hbm>>, %arg8: memref<512xi32, #tpu.memory_space<hbm>>, %arg9: memref<50272xf32, #tpu.memory_space<vmem>>, %arg10: memref<16384xi32, #tpu.memory_space<vmem>>, %arg11: memref<96xi32, #tpu.memory_space<vmem>>, %arg12: memref<96xi32, #tpu.memory_space<vmem>>, %arg13: memref<64xi32, #tpu.memory_space<vmem>>, %arg14: memref<64xf32, #tpu.memory_space<vmem>>, %arg15: memref<80xf32, #tpu.memory_space<vmem>>, %arg16: memref<16xi32, #tpu.memory_space<vmem>>, %arg17: memref<16xi32, #tpu.memory_space<vmem>>, %arg18: memref<16x768xf32, #tpu.memory_space<vmem>>, %arg19: memref<!tpu.dma_semaphore, #tpu.memory_space<semaphore_mem>>) attributes {dimension_semantics = [#tpu.dimension_semantics<core_parallel>, #tpu.dimension_semantics<subcore_parallel>], iteration_bounds = array<i64: 2, 16>, scalar_prefetch = 0 : i64, scratch_operands = 11 : i64, tpu.core_type = #tpu.core_type<sc_vector_subcore>, window_params = [{transform_indices = #map}, {transform_indices = #map1}, {transform_indices = #map1}, {transform_indices = #map}, {transform_indices = #map}, {transform_indices = #map}, {transform_indices = #map1}]} {
    %mul3A = arith.constant 2 : i32
    %mul3A_0 = arith.muli %arg1, %mul3A : i32
    %add3A = arith.addi %mul3A_0, %arg0 : i32
    %mul3A_1 = arith.constant 16 : i32
    %mul3A_2 = arith.muli %add3A, %mul3A_1 : i32
    %iota3A = tpu.iota {dimensions = array<i32: 0>} : vector<16xi32>
    %broadcast_in_dim3A = arith.constant 1 : i32
    %broadcast_in_dim3A_3 = vector.broadcast %broadcast_in_dim3A : i32 to vector<16xi32>
    %broadcast_in_dim3A_4 = arith.constant 0 : i32
    %broadcast_in_dim3A_5 = vector.broadcast %broadcast_in_dim3A_4 : i32 to vector<16xi32>
    %broadcast_in_dim3A_6 = arith.constant 0 : i32
    %broadcast_in_dim3A_7 = vector.broadcast %broadcast_in_dim3A_6 : i32 to vector<16xi32>
    %broadcast_in_dim3A_8 = arith.constant 0.000000e+00 : f32
    %broadcast_in_dim3A_9 = vector.broadcast %broadcast_in_dim3A_8 : f32 to vector<16xf32>
    "tpu.region"() ({
      %run_scoped3A = tpu.sem_alloc : memref<!tpu.dma_semaphore, #tpu.memory_space<semaphore_mem>>
      %dma_start3A_23 = tpu.memref_slice %arg4[%mul3A_2] : memref<512xi32, #tpu.memory_space<hbm>> -> memref<16xi32, #tpu.memory_space<hbm>>
      %dma_start3A_24 = tpu.memref_slice %arg4[%mul3A_2] : memref<512xi32, #tpu.memory_space<hbm>> -> memref<16xi32, #tpu.memory_space<hbm>>
      tpu.enqueue_dma source(%dma_start3A_24 : memref<16xi32, #tpu.memory_space<hbm>>) target(%arg16 : memref<16xi32, #tpu.memory_space<vmem>>) target_semaphore(%run_scoped3A : memref<!tpu.dma_semaphore, #tpu.memory_space<semaphore_mem>>)
      %dma_wait3A_25 = tpu.memref_slice %arg4[%mul3A_2] : memref<512xi32, #tpu.memory_space<hbm>> -> memref<16xi32, #tpu.memory_space<hbm>>
      %dma_wait3A_26 = tpu.memref_slice %arg4[%mul3A_2] : memref<512xi32, #tpu.memory_space<hbm>> -> memref<16xi32, #tpu.memory_space<hbm>>
      tpu.wait_dma2 semaphore(%run_scoped3A : memref<!tpu.dma_semaphore, #tpu.memory_space<semaphore_mem>>) src(%dma_wait3A_26 : memref<16xi32, #tpu.memory_space<hbm>>) dst(%arg16 : memref<16xi32, #tpu.memory_space<vmem>>)
      tpu.yield
    }) : () -> ()
    %scan3A = arith.constant 0 : i32
    %scan3A_10 = arith.constant 16 : i32
    %scan3A_11 = arith.addi %scan3A, %scan3A_10 : i32
    %scan3A_12 = arith.constant 1 : i32
    %scan3A_13 = scf.for %scan3A_23 = %scan3A to %scan3A_11 step %scan3A_12 iter_args(%scan3A_24 = %broadcast_in_dim3A_7) -> (vector<16xi32>)  : i32 {
      %add3A_25 = arith.addi %mul3A_2, %scan3A_23 : i32
      "tpu.region"() ({
        %run_scoped3A = tpu.sem_alloc : memref<!tpu.dma_semaphore, #tpu.memory_space<semaphore_mem>>
        %dma_start3A_309 = arith.constant 0 : i32
        %dma_start3A_310 = tpu.memref_slice %arg2[%add3A_25, %dma_start3A_309] : memref<512x50272xf32, #tpu.memory_space<hbm>> -> memref<1x50272xf32, #tpu.memory_space<hbm>>
        %dma_start3A_311 = tpu.memref_squeeze %dma_start3A_310 : memref<1x50272xf32, #tpu.memory_space<hbm>> -> memref<50272xf32, #tpu.memory_space<hbm>>
        %dma_start3A_312 = arith.constant 0 : i32
        %dma_start3A_313 = tpu.memref_slice %arg2[%add3A_25, %dma_start3A_312] : memref<512x50272xf32, #tpu.memory_space<hbm>> -> memref<1x50272xf32, #tpu.memory_space<hbm>>
        %dma_start3A_314 = tpu.memref_squeeze %dma_start3A_313 : memref<1x50272xf32, #tpu.memory_space<hbm>> -> memref<50272xf32, #tpu.memory_space<hbm>>
        tpu.enqueue_dma source(%dma_start3A_314 : memref<50272xf32, #tpu.memory_space<hbm>>) target(%arg9 : memref<50272xf32, #tpu.memory_space<vmem>>) target_semaphore(%run_scoped3A : memref<!tpu.dma_semaphore, #tpu.memory_space<semaphore_mem>>)
        %dma_wait3A_315 = arith.constant 0 : i32
        %dma_wait3A_316 = tpu.memref_slice %arg2[%add3A_25, %dma_wait3A_315] : memref<512x50272xf32, #tpu.memory_space<hbm>> -> memref<1x50272xf32, #tpu.memory_space<hbm>>
        %dma_wait3A_317 = tpu.memref_squeeze %dma_wait3A_316 : memref<1x50272xf32, #tpu.memory_space<hbm>> -> memref<50272xf32, #tpu.memory_space<hbm>>
        %dma_wait3A_318 = arith.constant 0 : i32
        %dma_wait3A_319 = tpu.memref_slice %arg2[%add3A_25, %dma_wait3A_318] : memref<512x50272xf32, #tpu.memory_space<hbm>> -> memref<1x50272xf32, #tpu.memory_space<hbm>>
        %dma_wait3A_320 = tpu.memref_squeeze %dma_wait3A_319 : memref<1x50272xf32, #tpu.memory_space<hbm>> -> memref<50272xf32, #tpu.memory_space<hbm>>
        tpu.wait_dma2 semaphore(%run_scoped3A : memref<!tpu.dma_semaphore, #tpu.memory_space<semaphore_mem>>) src(%dma_wait3A_320 : memref<50272xf32, #tpu.memory_space<hbm>>) dst(%arg9 : memref<50272xf32, #tpu.memory_space<vmem>>)
        tpu.yield
      }) : () -> ()
      "tpu.region"() ({
        %run_scoped3A = tpu.sem_alloc : memref<!tpu.dma_semaphore, #tpu.memory_space<semaphore_mem>>
        %dma_start3A_309 = arith.constant 0 : i32
        %dma_start3A_310 = tpu.memref_slice %arg5[%add3A_25, %dma_start3A_309] : memref<512x80xf32, #tpu.memory_space<hbm>> -> memref<1x80xf32, #tpu.memory_space<hbm>>
        %dma_start3A_311 = tpu.memref_squeeze %dma_start3A_310 : memref<1x80xf32, #tpu.memory_space<hbm>> -> memref<80xf32, #tpu.memory_space<hbm>>
        %dma_start3A_312 = arith.constant 0 : i32
        %dma_start3A_313 = tpu.memref_slice %arg5[%add3A_25, %dma_start3A_312] : memref<512x80xf32, #tpu.memory_space<hbm>> -> memref<1x80xf32, #tpu.memory_space<hbm>>
        %dma_start3A_314 = tpu.memref_squeeze %dma_start3A_313 : memref<1x80xf32, #tpu.memory_space<hbm>> -> memref<80xf32, #tpu.memory_space<hbm>>
        tpu.enqueue_dma source(%dma_start3A_314 : memref<80xf32, #tpu.memory_space<hbm>>) target(%arg15 : memref<80xf32, #tpu.memory_space<vmem>>) target_semaphore(%run_scoped3A : memref<!tpu.dma_semaphore, #tpu.memory_space<semaphore_mem>>)
        %dma_wait3A_315 = arith.constant 0 : i32
        %dma_wait3A_316 = tpu.memref_slice %arg5[%add3A_25, %dma_wait3A_315] : memref<512x80xf32, #tpu.memory_space<hbm>> -> memref<1x80xf32, #tpu.memory_space<hbm>>
        %dma_wait3A_317 = tpu.memref_squeeze %dma_wait3A_316 : memref<1x80xf32, #tpu.memory_space<hbm>> -> memref<80xf32, #tpu.memory_space<hbm>>
        %dma_wait3A_318 = arith.constant 0 : i32
        %dma_wait3A_319 = tpu.memref_slice %arg5[%add3A_25, %dma_wait3A_318] : memref<512x80xf32, #tpu.memory_space<hbm>> -> memref<1x80xf32, #tpu.memory_space<hbm>>
        %dma_wait3A_320 = tpu.memref_squeeze %dma_wait3A_319 : memref<1x80xf32, #tpu.memory_space<hbm>> -> memref<80xf32, #tpu.memory_space<hbm>>
        tpu.wait_dma2 semaphore(%run_scoped3A : memref<!tpu.dma_semaphore, #tpu.memory_space<semaphore_mem>>) src(%dma_wait3A_320 : memref<80xf32, #tpu.memory_space<hbm>>) dst(%arg15 : memref<80xf32, #tpu.memory_space<vmem>>)
        tpu.yield
      }) : () -> ()
      %parallel_loop3A = arith.constant 0 : i32
      %parallel_loop3A_26 = arith.constant 1024 : i32
      %parallel_loop3A_27 = arith.constant 1 : i32
      scf.for %parallel_loop3A_309 = %parallel_loop3A to %parallel_loop3A_26 step %parallel_loop3A_27  : i32 {
        %parallel_loop3A_310 = arith.constant 16 : i32
        %parallel_loop3A_311 = arith.muli %parallel_loop3A_309, %parallel_loop3A_310 : i32
        %parallel_loop3A_312 = arith.index_cast %parallel_loop3A_311 : i32 to index
        %parallel_loop3A_313 = tpu.vector_load %arg10[%parallel_loop3A_312] {strides = array<i32>} : memref<16384xi32, #tpu.memory_space<vmem>>, vector<16xi32>,
        tpu.vector_store %arg10[%parallel_loop3A_312], %broadcast_in_dim3A_7 {strides = array<i32>} : memref<16384xi32, #tpu.memory_space<vmem>>, vector<16xi32>,
      } {sc.loop_unroll_factor = 8 : i64, sc.parallel_access}
      %swap3A_28 = arith.constant 0 : index
      %swap3A_29 = tpu.vector_load %arg11[%swap3A_28] {strides = array<i32>} : memref<96xi32, #tpu.memory_space<vmem>>, vector<16xi32>,
      tpu.vector_store %arg11[%swap3A_28], %broadcast_in_dim3A_7 {strides = array<i32>} : memref<96xi32, #tpu.memory_space<vmem>>, vector<16xi32>,
      %swap3A_30 = arith.constant 0 : index
      %swap3A_31 = tpu.vector_load %arg12[%swap3A_30] {strides = array<i32>} : memref<96xi32, #tpu.memory_space<vmem>>, vector<16xi32>,
      tpu.vector_store %arg12[%swap3A_30], %broadcast_in_dim3A_7 {strides = array<i32>} : memref<96xi32, #tpu.memory_space<vmem>>, vector<16xi32>,
      %swap3A_32 = arith.constant 16 : index
      %swap3A_33 = tpu.vector_load %arg11[%swap3A_32] {strides = array<i32>} : memref<96xi32, #tpu.memory_space<vmem>>, vector<16xi32>,
      tpu.vector_store %arg11[%swap3A_32], %broadcast_in_dim3A_7 {strides = array<i32>} : memref<96xi32, #tpu.memory_space<vmem>>, vector<16xi32>,
      %swap3A_34 = arith.constant 16 : index
      %swap3A_35 = tpu.vector_load %arg12[%swap3A_34] {strides = array<i32>} : memref<96xi32, #tpu.memory_space<vmem>>, vector<16xi32>,
      tpu.vector_store %arg12[%swap3A_34], %broadcast_in_dim3A_7 {strides = array<i32>} : memref<96xi32, #tpu.memory_space<vmem>>, vector<16xi32>,
      %swap3A_36 = arith.constant 32 : index
      %swap3A_37 = tpu.vector_load %arg11[%swap3A_36] {strides = array<i32>} : memref<96xi32, #tpu.memory_space<vmem>>, vector<16xi32>,
      tpu.vector_store %arg11[%swap3A_36], %broadcast_in_dim3A_7 {strides = array<i32>} : memref<96xi32, #tpu.memory_space<vmem>>, vector<16xi32>,
      %swap3A_38 = arith.constant 32 : index
      %swap3A_39 = tpu.vector_load %arg12[%swap3A_38] {strides = array<i32>} : memref<96xi32, #tpu.memory_space<vmem>>, vector<16xi32>,
      tpu.vector_store %arg12[%swap3A_38], %broadcast_in_dim3A_7 {strides = array<i32>} : memref<96xi32, #tpu.memory_space<vmem>>, vector<16xi32>,
      %swap3A_40 = arith.constant 48 : index
      %swap3A_41 = tpu.vector_load %arg11[%swap3A_40] {strides = array<i32>} : memref<96xi32, #tpu.memory_space<vmem>>, vector<16xi32>,
      tpu.vector_store %arg11[%swap3A_40], %broadcast_in_dim3A_7 {strides = array<i32>} : memref<96xi32, #tpu.memory_space<vmem>>, vector<16xi32>,
      %swap3A_42 = arith.constant 48 : index
      %swap3A_43 = tpu.vector_load %arg12[%swap3A_42] {strides = array<i32>} : memref<96xi32, #tpu.memory_space<vmem>>, vector<16xi32>,
      tpu.vector_store %arg12[%swap3A_42], %broadcast_in_dim3A_7 {strides = array<i32>} : memref<96xi32, #tpu.memory_space<vmem>>, vector<16xi32>,
      %parallel_loop3A_44 = arith.constant 0 : i32
      %parallel_loop3A_45 = arith.constant 3142 : i32
      %parallel_loop3A_46 = arith.constant 1 : i32
      scf.for %parallel_loop3A_309 = %parallel_loop3A_44 to %parallel_loop3A_45 step %parallel_loop3A_46  : i32 {
        %parallel_loop3A_310 = arith.constant 16 : i32
        %parallel_loop3A_311 = arith.muli %parallel_loop3A_309, %parallel_loop3A_310 : i32
        %parallel_loop3A_312 = arith.index_cast %parallel_loop3A_311 : i32 to index
        %parallel_loop3A_313 = tpu.vector_load %arg9[%parallel_loop3A_312] {strides = array<i32>} : memref<50272xf32, #tpu.memory_space<vmem>>, vector<16xf32>,
        %parallel_loop3A_314 = tpu.bitcast %parallel_loop3A_313 : vector<16xf32> -> vector<16xi32>
        %parallel_loop3A_315 = arith.constant 31 : i32
        %parallel_loop3A_316 = vector.broadcast %parallel_loop3A_315 : i32 to vector<16xi32>
        %parallel_loop3A_317 = arith.shrsi %parallel_loop3A_314, %parallel_loop3A_316 : vector<16xi32>
        %parallel_loop3A_318 = arith.constant 2147483647 : i32
        %parallel_loop3A_319 = vector.broadcast %parallel_loop3A_318 : i32 to vector<16xi32>
        %parallel_loop3A_320 = arith.andi %parallel_loop3A_317, %parallel_loop3A_319 : vector<16xi32>
        %parallel_loop3A_321 = arith.xori %parallel_loop3A_314, %parallel_loop3A_320 : vector<16xi32>
        %parallel_loop3A_322 = tpu.bitcast %parallel_loop3A_321 : vector<16xi32> -> vector<16xf32>
        %parallel_loop3A_323 = arith.constant 16 : i32
        %parallel_loop3A_324 = arith.muli %parallel_loop3A_309, %parallel_loop3A_323 : i32
        %parallel_loop3A_325 = arith.index_cast %parallel_loop3A_324 : i32 to index
        %parallel_loop3A_326 = tpu.vector_load %arg9[%parallel_loop3A_325] {strides = array<i32>} : memref<50272xf32, #tpu.memory_space<vmem>>, vector<16xf32>,
        tpu.vector_store %arg9[%parallel_loop3A_325], %parallel_loop3A_322 {strides = array<i32>} : memref<50272xf32, #tpu.memory_space<vmem>>, vector<16xf32>,
        %parallel_loop3A_327 = arith.constant 24 : i32
        %parallel_loop3A_328 = vector.broadcast %parallel_loop3A_327 : i32 to vector<16xi32>
        %parallel_loop3A_329 = arith.shrsi %parallel_loop3A_321, %parallel_loop3A_328 : vector<16xi32>
        %parallel_loop3A_330 = arith.constant 128 : i32
        %parallel_loop3A_331 = vector.broadcast %parallel_loop3A_330 : i32 to vector<16xi32>
        %parallel_loop3A_332 = arith.addi %parallel_loop3A_329, %parallel_loop3A_331 : vector<16xi32>
        %parallel_loop3A_333 = arith.constant 4 : i32
        %parallel_loop3A_334 = vector.broadcast %parallel_loop3A_333 : i32 to vector<16xi32>
        %parallel_loop3A_335 = arith.shli %parallel_loop3A_332, %parallel_loop3A_334 : vector<16xi32>
        %parallel_loop3A_336 = arith.addi %parallel_loop3A_335, %iota3A : vector<16xi32>
        tpu.vector_store_idx %arg10[%parallel_loop3A_336], %broadcast_in_dim3A_3 {add = true} : memref<16384xi32, #tpu.memory_space<vmem>>[vector<16xi32>], vector<16xi32>,
      } {sc.loop_unroll_factor = 4 : i64, sc.parallel_access}
      %broadcast_in_dim3A_47 = arith.constant 50 : i32
      %broadcast_in_dim3A_48 = vector.broadcast %broadcast_in_dim3A_47 : i32 to vector<16xi32>
      %iota3A_49 = tpu.iota {dimensions = array<i32: 0>} : vector<16xi32>
      %broadcast_in_dim3A_50 = arith.constant 0 : i32
      %broadcast_in_dim3A_51 = vector.broadcast %broadcast_in_dim3A_50 : i32 to vector<16xi32>
      %broadcast_in_dim3A_52 = arith.constant false
      %broadcast_in_dim3A_53 = vector.broadcast %broadcast_in_dim3A_52 : i1 to vector<16xi1>
      %scan3A_54 = arith.constant 0 : i32
      %scan3A_55 = arith.constant 16 : i32
      %scan3A_56 = arith.addi %scan3A_54, %scan3A_55 : i32
      %scan3A_57 = arith.constant 1 : i32
      %scan3A_58:4 = scf.for %scan3A_309 = %scan3A_54 to %scan3A_56 step %scan3A_57 iter_args(%scan3A_310 = %broadcast_in_dim3A_51, %scan3A_311 = %broadcast_in_dim3A_53, %scan3A_312 = %broadcast_in_dim3A_51, %scan3A_313 = %broadcast_in_dim3A_51) -> (vector<16xi32>, vector<16xi1>, vector<16xi32>, vector<16xi32>)  : i32 {
        %sub3A_314 = arith.constant 15 : i32
        %sub3A_315 = arith.subi %sub3A_314, %scan3A_309 : i32
        %mul3A_316 = arith.constant 16 : i32
        %mul3A_317 = arith.muli %sub3A_315, %mul3A_316 : i32
        %broadcast_in_dim3A_318 = vector.broadcast %mul3A_317 : i32 to vector<16xi32>
        %add3A_319 = arith.addi %broadcast_in_dim3A_318, %iota3A_49 : vector<16xi32>
        %shift_left3A = arith.constant 4 : i32
        %shift_left3A_320 = vector.broadcast %shift_left3A : i32 to vector<16xi32>
        %shift_left3A_321 = arith.shli %add3A_319, %shift_left3A_320 : vector<16xi32>
        %broadcast_in_dim3A_322 = arith.constant 0 : i32
        %broadcast_in_dim3A_323 = vector.broadcast %broadcast_in_dim3A_322 : i32 to vector<16xi32>
        %add3A_324 = arith.addi %shift_left3A_321, %broadcast_in_dim3A_323 : vector<16xi32>
        %gather3A_325 = tpu.vector_load_idx %arg10[%add3A_324] : memref<16384xi32, #tpu.memory_space<vmem>>[vector<16xi32>], vector<16xi32>,
        %add3A_326 = arith.addi %broadcast_in_dim3A_51, %gather3A_325 : vector<16xi32>
        %broadcast_in_dim3A_327 = arith.constant 1 : i32
        %broadcast_in_dim3A_328 = vector.broadcast %broadcast_in_dim3A_327 : i32 to vector<16xi32>
        %add3A_329 = arith.addi %shift_left3A_321, %broadcast_in_dim3A_328 : vector<16xi32>
        %gather3A_330 = tpu.vector_load_idx %arg10[%add3A_329] : memref<16384xi32, #tpu.memory_space<vmem>>[vector<16xi32>], vector<16xi32>,
        %add3A_331 = arith.addi %add3A_326, %gather3A_330 : vector<16xi32>
        %broadcast_in_dim3A_332 = arith.constant 2 : i32
        %broadcast_in_dim3A_333 = vector.broadcast %broadcast_in_dim3A_332 : i32 to vector<16xi32>
        %add3A_334 = arith.addi %shift_left3A_321, %broadcast_in_dim3A_333 : vector<16xi32>
        %gather3A_335 = tpu.vector_load_idx %arg10[%add3A_334] : memref<16384xi32, #tpu.memory_space<vmem>>[vector<16xi32>], vector<16xi32>,
        %add3A_336 = arith.addi %add3A_331, %gather3A_335 : vector<16xi32>
        %broadcast_in_dim3A_337 = arith.constant 3 : i32
        %broadcast_in_dim3A_338 = vector.broadcast %broadcast_in_dim3A_337 : i32 to vector<16xi32>
        %add3A_339 = arith.addi %shift_left3A_321, %broadcast_in_dim3A_338 : vector<16xi32>
        %gather3A_340 = tpu.vector_load_idx %arg10[%add3A_339] : memref<16384xi32, #tpu.memory_space<vmem>>[vector<16xi32>], vector<16xi32>,
        %add3A_341 = arith.addi %add3A_336, %gather3A_340 : vector<16xi32>
        %broadcast_in_dim3A_342 = arith.constant 4 : i32
        %broadcast_in_dim3A_343 = vector.broadcast %broadcast_in_dim3A_342 : i32 to vector<16xi32>
        %add3A_344 = arith.addi %shift_left3A_321, %broadcast_in_dim3A_343 : vector<16xi32>
        %gather3A_345 = tpu.vector_load_idx %arg10[%add3A_344] : memref<16384xi32, #tpu.memory_space<vmem>>[vector<16xi32>], vector<16xi32>,
        %add3A_346 = arith.addi %add3A_341, %gather3A_345 : vector<16xi32>
        %broadcast_in_dim3A_347 = arith.constant 5 : i32
        %broadcast_in_dim3A_348 = vector.broadcast %broadcast_in_dim3A_347 : i32 to vector<16xi32>
        %add3A_349 = arith.addi %shift_left3A_321, %broadcast_in_dim3A_348 : vector<16xi32>
        %gather3A_350 = tpu.vector_load_idx %arg10[%add3A_349] : memref<16384xi32, #tpu.memory_space<vmem>>[vector<16xi32>], vector<16xi32>,
        %add3A_351 = arith.addi %add3A_346, %gather3A_350 : vector<16xi32>
        %broadcast_in_dim3A_352 = arith.constant 6 : i32
        %broadcast_in_dim3A_353 = vector.broadcast %broadcast_in_dim3A_352 : i32 to vector<16xi32>
        %add3A_354 = arith.addi %shift_left3A_321, %broadcast_in_dim3A_353 : vector<16xi32>
        %gather3A_355 = tpu.vector_load_idx %arg10[%add3A_354] : memref<16384xi32, #tpu.memory_space<vmem>>[vector<16xi32>], vector<16xi32>,
        %add3A_356 = arith.addi %add3A_351, %gather3A_355 : vector<16xi32>
        %broadcast_in_dim3A_357 = arith.constant 7 : i32
        %broadcast_in_dim3A_358 = vector.broadcast %broadcast_in_dim3A_357 : i32 to vector<16xi32>
        %add3A_359 = arith.addi %shift_left3A_321, %broadcast_in_dim3A_358 : vector<16xi32>
        %gather3A_360 = tpu.vector_load_idx %arg10[%add3A_359] : memref<16384xi32, #tpu.memory_space<vmem>>[vector<16xi32>], vector<16xi32>,
        %add3A_361 = arith.addi %add3A_356, %gather3A_360 : vector<16xi32>
        %broadcast_in_dim3A_362 = arith.constant 8 : i32
        %broadcast_in_dim3A_363 = vector.broadcast %broadcast_in_dim3A_362 : i32 to vector<16xi32>
        %add3A_364 = arith.addi %shift_left3A_321, %broadcast_in_dim3A_363 : vector<16xi32>
        %gather3A_365 = tpu.vector_load_idx %arg10[%add3A_364] : memref<16384xi32, #tpu.memory_space<vmem>>[vector<16xi32>], vector<16xi32>,
        %add3A_366 = arith.addi %add3A_361, %gather3A_365 : vector<16xi32>
        %broadcast_in_dim3A_367 = arith.constant 9 : i32
        %broadcast_in_dim3A_368 = vector.broadcast %broadcast_in_dim3A_367 : i32 to vector<16xi32>
        %add3A_369 = arith.addi %shift_left3A_321, %broadcast_in_dim3A_368 : vector<16xi32>
        %gather3A_370 = tpu.vector_load_idx %arg10[%add3A_369] : memref<16384xi32, #tpu.memory_space<vmem>>[vector<16xi32>], vector<16xi32>,
        %add3A_371 = arith.addi %add3A_366, %gather3A_370 : vector<16xi32>
        %broadcast_in_dim3A_372 = arith.constant 10 : i32
        %broadcast_in_dim3A_373 = vector.broadcast %broadcast_in_dim3A_372 : i32 to vector<16xi32>
        %add3A_374 = arith.addi %shift_left3A_321, %broadcast_in_dim3A_373 : vector<16xi32>
        %gather3A_375 = tpu.vector_load_idx %arg10[%add3A_374] : memref<16384xi32, #tpu.memory_space<vmem>>[vector<16xi32>], vector<16xi32>,
        %add3A_376 = arith.addi %add3A_371, %gather3A_375 : vector<16xi32>
        %broadcast_in_dim3A_377 = arith.constant 11 : i32
        %broadcast_in_dim3A_378 = vector.broadcast %broadcast_in_dim3A_377 : i32 to vector<16xi32>
        %add3A_379 = arith.addi %shift_left3A_321, %broadcast_in_dim3A_378 : vector<16xi32>
        %gather3A_380 = tpu.vector_load_idx %arg10[%add3A_379] : memref<16384xi32, #tpu.memory_space<vmem>>[vector<16xi32>], vector<16xi32>,
        %add3A_381 = arith.addi %add3A_376, %gather3A_380 : vector<16xi32>
        %broadcast_in_dim3A_382 = arith.constant 12 : i32
        %broadcast_in_dim3A_383 = vector.broadcast %broadcast_in_dim3A_382 : i32 to vector<16xi32>
        %add3A_384 = arith.addi %shift_left3A_321, %broadcast_in_dim3A_383 : vector<16xi32>
        %gather3A_385 = tpu.vector_load_idx %arg10[%add3A_384] : memref<16384xi32, #tpu.memory_space<vmem>>[vector<16xi32>], vector<16xi32>,
        %add3A_386 = arith.addi %add3A_381, %gather3A_385 : vector<16xi32>
        %broadcast_in_dim3A_387 = arith.constant 13 : i32
        %broadcast_in_dim3A_388 = vector.broadcast %broadcast_in_dim3A_387 : i32 to vector<16xi32>
        %add3A_389 = arith.addi %shift_left3A_321, %broadcast_in_dim3A_388 : vector<16xi32>
        %gather3A_390 = tpu.vector_load_idx %arg10[%add3A_389] : memref<16384xi32, #tpu.memory_space<vmem>>[vector<16xi32>], vector<16xi32>,
        %add3A_391 = arith.addi %add3A_386, %gather3A_390 : vector<16xi32>
        %broadcast_in_dim3A_392 = arith.constant 14 : i32
        %broadcast_in_dim3A_393 = vector.broadcast %broadcast_in_dim3A_392 : i32 to vector<16xi32>
        %add3A_394 = arith.addi %shift_left3A_321, %broadcast_in_dim3A_393 : vector<16xi32>
        %gather3A_395 = tpu.vector_load_idx %arg10[%add3A_394] : memref<16384xi32, #tpu.memory_space<vmem>>[vector<16xi32>], vector<16xi32>,
        %add3A_396 = arith.addi %add3A_391, %gather3A_395 : vector<16xi32>
        %broadcast_in_dim3A_397 = arith.constant 15 : i32
        %broadcast_in_dim3A_398 = vector.broadcast %broadcast_in_dim3A_397 : i32 to vector<16xi32>
        %add3A_399 = arith.addi %shift_left3A_321, %broadcast_in_dim3A_398 : vector<16xi32>
        %gather3A_400 = tpu.vector_load_idx %arg10[%add3A_399] : memref<16384xi32, #tpu.memory_space<vmem>>[vector<16xi32>], vector<16xi32>,
        %add3A_401 = arith.addi %add3A_396, %gather3A_400 : vector<16xi32>
        %rev3A = arith.constant 15 : i32
        %rev3A_402 = vector.broadcast %rev3A : i32 to vector<16xi32>
        %rev3A_403 = tpu.iota {dimensions = array<i32: 0>} : vector<16xi32>
        %rev3A_404 = arith.subi %rev3A_402, %rev3A_403 : vector<16xi32>
        %rev3A_405 = tpu.dynamic_gather %add3A_401[%rev3A_404] in [0] : vector<16xi32>, vector<16xi32> -> vector<16xi32>
        %broadcast_in_dim3A_406 = arith.constant true
        %broadcast_in_dim3A_407 = vector.broadcast %broadcast_in_dim3A_406 : i1 to vector<16xi1>
        %masked_cumsum3A = tpu.scan <sum>, %rev3A_405 masked %broadcast_in_dim3A_407 : vector<16xi32>, vector<16xi1> -> vector<16xi32>
        %add3A_408 = arith.addi %masked_cumsum3A, %scan3A_310 : vector<16xi32>
        %ge3A = arith.cmpi sge, %add3A_408, %broadcast_in_dim3A_48 : vector<16xi32>
        %reduce_or3A = arith.constant 1.000000e+00 : f32
        %reduce_or3A_409 = arith.constant 0.000000e+00 : f32
        %reduce_or3A_410 = vector.broadcast %reduce_or3A : f32 to vector<16xf32>
        %reduce_or3A_411 = vector.broadcast %reduce_or3A_409 : f32 to vector<16xf32>
        %reduce_or3A_412 = arith.select %ge3A, %reduce_or3A_410, %reduce_or3A_411 : vector<16xi1>, vector<16xf32>
        %reduce_or3A_413 = arith.constant true
        %reduce_or3A_414 = vector.broadcast %reduce_or3A_413 : i1 to vector<16xi1>
        %reduce_or3A_415 = tpu.scan <max>, %reduce_or3A_412 masked %reduce_or3A_414 : vector<16xf32>, vector<16xi1> -> vector<16xf32>
        %reduce_or3A_416 = vector.extract %reduce_or3A_415[15] : f32 from vector<16xf32>
        %reduce_or3A_417 = arith.constant 0.000000e+00 : f32
        %reduce_or3A_418 = arith.cmpf ogt, %reduce_or3A_416, %reduce_or3A_417 : f32
        %all_reduce_ffs3A = tpu.all_reduce %ge3A {dim = 0 : i64, kind = #tpu.reduction_kind<find_first_set>} : vector<16xi1> -> vector<16xi32>
        %mul3A_419 = arith.constant 16 : i32
        %mul3A_420 = arith.muli %sub3A_315, %mul3A_419 : i32
        %add3A_421 = arith.constant 15 : i32
        %add3A_422 = arith.addi %mul3A_420, %add3A_421 : i32
        %broadcast_in_dim3A_423 = vector.broadcast %add3A_422 : i32 to vector<16xi32>
        %sub3A_424 = arith.subi %broadcast_in_dim3A_423, %all_reduce_ffs3A : vector<16xi32>
        %lt3A_425 = arith.cmpi slt, %iota3A_49, %all_reduce_ffs3A : vector<16xi32>
        %select_n3A_426 = arith.select %lt3A_425, %rev3A_405, %broadcast_in_dim3A_51 : vector<16xi1>, vector<16xi32>
        %reduce_sum3A_427 = arith.constant true
        %reduce_sum3A_428 = vector.broadcast %reduce_sum3A_427 : i1 to vector<16xi1>
        %reduce_sum3A_429 = tpu.scan <sum>, %select_n3A_426 masked %reduce_sum3A_428 : vector<16xi32>, vector<16xi1> -> vector<16xi32>
        %reduce_sum3A_430 = vector.extract %reduce_sum3A_429[15] : i32 from vector<16xi32>
        %broadcast_in_dim3A_431 = vector.broadcast %reduce_sum3A_430 : i32 to vector<16xi32>
        %add3A_432 = arith.addi %scan3A_310, %broadcast_in_dim3A_431 : vector<16xi32>
        %not3A = arith.constant dense<true> : vector<16xi1>
        %not3A_433 = arith.xori %scan3A_311, %not3A : vector<16xi1>
        %and3A = vector.broadcast %reduce_or3A_418 : i1 to vector<16xi1>
        %and3A_434 = arith.andi %and3A, %not3A_433 : vector<16xi1>
        %select_n3A_435 = arith.select %and3A_434, %sub3A_424, %scan3A_312 : vector<16xi1>, vector<16xi32>
        %select_n3A_436 = arith.select %and3A_434, %add3A_432, %scan3A_313 : vector<16xi1>, vector<16xi32>
        %or3A = vector.broadcast %reduce_or3A_418 : i1 to vector<16xi1>
        %or3A_437 = arith.ori %scan3A_311, %or3A : vector<16xi1>
        %reduce_sum3A_438 = arith.constant true
        %reduce_sum3A_439 = vector.broadcast %reduce_sum3A_438 : i1 to vector<16xi1>
        %reduce_sum3A_440 = tpu.scan <sum>, %add3A_401 masked %reduce_sum3A_439 : vector<16xi32>, vector<16xi1> -> vector<16xi32>
        %reduce_sum3A_441 = vector.extract %reduce_sum3A_440[15] : i32 from vector<16xi32>
        %broadcast_in_dim3A_442 = vector.broadcast %reduce_sum3A_441 : i32 to vector<16xi32>
        %add3A_443 = arith.addi %scan3A_310, %broadcast_in_dim3A_442 : vector<16xi32>
        scf.yield %add3A_443, %or3A_437, %select_n3A_435, %select_n3A_436 : vector<16xi32>, vector<16xi1>, vector<16xi32>, vector<16xi32>
      }
      %scan3A_59 = arith.constant 16 : i32
      %sub3A = arith.subi %broadcast_in_dim3A_48, %scan3A_58#3 : vector<16xi32>
      %sub3A_60 = arith.constant 128 : i32
      %sub3A_61 = vector.broadcast %sub3A_60 : i32 to vector<16xi32>
      %sub3A_62 = arith.subi %scan3A_58#2, %sub3A_61 : vector<16xi32>
      %parallel_loop3A_63 = arith.constant 0 : i32
      %parallel_loop3A_64 = arith.constant 3142 : i32
      %parallel_loop3A_65 = arith.constant 1 : i32
      scf.for %parallel_loop3A_309 = %parallel_loop3A_63 to %parallel_loop3A_64 step %parallel_loop3A_65  : i32 {
        %parallel_loop3A_310 = arith.constant 16 : i32
        %parallel_loop3A_311 = arith.muli %parallel_loop3A_309, %parallel_loop3A_310 : i32
        %parallel_loop3A_312 = arith.index_cast %parallel_loop3A_311 : i32 to index
        %parallel_loop3A_313 = tpu.vector_load %arg9[%parallel_loop3A_312] {strides = array<i32>} : memref<50272xf32, #tpu.memory_space<vmem>>, vector<16xf32>,
        %parallel_loop3A_314 = tpu.bitcast %parallel_loop3A_313 : vector<16xf32> -> vector<16xi32>
        %parallel_loop3A_315 = arith.constant 24 : i32
        %parallel_loop3A_316 = vector.broadcast %parallel_loop3A_315 : i32 to vector<16xi32>
        %parallel_loop3A_317 = arith.shrsi %parallel_loop3A_314, %parallel_loop3A_316 : vector<16xi32>
        %parallel_loop3A_318 = arith.cmpi eq, %parallel_loop3A_317, %sub3A_62 : vector<16xi32>
        %parallel_loop3A_319 = arith.constant 16 : i32
        %parallel_loop3A_320 = vector.broadcast %parallel_loop3A_319 : i32 to vector<16xi32>
        %parallel_loop3A_321 = arith.shrsi %parallel_loop3A_314, %parallel_loop3A_320 : vector<16xi32>
        %parallel_loop3A_322 = arith.constant 255 : i32
        %parallel_loop3A_323 = vector.broadcast %parallel_loop3A_322 : i32 to vector<16xi32>
        %parallel_loop3A_324 = arith.andi %parallel_loop3A_321, %parallel_loop3A_323 : vector<16xi32>
        %parallel_loop3A_325 = arith.constant 4 : i32
        %parallel_loop3A_326 = vector.broadcast %parallel_loop3A_325 : i32 to vector<16xi32>
        %parallel_loop3A_327 = arith.shli %parallel_loop3A_324, %parallel_loop3A_326 : vector<16xi32>
        %parallel_loop3A_328 = arith.constant 4096 : i32
        %parallel_loop3A_329 = vector.broadcast %parallel_loop3A_328 : i32 to vector<16xi32>
        %parallel_loop3A_330 = arith.addi %parallel_loop3A_329, %parallel_loop3A_327 : vector<16xi32>
        %parallel_loop3A_331 = arith.addi %parallel_loop3A_330, %iota3A : vector<16xi32>
        tpu.vector_store_idx %arg10[%parallel_loop3A_331], %broadcast_in_dim3A_3 masked %parallel_loop3A_318 {add = true} : memref<16384xi32, #tpu.memory_space<vmem>>[vector<16xi32>], vector<16xi32>, vector<16xi1>
      } {sc.loop_unroll_factor = 4 : i64, sc.parallel_access}
      %iota3A_66 = tpu.iota {dimensions = array<i32: 0>} : vector<16xi32>
      %broadcast_in_dim3A_67 = arith.constant 0 : i32
      %broadcast_in_dim3A_68 = vector.broadcast %broadcast_in_dim3A_67 : i32 to vector<16xi32>
      %broadcast_in_dim3A_69 = arith.constant false
      %broadcast_in_dim3A_70 = vector.broadcast %broadcast_in_dim3A_69 : i1 to vector<16xi1>
      %scan3A_71 = arith.constant 0 : i32
      %scan3A_72 = arith.constant 16 : i32
      %scan3A_73 = arith.addi %scan3A_71, %scan3A_72 : i32
      %scan3A_74 = arith.constant 1 : i32
      %scan3A_75:4 = scf.for %scan3A_309 = %scan3A_71 to %scan3A_73 step %scan3A_74 iter_args(%scan3A_310 = %broadcast_in_dim3A_68, %scan3A_311 = %broadcast_in_dim3A_70, %scan3A_312 = %broadcast_in_dim3A_68, %scan3A_313 = %broadcast_in_dim3A_68) -> (vector<16xi32>, vector<16xi1>, vector<16xi32>, vector<16xi32>)  : i32 {
        %sub3A_314 = arith.constant 15 : i32
        %sub3A_315 = arith.subi %sub3A_314, %scan3A_309 : i32
        %mul3A_316 = arith.constant 16 : i32
        %mul3A_317 = arith.muli %sub3A_315, %mul3A_316 : i32
        %broadcast_in_dim3A_318 = vector.broadcast %mul3A_317 : i32 to vector<16xi32>
        %add3A_319 = arith.addi %broadcast_in_dim3A_318, %iota3A_66 : vector<16xi32>
        %shift_left3A = arith.constant 4 : i32
        %shift_left3A_320 = vector.broadcast %shift_left3A : i32 to vector<16xi32>
        %shift_left3A_321 = arith.shli %add3A_319, %shift_left3A_320 : vector<16xi32>
        %broadcast_in_dim3A_322 = arith.constant 4096 : i32
        %broadcast_in_dim3A_323 = vector.broadcast %broadcast_in_dim3A_322 : i32 to vector<16xi32>
        %add3A_324 = arith.addi %shift_left3A_321, %broadcast_in_dim3A_323 : vector<16xi32>
        %gather3A_325 = tpu.vector_load_idx %arg10[%add3A_324] : memref<16384xi32, #tpu.memory_space<vmem>>[vector<16xi32>], vector<16xi32>,
        %add3A_326 = arith.addi %broadcast_in_dim3A_68, %gather3A_325 : vector<16xi32>
        %broadcast_in_dim3A_327 = arith.constant 4097 : i32
        %broadcast_in_dim3A_328 = vector.broadcast %broadcast_in_dim3A_327 : i32 to vector<16xi32>
        %add3A_329 = arith.addi %shift_left3A_321, %broadcast_in_dim3A_328 : vector<16xi32>
        %gather3A_330 = tpu.vector_load_idx %arg10[%add3A_329] : memref<16384xi32, #tpu.memory_space<vmem>>[vector<16xi32>], vector<16xi32>,
        %add3A_331 = arith.addi %add3A_326, %gather3A_330 : vector<16xi32>
        %broadcast_in_dim3A_332 = arith.constant 4098 : i32
        %broadcast_in_dim3A_333 = vector.broadcast %broadcast_in_dim3A_332 : i32 to vector<16xi32>
        %add3A_334 = arith.addi %shift_left3A_321, %broadcast_in_dim3A_333 : vector<16xi32>
        %gather3A_335 = tpu.vector_load_idx %arg10[%add3A_334] : memref<16384xi32, #tpu.memory_space<vmem>>[vector<16xi32>], vector<16xi32>,
        %add3A_336 = arith.addi %add3A_331, %gather3A_335 : vector<16xi32>
        %broadcast_in_dim3A_337 = arith.constant 4099 : i32
        %broadcast_in_dim3A_338 = vector.broadcast %broadcast_in_dim3A_337 : i32 to vector<16xi32>
        %add3A_339 = arith.addi %shift_left3A_321, %broadcast_in_dim3A_338 : vector<16xi32>
        %gather3A_340 = tpu.vector_load_idx %arg10[%add3A_339] : memref<16384xi32, #tpu.memory_space<vmem>>[vector<16xi32>], vector<16xi32>,
        %add3A_341 = arith.addi %add3A_336, %gather3A_340 : vector<16xi32>
        %broadcast_in_dim3A_342 = arith.constant 4100 : i32
        %broadcast_in_dim3A_343 = vector.broadcast %broadcast_in_dim3A_342 : i32 to vector<16xi32>
        %add3A_344 = arith.addi %shift_left3A_321, %broadcast_in_dim3A_343 : vector<16xi32>
        %gather3A_345 = tpu.vector_load_idx %arg10[%add3A_344] : memref<16384xi32, #tpu.memory_space<vmem>>[vector<16xi32>], vector<16xi32>,
        %add3A_346 = arith.addi %add3A_341, %gather3A_345 : vector<16xi32>
        %broadcast_in_dim3A_347 = arith.constant 4101 : i32
        %broadcast_in_dim3A_348 = vector.broadcast %broadcast_in_dim3A_347 : i32 to vector<16xi32>
        %add3A_349 = arith.addi %shift_left3A_321, %broadcast_in_dim3A_348 : vector<16xi32>
        %gather3A_350 = tpu.vector_load_idx %arg10[%add3A_349] : memref<16384xi32, #tpu.memory_space<vmem>>[vector<16xi32>], vector<16xi32>,
        %add3A_351 = arith.addi %add3A_346, %gather3A_350 : vector<16xi32>
        %broadcast_in_dim3A_352 = arith.constant 4102 : i32
        %broadcast_in_dim3A_353 = vector.broadcast %broadcast_in_dim3A_352 : i32 to vector<16xi32>
        %add3A_354 = arith.addi %shift_left3A_321, %broadcast_in_dim3A_353 : vector<16xi32>
        %gather3A_355 = tpu.vector_load_idx %arg10[%add3A_354] : memref<16384xi32, #tpu.memory_space<vmem>>[vector<16xi32>], vector<16xi32>,
        %add3A_356 = arith.addi %add3A_351, %gather3A_355 : vector<16xi32>
        %broadcast_in_dim3A_357 = arith.constant 4103 : i32
        %broadcast_in_dim3A_358 = vector.broadcast %broadcast_in_dim3A_357 : i32 to vector<16xi32>
        %add3A_359 = arith.addi %shift_left3A_321, %broadcast_in_dim3A_358 : vector<16xi32>
        %gather3A_360 = tpu.vector_load_idx %arg10[%add3A_359] : memref<16384xi32, #tpu.memory_space<vmem>>[vector<16xi32>], vector<16xi32>,
        %add3A_361 = arith.addi %add3A_356, %gather3A_360 : vector<16xi32>
        %broadcast_in_dim3A_362 = arith.constant 4104 : i32
        %broadcast_in_dim3A_363 = vector.broadcast %broadcast_in_dim3A_362 : i32 to vector<16xi32>
        %add3A_364 = arith.addi %shift_left3A_321, %broadcast_in_dim3A_363 : vector<16xi32>
        %gather3A_365 = tpu.vector_load_idx %arg10[%add3A_364] : memref<16384xi32, #tpu.memory_space<vmem>>[vector<16xi32>], vector<16xi32>,
        %add3A_366 = arith.addi %add3A_361, %gather3A_365 : vector<16xi32>
        %broadcast_in_dim3A_367 = arith.constant 4105 : i32
        %broadcast_in_dim3A_368 = vector.broadcast %broadcast_in_dim3A_367 : i32 to vector<16xi32>
        %add3A_369 = arith.addi %shift_left3A_321, %broadcast_in_dim3A_368 : vector<16xi32>
        %gather3A_370 = tpu.vector_load_idx %arg10[%add3A_369] : memref<16384xi32, #tpu.memory_space<vmem>>[vector<16xi32>], vector<16xi32>,
        %add3A_371 = arith.addi %add3A_366, %gather3A_370 : vector<16xi32>
        %broadcast_in_dim3A_372 = arith.constant 4106 : i32
        %broadcast_in_dim3A_373 = vector.broadcast %broadcast_in_dim3A_372 : i32 to vector<16xi32>
        %add3A_374 = arith.addi %shift_left3A_321, %broadcast_in_dim3A_373 : vector<16xi32>
        %gather3A_375 = tpu.vector_load_idx %arg10[%add3A_374] : memref<16384xi32, #tpu.memory_space<vmem>>[vector<16xi32>], vector<16xi32>,
        %add3A_376 = arith.addi %add3A_371, %gather3A_375 : vector<16xi32>
        %broadcast_in_dim3A_377 = arith.constant 4107 : i32
        %broadcast_in_dim3A_378 = vector.broadcast %broadcast_in_dim3A_377 : i32 to vector<16xi32>
        %add3A_379 = arith.addi %shift_left3A_321, %broadcast_in_dim3A_378 : vector<16xi32>
        %gather3A_380 = tpu.vector_load_idx %arg10[%add3A_379] : memref<16384xi32, #tpu.memory_space<vmem>>[vector<16xi32>], vector<16xi32>,
        %add3A_381 = arith.addi %add3A_376, %gather3A_380 : vector<16xi32>
        %broadcast_in_dim3A_382 = arith.constant 4108 : i32
        %broadcast_in_dim3A_383 = vector.broadcast %broadcast_in_dim3A_382 : i32 to vector<16xi32>
        %add3A_384 = arith.addi %shift_left3A_321, %broadcast_in_dim3A_383 : vector<16xi32>
        %gather3A_385 = tpu.vector_load_idx %arg10[%add3A_384] : memref<16384xi32, #tpu.memory_space<vmem>>[vector<16xi32>], vector<16xi32>,
        %add3A_386 = arith.addi %add3A_381, %gather3A_385 : vector<16xi32>
        %broadcast_in_dim3A_387 = arith.constant 4109 : i32
        %broadcast_in_dim3A_388 = vector.broadcast %broadcast_in_dim3A_387 : i32 to vector<16xi32>
        %add3A_389 = arith.addi %shift_left3A_321, %broadcast_in_dim3A_388 : vector<16xi32>
        %gather3A_390 = tpu.vector_load_idx %arg10[%add3A_389] : memref<16384xi32, #tpu.memory_space<vmem>>[vector<16xi32>], vector<16xi32>,
        %add3A_391 = arith.addi %add3A_386, %gather3A_390 : vector<16xi32>
        %broadcast_in_dim3A_392 = arith.constant 4110 : i32
        %broadcast_in_dim3A_393 = vector.broadcast %broadcast_in_dim3A_392 : i32 to vector<16xi32>
        %add3A_394 = arith.addi %shift_left3A_321, %broadcast_in_dim3A_393 : vector<16xi32>
        %gather3A_395 = tpu.vector_load_idx %arg10[%add3A_394] : memref<16384xi32, #tpu.memory_space<vmem>>[vector<16xi32>], vector<16xi32>,
        %add3A_396 = arith.addi %add3A_391, %gather3A_395 : vector<16xi32>
        %broadcast_in_dim3A_397 = arith.constant 4111 : i32
        %broadcast_in_dim3A_398 = vector.broadcast %broadcast_in_dim3A_397 : i32 to vector<16xi32>
        %add3A_399 = arith.addi %shift_left3A_321, %broadcast_in_dim3A_398 : vector<16xi32>
        %gather3A_400 = tpu.vector_load_idx %arg10[%add3A_399] : memref<16384xi32, #tpu.memory_space<vmem>>[vector<16xi32>], vector<16xi32>,
        %add3A_401 = arith.addi %add3A_396, %gather3A_400 : vector<16xi32>
        %rev3A = arith.constant 15 : i32
        %rev3A_402 = vector.broadcast %rev3A : i32 to vector<16xi32>
        %rev3A_403 = tpu.iota {dimensions = array<i32: 0>} : vector<16xi32>
        %rev3A_404 = arith.subi %rev3A_402, %rev3A_403 : vector<16xi32>
        %rev3A_405 = tpu.dynamic_gather %add3A_401[%rev3A_404] in [0] : vector<16xi32>, vector<16xi32> -> vector<16xi32>
        %broadcast_in_dim3A_406 = arith.constant true
        %broadcast_in_dim3A_407 = vector.broadcast %broadcast_in_dim3A_406 : i1 to vector<16xi1>
        %masked_cumsum3A = tpu.scan <sum>, %rev3A_405 masked %broadcast_in_dim3A_407 : vector<16xi32>, vector<16xi1> -> vector<16xi32>
        %add3A_408 = arith.addi %masked_cumsum3A, %scan3A_310 : vector<16xi32>
        %ge3A = arith.cmpi sge, %add3A_408, %sub3A : vector<16xi32>
        %reduce_or3A = arith.constant 1.000000e+00 : f32
        %reduce_or3A_409 = arith.constant 0.000000e+00 : f32
        %reduce_or3A_410 = vector.broadcast %reduce_or3A : f32 to vector<16xf32>
        %reduce_or3A_411 = vector.broadcast %reduce_or3A_409 : f32 to vector<16xf32>
        %reduce_or3A_412 = arith.select %ge3A, %reduce_or3A_410, %reduce_or3A_411 : vector<16xi1>, vector<16xf32>
        %reduce_or3A_413 = arith.constant true
        %reduce_or3A_414 = vector.broadcast %reduce_or3A_413 : i1 to vector<16xi1>
        %reduce_or3A_415 = tpu.scan <max>, %reduce_or3A_412 masked %reduce_or3A_414 : vector<16xf32>, vector<16xi1> -> vector<16xf32>
        %reduce_or3A_416 = vector.extract %reduce_or3A_415[15] : f32 from vector<16xf32>
        %reduce_or3A_417 = arith.constant 0.000000e+00 : f32
        %reduce_or3A_418 = arith.cmpf ogt, %reduce_or3A_416, %reduce_or3A_417 : f32
        %all_reduce_ffs3A = tpu.all_reduce %ge3A {dim = 0 : i64, kind = #tpu.reduction_kind<find_first_set>} : vector<16xi1> -> vector<16xi32>
        %mul3A_419 = arith.constant 16 : i32
        %mul3A_420 = arith.muli %sub3A_315, %mul3A_419 : i32
        %add3A_421 = arith.constant 15 : i32
        %add3A_422 = arith.addi %mul3A_420, %add3A_421 : i32
        %broadcast_in_dim3A_423 = vector.broadcast %add3A_422 : i32 to vector<16xi32>
        %sub3A_424 = arith.subi %broadcast_in_dim3A_423, %all_reduce_ffs3A : vector<16xi32>
        %lt3A_425 = arith.cmpi slt, %iota3A_66, %all_reduce_ffs3A : vector<16xi32>
        %select_n3A_426 = arith.select %lt3A_425, %rev3A_405, %broadcast_in_dim3A_68 : vector<16xi1>, vector<16xi32>
        %reduce_sum3A_427 = arith.constant true
        %reduce_sum3A_428 = vector.broadcast %reduce_sum3A_427 : i1 to vector<16xi1>
        %reduce_sum3A_429 = tpu.scan <sum>, %select_n3A_426 masked %reduce_sum3A_428 : vector<16xi32>, vector<16xi1> -> vector<16xi32>
        %reduce_sum3A_430 = vector.extract %reduce_sum3A_429[15] : i32 from vector<16xi32>
        %broadcast_in_dim3A_431 = vector.broadcast %reduce_sum3A_430 : i32 to vector<16xi32>
        %add3A_432 = arith.addi %scan3A_310, %broadcast_in_dim3A_431 : vector<16xi32>
        %not3A = arith.constant dense<true> : vector<16xi1>
        %not3A_433 = arith.xori %scan3A_311, %not3A : vector<16xi1>
        %and3A = vector.broadcast %reduce_or3A_418 : i1 to vector<16xi1>
        %and3A_434 = arith.andi %and3A, %not3A_433 : vector<16xi1>
        %select_n3A_435 = arith.select %and3A_434, %sub3A_424, %scan3A_312 : vector<16xi1>, vector<16xi32>
        %select_n3A_436 = arith.select %and3A_434, %add3A_432, %scan3A_313 : vector<16xi1>, vector<16xi32>
        %or3A = vector.broadcast %reduce_or3A_418 : i1 to vector<16xi1>
        %or3A_437 = arith.ori %scan3A_311, %or3A : vector<16xi1>
        %reduce_sum3A_438 = arith.constant true
        %reduce_sum3A_439 = vector.broadcast %reduce_sum3A_438 : i1 to vector<16xi1>
        %reduce_sum3A_440 = tpu.scan <sum>, %add3A_401 masked %reduce_sum3A_439 : vector<16xi32>, vector<16xi1> -> vector<16xi32>
        %reduce_sum3A_441 = vector.extract %reduce_sum3A_440[15] : i32 from vector<16xi32>
        %broadcast_in_dim3A_442 = vector.broadcast %reduce_sum3A_441 : i32 to vector<16xi32>
        %add3A_443 = arith.addi %scan3A_310, %broadcast_in_dim3A_442 : vector<16xi32>
        scf.yield %add3A_443, %or3A_437, %select_n3A_435, %select_n3A_436 : vector<16xi32>, vector<16xi1>, vector<16xi32>, vector<16xi32>
      }
      %scan3A_76 = arith.constant 16 : i32
      %sub3A_77 = arith.subi %sub3A, %scan3A_75#3 : vector<16xi32>
      %mul3A_78 = arith.constant 256 : i32
      %mul3A_79 = vector.broadcast %mul3A_78 : i32 to vector<16xi32>
      %mul3A_80 = arith.muli %sub3A_62, %mul3A_79 : vector<16xi32>
      %add3A_81 = arith.addi %mul3A_80, %scan3A_75#2 : vector<16xi32>
      %parallel_loop3A_82 = arith.constant 0 : i32
      %parallel_loop3A_83 = arith.constant 3142 : i32
      %parallel_loop3A_84 = arith.constant 1 : i32
      scf.for %parallel_loop3A_309 = %parallel_loop3A_82 to %parallel_loop3A_83 step %parallel_loop3A_84  : i32 {
        %parallel_loop3A_310 = arith.constant 16 : i32
        %parallel_loop3A_311 = arith.muli %parallel_loop3A_309, %parallel_loop3A_310 : i32
        %parallel_loop3A_312 = arith.index_cast %parallel_loop3A_311 : i32 to index
        %parallel_loop3A_313 = tpu.vector_load %arg9[%parallel_loop3A_312] {strides = array<i32>} : memref<50272xf32, #tpu.memory_space<vmem>>, vector<16xf32>,
        %parallel_loop3A_314 = tpu.bitcast %parallel_loop3A_313 : vector<16xf32> -> vector<16xi32>
        %parallel_loop3A_315 = arith.constant 16 : i32
        %parallel_loop3A_316 = vector.broadcast %parallel_loop3A_315 : i32 to vector<16xi32>
        %parallel_loop3A_317 = arith.shrsi %parallel_loop3A_314, %parallel_loop3A_316 : vector<16xi32>
        %parallel_loop3A_318 = arith.cmpi eq, %parallel_loop3A_317, %add3A_81 : vector<16xi32>
        %parallel_loop3A_319 = arith.constant 8 : i32
        %parallel_loop3A_320 = vector.broadcast %parallel_loop3A_319 : i32 to vector<16xi32>
        %parallel_loop3A_321 = arith.shrsi %parallel_loop3A_314, %parallel_loop3A_320 : vector<16xi32>
        %parallel_loop3A_322 = arith.constant 255 : i32
        %parallel_loop3A_323 = vector.broadcast %parallel_loop3A_322 : i32 to vector<16xi32>
        %parallel_loop3A_324 = arith.andi %parallel_loop3A_321, %parallel_loop3A_323 : vector<16xi32>
        %parallel_loop3A_325 = arith.constant 4 : i32
        %parallel_loop3A_326 = vector.broadcast %parallel_loop3A_325 : i32 to vector<16xi32>
        %parallel_loop3A_327 = arith.shli %parallel_loop3A_324, %parallel_loop3A_326 : vector<16xi32>
        %parallel_loop3A_328 = arith.constant 8192 : i32
        %parallel_loop3A_329 = vector.broadcast %parallel_loop3A_328 : i32 to vector<16xi32>
        %parallel_loop3A_330 = arith.addi %parallel_loop3A_329, %parallel_loop3A_327 : vector<16xi32>
        %parallel_loop3A_331 = arith.addi %parallel_loop3A_330, %iota3A : vector<16xi32>
        tpu.vector_store_idx %arg10[%parallel_loop3A_331], %broadcast_in_dim3A_3 masked %parallel_loop3A_318 {add = true} : memref<16384xi32, #tpu.memory_space<vmem>>[vector<16xi32>], vector<16xi32>, vector<16xi1>
      } {sc.loop_unroll_factor = 4 : i64, sc.parallel_access}
      %iota3A_85 = tpu.iota {dimensions = array<i32: 0>} : vector<16xi32>
      %broadcast_in_dim3A_86 = arith.constant 0 : i32
      %broadcast_in_dim3A_87 = vector.broadcast %broadcast_in_dim3A_86 : i32 to vector<16xi32>
      %broadcast_in_dim3A_88 = arith.constant false
      %broadcast_in_dim3A_89 = vector.broadcast %broadcast_in_dim3A_88 : i1 to vector<16xi1>
      %scan3A_90 = arith.constant 0 : i32
      %scan3A_91 = arith.constant 16 : i32
      %scan3A_92 = arith.addi %scan3A_90, %scan3A_91 : i32
      %scan3A_93 = arith.constant 1 : i32
      %scan3A_94:4 = scf.for %scan3A_309 = %scan3A_90 to %scan3A_92 step %scan3A_93 iter_args(%scan3A_310 = %broadcast_in_dim3A_87, %scan3A_311 = %broadcast_in_dim3A_89, %scan3A_312 = %broadcast_in_dim3A_87, %scan3A_313 = %broadcast_in_dim3A_87) -> (vector<16xi32>, vector<16xi1>, vector<16xi32>, vector<16xi32>)  : i32 {
        %sub3A_314 = arith.constant 15 : i32
        %sub3A_315 = arith.subi %sub3A_314, %scan3A_309 : i32
        %mul3A_316 = arith.constant 16 : i32
        %mul3A_317 = arith.muli %sub3A_315, %mul3A_316 : i32
        %broadcast_in_dim3A_318 = vector.broadcast %mul3A_317 : i32 to vector<16xi32>
        %add3A_319 = arith.addi %broadcast_in_dim3A_318, %iota3A_85 : vector<16xi32>
        %shift_left3A = arith.constant 4 : i32
        %shift_left3A_320 = vector.broadcast %shift_left3A : i32 to vector<16xi32>
        %shift_left3A_321 = arith.shli %add3A_319, %shift_left3A_320 : vector<16xi32>
        %broadcast_in_dim3A_322 = arith.constant 8192 : i32
        %broadcast_in_dim3A_323 = vector.broadcast %broadcast_in_dim3A_322 : i32 to vector<16xi32>
        %add3A_324 = arith.addi %shift_left3A_321, %broadcast_in_dim3A_323 : vector<16xi32>
        %gather3A_325 = tpu.vector_load_idx %arg10[%add3A_324] : memref<16384xi32, #tpu.memory_space<vmem>>[vector<16xi32>], vector<16xi32>,
        %add3A_326 = arith.addi %broadcast_in_dim3A_87, %gather3A_325 : vector<16xi32>
        %broadcast_in_dim3A_327 = arith.constant 8193 : i32
        %broadcast_in_dim3A_328 = vector.broadcast %broadcast_in_dim3A_327 : i32 to vector<16xi32>
        %add3A_329 = arith.addi %shift_left3A_321, %broadcast_in_dim3A_328 : vector<16xi32>
        %gather3A_330 = tpu.vector_load_idx %arg10[%add3A_329] : memref<16384xi32, #tpu.memory_space<vmem>>[vector<16xi32>], vector<16xi32>,
        %add3A_331 = arith.addi %add3A_326, %gather3A_330 : vector<16xi32>
        %broadcast_in_dim3A_332 = arith.constant 8194 : i32
        %broadcast_in_dim3A_333 = vector.broadcast %broadcast_in_dim3A_332 : i32 to vector<16xi32>
        %add3A_334 = arith.addi %shift_left3A_321, %broadcast_in_dim3A_333 : vector<16xi32>
        %gather3A_335 = tpu.vector_load_idx %arg10[%add3A_334] : memref<16384xi32, #tpu.memory_space<vmem>>[vector<16xi32>], vector<16xi32>,
        %add3A_336 = arith.addi %add3A_331, %gather3A_335 : vector<16xi32>
        %broadcast_in_dim3A_337 = arith.constant 8195 : i32
        %broadcast_in_dim3A_338 = vector.broadcast %broadcast_in_dim3A_337 : i32 to vector<16xi32>
        %add3A_339 = arith.addi %shift_left3A_321, %broadcast_in_dim3A_338 : vector<16xi32>
        %gather3A_340 = tpu.vector_load_idx %arg10[%add3A_339] : memref<16384xi32, #tpu.memory_space<vmem>>[vector<16xi32>], vector<16xi32>,
        %add3A_341 = arith.addi %add3A_336, %gather3A_340 : vector<16xi32>
        %broadcast_in_dim3A_342 = arith.constant 8196 : i32
        %broadcast_in_dim3A_343 = vector.broadcast %broadcast_in_dim3A_342 : i32 to vector<16xi32>
        %add3A_344 = arith.addi %shift_left3A_321, %broadcast_in_dim3A_343 : vector<16xi32>
        %gather3A_345 = tpu.vector_load_idx %arg10[%add3A_344] : memref<16384xi32, #tpu.memory_space<vmem>>[vector<16xi32>], vector<16xi32>,
        %add3A_346 = arith.addi %add3A_341, %gather3A_345 : vector<16xi32>
        %broadcast_in_dim3A_347 = arith.constant 8197 : i32
        %broadcast_in_dim3A_348 = vector.broadcast %broadcast_in_dim3A_347 : i32 to vector<16xi32>
        %add3A_349 = arith.addi %shift_left3A_321, %broadcast_in_dim3A_348 : vector<16xi32>
        %gather3A_350 = tpu.vector_load_idx %arg10[%add3A_349] : memref<16384xi32, #tpu.memory_space<vmem>>[vector<16xi32>], vector<16xi32>,
        %add3A_351 = arith.addi %add3A_346, %gather3A_350 : vector<16xi32>
        %broadcast_in_dim3A_352 = arith.constant 8198 : i32
        %broadcast_in_dim3A_353 = vector.broadcast %broadcast_in_dim3A_352 : i32 to vector<16xi32>
        %add3A_354 = arith.addi %shift_left3A_321, %broadcast_in_dim3A_353 : vector<16xi32>
        %gather3A_355 = tpu.vector_load_idx %arg10[%add3A_354] : memref<16384xi32, #tpu.memory_space<vmem>>[vector<16xi32>], vector<16xi32>,
        %add3A_356 = arith.addi %add3A_351, %gather3A_355 : vector<16xi32>
        %broadcast_in_dim3A_357 = arith.constant 8199 : i32
        %broadcast_in_dim3A_358 = vector.broadcast %broadcast_in_dim3A_357 : i32 to vector<16xi32>
        %add3A_359 = arith.addi %shift_left3A_321, %broadcast_in_dim3A_358 : vector<16xi32>
        %gather3A_360 = tpu.vector_load_idx %arg10[%add3A_359] : memref<16384xi32, #tpu.memory_space<vmem>>[vector<16xi32>], vector<16xi32>,
        %add3A_361 = arith.addi %add3A_356, %gather3A_360 : vector<16xi32>
        %broadcast_in_dim3A_362 = arith.constant 8200 : i32
        %broadcast_in_dim3A_363 = vector.broadcast %broadcast_in_dim3A_362 : i32 to vector<16xi32>
        %add3A_364 = arith.addi %shift_left3A_321, %broadcast_in_dim3A_363 : vector<16xi32>
        %gather3A_365 = tpu.vector_load_idx %arg10[%add3A_364] : memref<16384xi32, #tpu.memory_space<vmem>>[vector<16xi32>], vector<16xi32>,
        %add3A_366 = arith.addi %add3A_361, %gather3A_365 : vector<16xi32>
        %broadcast_in_dim3A_367 = arith.constant 8201 : i32
        %broadcast_in_dim3A_368 = vector.broadcast %broadcast_in_dim3A_367 : i32 to vector<16xi32>
        %add3A_369 = arith.addi %shift_left3A_321, %broadcast_in_dim3A_368 : vector<16xi32>
        %gather3A_370 = tpu.vector_load_idx %arg10[%add3A_369] : memref<16384xi32, #tpu.memory_space<vmem>>[vector<16xi32>], vector<16xi32>,
        %add3A_371 = arith.addi %add3A_366, %gather3A_370 : vector<16xi32>
        %broadcast_in_dim3A_372 = arith.constant 8202 : i32
        %broadcast_in_dim3A_373 = vector.broadcast %broadcast_in_dim3A_372 : i32 to vector<16xi32>
        %add3A_374 = arith.addi %shift_left3A_321, %broadcast_in_dim3A_373 : vector<16xi32>
        %gather3A_375 = tpu.vector_load_idx %arg10[%add3A_374] : memref<16384xi32, #tpu.memory_space<vmem>>[vector<16xi32>], vector<16xi32>,
        %add3A_376 = arith.addi %add3A_371, %gather3A_375 : vector<16xi32>
        %broadcast_in_dim3A_377 = arith.constant 8203 : i32
        %broadcast_in_dim3A_378 = vector.broadcast %broadcast_in_dim3A_377 : i32 to vector<16xi32>
        %add3A_379 = arith.addi %shift_left3A_321, %broadcast_in_dim3A_378 : vector<16xi32>
        %gather3A_380 = tpu.vector_load_idx %arg10[%add3A_379] : memref<16384xi32, #tpu.memory_space<vmem>>[vector<16xi32>], vector<16xi32>,
        %add3A_381 = arith.addi %add3A_376, %gather3A_380 : vector<16xi32>
        %broadcast_in_dim3A_382 = arith.constant 8204 : i32
        %broadcast_in_dim3A_383 = vector.broadcast %broadcast_in_dim3A_382 : i32 to vector<16xi32>
        %add3A_384 = arith.addi %shift_left3A_321, %broadcast_in_dim3A_383 : vector<16xi32>
        %gather3A_385 = tpu.vector_load_idx %arg10[%add3A_384] : memref<16384xi32, #tpu.memory_space<vmem>>[vector<16xi32>], vector<16xi32>,
        %add3A_386 = arith.addi %add3A_381, %gather3A_385 : vector<16xi32>
        %broadcast_in_dim3A_387 = arith.constant 8205 : i32
        %broadcast_in_dim3A_388 = vector.broadcast %broadcast_in_dim3A_387 : i32 to vector<16xi32>
        %add3A_389 = arith.addi %shift_left3A_321, %broadcast_in_dim3A_388 : vector<16xi32>
        %gather3A_390 = tpu.vector_load_idx %arg10[%add3A_389] : memref<16384xi32, #tpu.memory_space<vmem>>[vector<16xi32>], vector<16xi32>,
        %add3A_391 = arith.addi %add3A_386, %gather3A_390 : vector<16xi32>
        %broadcast_in_dim3A_392 = arith.constant 8206 : i32
        %broadcast_in_dim3A_393 = vector.broadcast %broadcast_in_dim3A_392 : i32 to vector<16xi32>
        %add3A_394 = arith.addi %shift_left3A_321, %broadcast_in_dim3A_393 : vector<16xi32>
        %gather3A_395 = tpu.vector_load_idx %arg10[%add3A_394] : memref<16384xi32, #tpu.memory_space<vmem>>[vector<16xi32>], vector<16xi32>,
        %add3A_396 = arith.addi %add3A_391, %gather3A_395 : vector<16xi32>
        %broadcast_in_dim3A_397 = arith.constant 8207 : i32
        %broadcast_in_dim3A_398 = vector.broadcast %broadcast_in_dim3A_397 : i32 to vector<16xi32>
        %add3A_399 = arith.addi %shift_left3A_321, %broadcast_in_dim3A_398 : vector<16xi32>
        %gather3A_400 = tpu.vector_load_idx %arg10[%add3A_399] : memref<16384xi32, #tpu.memory_space<vmem>>[vector<16xi32>], vector<16xi32>,
        %add3A_401 = arith.addi %add3A_396, %gather3A_400 : vector<16xi32>
        %rev3A = arith.constant 15 : i32
        %rev3A_402 = vector.broadcast %rev3A : i32 to vector<16xi32>
        %rev3A_403 = tpu.iota {dimensions = array<i32: 0>} : vector<16xi32>
        %rev3A_404 = arith.subi %rev3A_402, %rev3A_403 : vector<16xi32>
        %rev3A_405 = tpu.dynamic_gather %add3A_401[%rev3A_404] in [0] : vector<16xi32>, vector<16xi32> -> vector<16xi32>
        %broadcast_in_dim3A_406 = arith.constant true
        %broadcast_in_dim3A_407 = vector.broadcast %broadcast_in_dim3A_406 : i1 to vector<16xi1>
        %masked_cumsum3A = tpu.scan <sum>, %rev3A_405 masked %broadcast_in_dim3A_407 : vector<16xi32>, vector<16xi1> -> vector<16xi32>
        %add3A_408 = arith.addi %masked_cumsum3A, %scan3A_310 : vector<16xi32>
        %ge3A = arith.cmpi sge, %add3A_408, %sub3A_77 : vector<16xi32>
        %reduce_or3A = arith.constant 1.000000e+00 : f32
        %reduce_or3A_409 = arith.constant 0.000000e+00 : f32
        %reduce_or3A_410 = vector.broadcast %reduce_or3A : f32 to vector<16xf32>
        %reduce_or3A_411 = vector.broadcast %reduce_or3A_409 : f32 to vector<16xf32>
        %reduce_or3A_412 = arith.select %ge3A, %reduce_or3A_410, %reduce_or3A_411 : vector<16xi1>, vector<16xf32>
        %reduce_or3A_413 = arith.constant true
        %reduce_or3A_414 = vector.broadcast %reduce_or3A_413 : i1 to vector<16xi1>
        %reduce_or3A_415 = tpu.scan <max>, %reduce_or3A_412 masked %reduce_or3A_414 : vector<16xf32>, vector<16xi1> -> vector<16xf32>
        %reduce_or3A_416 = vector.extract %reduce_or3A_415[15] : f32 from vector<16xf32>
        %reduce_or3A_417 = arith.constant 0.000000e+00 : f32
        %reduce_or3A_418 = arith.cmpf ogt, %reduce_or3A_416, %reduce_or3A_417 : f32
        %all_reduce_ffs3A = tpu.all_reduce %ge3A {dim = 0 : i64, kind = #tpu.reduction_kind<find_first_set>} : vector<16xi1> -> vector<16xi32>
        %mul3A_419 = arith.constant 16 : i32
        %mul3A_420 = arith.muli %sub3A_315, %mul3A_419 : i32
        %add3A_421 = arith.constant 15 : i32
        %add3A_422 = arith.addi %mul3A_420, %add3A_421 : i32
        %broadcast_in_dim3A_423 = vector.broadcast %add3A_422 : i32 to vector<16xi32>
        %sub3A_424 = arith.subi %broadcast_in_dim3A_423, %all_reduce_ffs3A : vector<16xi32>
        %lt3A_425 = arith.cmpi slt, %iota3A_85, %all_reduce_ffs3A : vector<16xi32>
        %select_n3A_426 = arith.select %lt3A_425, %rev3A_405, %broadcast_in_dim3A_87 : vector<16xi1>, vector<16xi32>
        %reduce_sum3A_427 = arith.constant true
        %reduce_sum3A_428 = vector.broadcast %reduce_sum3A_427 : i1 to vector<16xi1>
        %reduce_sum3A_429 = tpu.scan <sum>, %select_n3A_426 masked %reduce_sum3A_428 : vector<16xi32>, vector<16xi1> -> vector<16xi32>
        %reduce_sum3A_430 = vector.extract %reduce_sum3A_429[15] : i32 from vector<16xi32>
        %broadcast_in_dim3A_431 = vector.broadcast %reduce_sum3A_430 : i32 to vector<16xi32>
        %add3A_432 = arith.addi %scan3A_310, %broadcast_in_dim3A_431 : vector<16xi32>
        %not3A = arith.constant dense<true> : vector<16xi1>
        %not3A_433 = arith.xori %scan3A_311, %not3A : vector<16xi1>
        %and3A = vector.broadcast %reduce_or3A_418 : i1 to vector<16xi1>
        %and3A_434 = arith.andi %and3A, %not3A_433 : vector<16xi1>
        %select_n3A_435 = arith.select %and3A_434, %sub3A_424, %scan3A_312 : vector<16xi1>, vector<16xi32>
        %select_n3A_436 = arith.select %and3A_434, %add3A_432, %scan3A_313 : vector<16xi1>, vector<16xi32>
        %or3A = vector.broadcast %reduce_or3A_418 : i1 to vector<16xi1>
        %or3A_437 = arith.ori %scan3A_311, %or3A : vector<16xi1>
        %reduce_sum3A_438 = arith.constant true
        %reduce_sum3A_439 = vector.broadcast %reduce_sum3A_438 : i1 to vector<16xi1>
        %reduce_sum3A_440 = tpu.scan <sum>, %add3A_401 masked %reduce_sum3A_439 : vector<16xi32>, vector<16xi1> -> vector<16xi32>
        %reduce_sum3A_441 = vector.extract %reduce_sum3A_440[15] : i32 from vector<16xi32>
        %broadcast_in_dim3A_442 = vector.broadcast %reduce_sum3A_441 : i32 to vector<16xi32>
        %add3A_443 = arith.addi %scan3A_310, %broadcast_in_dim3A_442 : vector<16xi32>
        scf.yield %add3A_443, %or3A_437, %select_n3A_435, %select_n3A_436 : vector<16xi32>, vector<16xi1>, vector<16xi32>, vector<16xi32>
      }
      %scan3A_95 = arith.constant 16 : i32
      %sub3A_96 = arith.subi %sub3A_77, %scan3A_94#3 : vector<16xi32>
      %mul3A_97 = arith.constant 256 : i32
      %mul3A_98 = vector.broadcast %mul3A_97 : i32 to vector<16xi32>
      %mul3A_99 = arith.muli %add3A_81, %mul3A_98 : vector<16xi32>
      %add3A_100 = arith.addi %mul3A_99, %scan3A_94#2 : vector<16xi32>
      %parallel_loop3A_101 = arith.constant 0 : i32
      %parallel_loop3A_102 = arith.constant 3142 : i32
      %parallel_loop3A_103 = arith.constant 1 : i32
      scf.for %parallel_loop3A_309 = %parallel_loop3A_101 to %parallel_loop3A_102 step %parallel_loop3A_103  : i32 {
        %parallel_loop3A_310 = arith.constant 16 : i32
        %parallel_loop3A_311 = arith.muli %parallel_loop3A_309, %parallel_loop3A_310 : i32
        %parallel_loop3A_312 = arith.index_cast %parallel_loop3A_311 : i32 to index
        %parallel_loop3A_313 = tpu.vector_load %arg9[%parallel_loop3A_312] {strides = array<i32>} : memref<50272xf32, #tpu.memory_space<vmem>>, vector<16xf32>,
        %parallel_loop3A_314 = tpu.bitcast %parallel_loop3A_313 : vector<16xf32> -> vector<16xi32>
        %parallel_loop3A_315 = arith.constant 8 : i32
        %parallel_loop3A_316 = vector.broadcast %parallel_loop3A_315 : i32 to vector<16xi32>
        %parallel_loop3A_317 = arith.shrsi %parallel_loop3A_314, %parallel_loop3A_316 : vector<16xi32>
        %parallel_loop3A_318 = arith.cmpi eq, %parallel_loop3A_317, %add3A_100 : vector<16xi32>
        %parallel_loop3A_319 = arith.constant 255 : i32
        %parallel_loop3A_320 = vector.broadcast %parallel_loop3A_319 : i32 to vector<16xi32>
        %parallel_loop3A_321 = arith.andi %parallel_loop3A_314, %parallel_loop3A_320 : vector<16xi32>
        %parallel_loop3A_322 = arith.constant 4 : i32
        %parallel_loop3A_323 = vector.broadcast %parallel_loop3A_322 : i32 to vector<16xi32>
        %parallel_loop3A_324 = arith.shli %parallel_loop3A_321, %parallel_loop3A_323 : vector<16xi32>
        %parallel_loop3A_325 = arith.constant 12288 : i32
        %parallel_loop3A_326 = vector.broadcast %parallel_loop3A_325 : i32 to vector<16xi32>
        %parallel_loop3A_327 = arith.addi %parallel_loop3A_326, %parallel_loop3A_324 : vector<16xi32>
        %parallel_loop3A_328 = arith.addi %parallel_loop3A_327, %iota3A : vector<16xi32>
        tpu.vector_store_idx %arg10[%parallel_loop3A_328], %broadcast_in_dim3A_3 masked %parallel_loop3A_318 {add = true} : memref<16384xi32, #tpu.memory_space<vmem>>[vector<16xi32>], vector<16xi32>, vector<16xi1>
      } {sc.loop_unroll_factor = 4 : i64, sc.parallel_access}
      %iota3A_104 = tpu.iota {dimensions = array<i32: 0>} : vector<16xi32>
      %broadcast_in_dim3A_105 = arith.constant 0 : i32
      %broadcast_in_dim3A_106 = vector.broadcast %broadcast_in_dim3A_105 : i32 to vector<16xi32>
      %broadcast_in_dim3A_107 = arith.constant false
      %broadcast_in_dim3A_108 = vector.broadcast %broadcast_in_dim3A_107 : i1 to vector<16xi1>
      %scan3A_109 = arith.constant 0 : i32
      %scan3A_110 = arith.constant 16 : i32
      %scan3A_111 = arith.addi %scan3A_109, %scan3A_110 : i32
      %scan3A_112 = arith.constant 1 : i32
      %scan3A_113:4 = scf.for %scan3A_309 = %scan3A_109 to %scan3A_111 step %scan3A_112 iter_args(%scan3A_310 = %broadcast_in_dim3A_106, %scan3A_311 = %broadcast_in_dim3A_108, %scan3A_312 = %broadcast_in_dim3A_106, %scan3A_313 = %broadcast_in_dim3A_106) -> (vector<16xi32>, vector<16xi1>, vector<16xi32>, vector<16xi32>)  : i32 {
        %sub3A_314 = arith.constant 15 : i32
        %sub3A_315 = arith.subi %sub3A_314, %scan3A_309 : i32
        %mul3A_316 = arith.constant 16 : i32
        %mul3A_317 = arith.muli %sub3A_315, %mul3A_316 : i32
        %broadcast_in_dim3A_318 = vector.broadcast %mul3A_317 : i32 to vector<16xi32>
        %add3A_319 = arith.addi %broadcast_in_dim3A_318, %iota3A_104 : vector<16xi32>
        %shift_left3A = arith.constant 4 : i32
        %shift_left3A_320 = vector.broadcast %shift_left3A : i32 to vector<16xi32>
        %shift_left3A_321 = arith.shli %add3A_319, %shift_left3A_320 : vector<16xi32>
        %broadcast_in_dim3A_322 = arith.constant 12288 : i32
        %broadcast_in_dim3A_323 = vector.broadcast %broadcast_in_dim3A_322 : i32 to vector<16xi32>
        %add3A_324 = arith.addi %shift_left3A_321, %broadcast_in_dim3A_323 : vector<16xi32>
        %gather3A_325 = tpu.vector_load_idx %arg10[%add3A_324] : memref<16384xi32, #tpu.memory_space<vmem>>[vector<16xi32>], vector<16xi32>,
        %add3A_326 = arith.addi %broadcast_in_dim3A_106, %gather3A_325 : vector<16xi32>
        %broadcast_in_dim3A_327 = arith.constant 12289 : i32
        %broadcast_in_dim3A_328 = vector.broadcast %broadcast_in_dim3A_327 : i32 to vector<16xi32>
        %add3A_329 = arith.addi %shift_left3A_321, %broadcast_in_dim3A_328 : vector<16xi32>
        %gather3A_330 = tpu.vector_load_idx %arg10[%add3A_329] : memref<16384xi32, #tpu.memory_space<vmem>>[vector<16xi32>], vector<16xi32>,
        %add3A_331 = arith.addi %add3A_326, %gather3A_330 : vector<16xi32>
        %broadcast_in_dim3A_332 = arith.constant 12290 : i32
        %broadcast_in_dim3A_333 = vector.broadcast %broadcast_in_dim3A_332 : i32 to vector<16xi32>
        %add3A_334 = arith.addi %shift_left3A_321, %broadcast_in_dim3A_333 : vector<16xi32>
        %gather3A_335 = tpu.vector_load_idx %arg10[%add3A_334] : memref<16384xi32, #tpu.memory_space<vmem>>[vector<16xi32>], vector<16xi32>,
        %add3A_336 = arith.addi %add3A_331, %gather3A_335 : vector<16xi32>
        %broadcast_in_dim3A_337 = arith.constant 12291 : i32
        %broadcast_in_dim3A_338 = vector.broadcast %broadcast_in_dim3A_337 : i32 to vector<16xi32>
        %add3A_339 = arith.addi %shift_left3A_321, %broadcast_in_dim3A_338 : vector<16xi32>
        %gather3A_340 = tpu.vector_load_idx %arg10[%add3A_339] : memref<16384xi32, #tpu.memory_space<vmem>>[vector<16xi32>], vector<16xi32>,
        %add3A_341 = arith.addi %add3A_336, %gather3A_340 : vector<16xi32>
        %broadcast_in_dim3A_342 = arith.constant 12292 : i32
        %broadcast_in_dim3A_343 = vector.broadcast %broadcast_in_dim3A_342 : i32 to vector<16xi32>
        %add3A_344 = arith.addi %shift_left3A_321, %broadcast_in_dim3A_343 : vector<16xi32>
        %gather3A_345 = tpu.vector_load_idx %arg10[%add3A_344] : memref<16384xi32, #tpu.memory_space<vmem>>[vector<16xi32>], vector<16xi32>,
        %add3A_346 = arith.addi %add3A_341, %gather3A_345 : vector<16xi32>
        %broadcast_in_dim3A_347 = arith.constant 12293 : i32
        %broadcast_in_dim3A_348 = vector.broadcast %broadcast_in_dim3A_347 : i32 to vector<16xi32>
        %add3A_349 = arith.addi %shift_left3A_321, %broadcast_in_dim3A_348 : vector<16xi32>
        %gather3A_350 = tpu.vector_load_idx %arg10[%add3A_349] : memref<16384xi32, #tpu.memory_space<vmem>>[vector<16xi32>], vector<16xi32>,
        %add3A_351 = arith.addi %add3A_346, %gather3A_350 : vector<16xi32>
        %broadcast_in_dim3A_352 = arith.constant 12294 : i32
        %broadcast_in_dim3A_353 = vector.broadcast %broadcast_in_dim3A_352 : i32 to vector<16xi32>
        %add3A_354 = arith.addi %shift_left3A_321, %broadcast_in_dim3A_353 : vector<16xi32>
        %gather3A_355 = tpu.vector_load_idx %arg10[%add3A_354] : memref<16384xi32, #tpu.memory_space<vmem>>[vector<16xi32>], vector<16xi32>,
        %add3A_356 = arith.addi %add3A_351, %gather3A_355 : vector<16xi32>
        %broadcast_in_dim3A_357 = arith.constant 12295 : i32
        %broadcast_in_dim3A_358 = vector.broadcast %broadcast_in_dim3A_357 : i32 to vector<16xi32>
        %add3A_359 = arith.addi %shift_left3A_321, %broadcast_in_dim3A_358 : vector<16xi32>
        %gather3A_360 = tpu.vector_load_idx %arg10[%add3A_359] : memref<16384xi32, #tpu.memory_space<vmem>>[vector<16xi32>], vector<16xi32>,
        %add3A_361 = arith.addi %add3A_356, %gather3A_360 : vector<16xi32>
        %broadcast_in_dim3A_362 = arith.constant 12296 : i32
        %broadcast_in_dim3A_363 = vector.broadcast %broadcast_in_dim3A_362 : i32 to vector<16xi32>
        %add3A_364 = arith.addi %shift_left3A_321, %broadcast_in_dim3A_363 : vector<16xi32>
        %gather3A_365 = tpu.vector_load_idx %arg10[%add3A_364] : memref<16384xi32, #tpu.memory_space<vmem>>[vector<16xi32>], vector<16xi32>,
        %add3A_366 = arith.addi %add3A_361, %gather3A_365 : vector<16xi32>
        %broadcast_in_dim3A_367 = arith.constant 12297 : i32
        %broadcast_in_dim3A_368 = vector.broadcast %broadcast_in_dim3A_367 : i32 to vector<16xi32>
        %add3A_369 = arith.addi %shift_left3A_321, %broadcast_in_dim3A_368 : vector<16xi32>
        %gather3A_370 = tpu.vector_load_idx %arg10[%add3A_369] : memref<16384xi32, #tpu.memory_space<vmem>>[vector<16xi32>], vector<16xi32>,
        %add3A_371 = arith.addi %add3A_366, %gather3A_370 : vector<16xi32>
        %broadcast_in_dim3A_372 = arith.constant 12298 : i32
        %broadcast_in_dim3A_373 = vector.broadcast %broadcast_in_dim3A_372 : i32 to vector<16xi32>
        %add3A_374 = arith.addi %shift_left3A_321, %broadcast_in_dim3A_373 : vector<16xi32>
        %gather3A_375 = tpu.vector_load_idx %arg10[%add3A_374] : memref<16384xi32, #tpu.memory_space<vmem>>[vector<16xi32>], vector<16xi32>,
        %add3A_376 = arith.addi %add3A_371, %gather3A_375 : vector<16xi32>
        %broadcast_in_dim3A_377 = arith.constant 12299 : i32
        %broadcast_in_dim3A_378 = vector.broadcast %broadcast_in_dim3A_377 : i32 to vector<16xi32>
        %add3A_379 = arith.addi %shift_left3A_321, %broadcast_in_dim3A_378 : vector<16xi32>
        %gather3A_380 = tpu.vector_load_idx %arg10[%add3A_379] : memref<16384xi32, #tpu.memory_space<vmem>>[vector<16xi32>], vector<16xi32>,
        %add3A_381 = arith.addi %add3A_376, %gather3A_380 : vector<16xi32>
        %broadcast_in_dim3A_382 = arith.constant 12300 : i32
        %broadcast_in_dim3A_383 = vector.broadcast %broadcast_in_dim3A_382 : i32 to vector<16xi32>
        %add3A_384 = arith.addi %shift_left3A_321, %broadcast_in_dim3A_383 : vector<16xi32>
        %gather3A_385 = tpu.vector_load_idx %arg10[%add3A_384] : memref<16384xi32, #tpu.memory_space<vmem>>[vector<16xi32>], vector<16xi32>,
        %add3A_386 = arith.addi %add3A_381, %gather3A_385 : vector<16xi32>
        %broadcast_in_dim3A_387 = arith.constant 12301 : i32
        %broadcast_in_dim3A_388 = vector.broadcast %broadcast_in_dim3A_387 : i32 to vector<16xi32>
        %add3A_389 = arith.addi %shift_left3A_321, %broadcast_in_dim3A_388 : vector<16xi32>
        %gather3A_390 = tpu.vector_load_idx %arg10[%add3A_389] : memref<16384xi32, #tpu.memory_space<vmem>>[vector<16xi32>], vector<16xi32>,
        %add3A_391 = arith.addi %add3A_386, %gather3A_390 : vector<16xi32>
        %broadcast_in_dim3A_392 = arith.constant 12302 : i32
        %broadcast_in_dim3A_393 = vector.broadcast %broadcast_in_dim3A_392 : i32 to vector<16xi32>
        %add3A_394 = arith.addi %shift_left3A_321, %broadcast_in_dim3A_393 : vector<16xi32>
        %gather3A_395 = tpu.vector_load_idx %arg10[%add3A_394] : memref<16384xi32, #tpu.memory_space<vmem>>[vector<16xi32>], vector<16xi32>,
        %add3A_396 = arith.addi %add3A_391, %gather3A_395 : vector<16xi32>
        %broadcast_in_dim3A_397 = arith.constant 12303 : i32
        %broadcast_in_dim3A_398 = vector.broadcast %broadcast_in_dim3A_397 : i32 to vector<16xi32>
        %add3A_399 = arith.addi %shift_left3A_321, %broadcast_in_dim3A_398 : vector<16xi32>
        %gather3A_400 = tpu.vector_load_idx %arg10[%add3A_399] : memref<16384xi32, #tpu.memory_space<vmem>>[vector<16xi32>], vector<16xi32>,
        %add3A_401 = arith.addi %add3A_396, %gather3A_400 : vector<16xi32>
        %rev3A = arith.constant 15 : i32
        %rev3A_402 = vector.broadcast %rev3A : i32 to vector<16xi32>
        %rev3A_403 = tpu.iota {dimensions = array<i32: 0>} : vector<16xi32>
        %rev3A_404 = arith.subi %rev3A_402, %rev3A_403 : vector<16xi32>
        %rev3A_405 = tpu.dynamic_gather %add3A_401[%rev3A_404] in [0] : vector<16xi32>, vector<16xi32> -> vector<16xi32>
        %broadcast_in_dim3A_406 = arith.constant true
        %broadcast_in_dim3A_407 = vector.broadcast %broadcast_in_dim3A_406 : i1 to vector<16xi1>
        %masked_cumsum3A = tpu.scan <sum>, %rev3A_405 masked %broadcast_in_dim3A_407 : vector<16xi32>, vector<16xi1> -> vector<16xi32>
        %add3A_408 = arith.addi %masked_cumsum3A, %scan3A_310 : vector<16xi32>
        %ge3A = arith.cmpi sge, %add3A_408, %sub3A_96 : vector<16xi32>
        %reduce_or3A = arith.constant 1.000000e+00 : f32
        %reduce_or3A_409 = arith.constant 0.000000e+00 : f32
        %reduce_or3A_410 = vector.broadcast %reduce_or3A : f32 to vector<16xf32>
        %reduce_or3A_411 = vector.broadcast %reduce_or3A_409 : f32 to vector<16xf32>
        %reduce_or3A_412 = arith.select %ge3A, %reduce_or3A_410, %reduce_or3A_411 : vector<16xi1>, vector<16xf32>
        %reduce_or3A_413 = arith.constant true
        %reduce_or3A_414 = vector.broadcast %reduce_or3A_413 : i1 to vector<16xi1>
        %reduce_or3A_415 = tpu.scan <max>, %reduce_or3A_412 masked %reduce_or3A_414 : vector<16xf32>, vector<16xi1> -> vector<16xf32>
        %reduce_or3A_416 = vector.extract %reduce_or3A_415[15] : f32 from vector<16xf32>
        %reduce_or3A_417 = arith.constant 0.000000e+00 : f32
        %reduce_or3A_418 = arith.cmpf ogt, %reduce_or3A_416, %reduce_or3A_417 : f32
        %all_reduce_ffs3A = tpu.all_reduce %ge3A {dim = 0 : i64, kind = #tpu.reduction_kind<find_first_set>} : vector<16xi1> -> vector<16xi32>
        %mul3A_419 = arith.constant 16 : i32
        %mul3A_420 = arith.muli %sub3A_315, %mul3A_419 : i32
        %add3A_421 = arith.constant 15 : i32
        %add3A_422 = arith.addi %mul3A_420, %add3A_421 : i32
        %broadcast_in_dim3A_423 = vector.broadcast %add3A_422 : i32 to vector<16xi32>
        %sub3A_424 = arith.subi %broadcast_in_dim3A_423, %all_reduce_ffs3A : vector<16xi32>
        %lt3A_425 = arith.cmpi slt, %iota3A_104, %all_reduce_ffs3A : vector<16xi32>
        %select_n3A_426 = arith.select %lt3A_425, %rev3A_405, %broadcast_in_dim3A_106 : vector<16xi1>, vector<16xi32>
        %reduce_sum3A_427 = arith.constant true
        %reduce_sum3A_428 = vector.broadcast %reduce_sum3A_427 : i1 to vector<16xi1>
        %reduce_sum3A_429 = tpu.scan <sum>, %select_n3A_426 masked %reduce_sum3A_428 : vector<16xi32>, vector<16xi1> -> vector<16xi32>
        %reduce_sum3A_430 = vector.extract %reduce_sum3A_429[15] : i32 from vector<16xi32>
        %broadcast_in_dim3A_431 = vector.broadcast %reduce_sum3A_430 : i32 to vector<16xi32>
        %add3A_432 = arith.addi %scan3A_310, %broadcast_in_dim3A_431 : vector<16xi32>
        %not3A = arith.constant dense<true> : vector<16xi1>
        %not3A_433 = arith.xori %scan3A_311, %not3A : vector<16xi1>
        %and3A = vector.broadcast %reduce_or3A_418 : i1 to vector<16xi1>
        %and3A_434 = arith.andi %and3A, %not3A_433 : vector<16xi1>
        %select_n3A_435 = arith.select %and3A_434, %sub3A_424, %scan3A_312 : vector<16xi1>, vector<16xi32>
        %select_n3A_436 = arith.select %and3A_434, %add3A_432, %scan3A_313 : vector<16xi1>, vector<16xi32>
        %or3A = vector.broadcast %reduce_or3A_418 : i1 to vector<16xi1>
        %or3A_437 = arith.ori %scan3A_311, %or3A : vector<16xi1>
        %reduce_sum3A_438 = arith.constant true
        %reduce_sum3A_439 = vector.broadcast %reduce_sum3A_438 : i1 to vector<16xi1>
        %reduce_sum3A_440 = tpu.scan <sum>, %add3A_401 masked %reduce_sum3A_439 : vector<16xi32>, vector<16xi1> -> vector<16xi32>
        %reduce_sum3A_441 = vector.extract %reduce_sum3A_440[15] : i32 from vector<16xi32>
        %broadcast_in_dim3A_442 = vector.broadcast %reduce_sum3A_441 : i32 to vector<16xi32>
        %add3A_443 = arith.addi %scan3A_310, %broadcast_in_dim3A_442 : vector<16xi32>
        scf.yield %add3A_443, %or3A_437, %select_n3A_435, %select_n3A_436 : vector<16xi32>, vector<16xi1>, vector<16xi32>, vector<16xi32>
      }
      %scan3A_114 = arith.constant 16 : i32
      %sub3A_115 = arith.subi %sub3A_96, %scan3A_113#3 : vector<16xi32>
      %mul3A_116 = arith.constant 256 : i32
      %mul3A_117 = vector.broadcast %mul3A_116 : i32 to vector<16xi32>
      %mul3A_118 = arith.muli %add3A_100, %mul3A_117 : vector<16xi32>
      %add3A_119 = arith.addi %mul3A_118, %scan3A_113#2 : vector<16xi32>
      %parallel_loop3A_120 = arith.constant 0 : i32
      %parallel_loop3A_121 = arith.constant 3142 : i32
      %parallel_loop3A_122 = arith.constant 1 : i32
      %parallel_loop3A_123:2 = scf.for %parallel_loop3A_309 = %parallel_loop3A_120 to %parallel_loop3A_121 step %parallel_loop3A_122 iter_args(%parallel_loop3A_310 = %broadcast_in_dim3A_5, %parallel_loop3A_311 = %broadcast_in_dim3A_5) -> (vector<16xi32>, vector<16xi32>)  : i32 {
        %parallel_loop3A_312 = arith.constant 16 : i32
        %parallel_loop3A_313 = arith.muli %parallel_loop3A_309, %parallel_loop3A_312 : i32
        %parallel_loop3A_314 = arith.index_cast %parallel_loop3A_313 : i32 to index
        %parallel_loop3A_315 = tpu.vector_load %arg9[%parallel_loop3A_314] {strides = array<i32>} : memref<50272xf32, #tpu.memory_space<vmem>>, vector<16xf32>,
        %parallel_loop3A_316 = tpu.bitcast %parallel_loop3A_315 : vector<16xf32> -> vector<16xi32>
        %parallel_loop3A_317 = arith.cmpi sgt, %parallel_loop3A_316, %add3A_119 : vector<16xi32>
        %parallel_loop3A_318 = arith.cmpi eq, %parallel_loop3A_316, %add3A_119 : vector<16xi32>
        %parallel_loop3A_319 = arith.extui %parallel_loop3A_318 : vector<16xi1> to vector<16xi32>
        %parallel_loop3A_320 = arith.constant true
        %parallel_loop3A_321 = vector.broadcast %parallel_loop3A_320 : i1 to vector<16xi1>
        %parallel_loop3A_322 = tpu.scan <sum>, %parallel_loop3A_319 masked %parallel_loop3A_321 : vector<16xi32>, vector<16xi1> -> vector<16xi32>
        %parallel_loop3A_323 = arith.addi %parallel_loop3A_322, %parallel_loop3A_311 : vector<16xi32>
        %parallel_loop3A_324 = arith.cmpi sle, %parallel_loop3A_323, %sub3A_115 : vector<16xi32>
        %parallel_loop3A_325 = arith.andi %parallel_loop3A_318, %parallel_loop3A_324 : vector<16xi1>
        %parallel_loop3A_326 = arith.ori %parallel_loop3A_317, %parallel_loop3A_325 : vector<16xi1>
        %parallel_loop3A_327 = arith.extui %parallel_loop3A_326 : vector<16xi1> to vector<16xi32>
        %parallel_loop3A_328 = arith.constant true
        %parallel_loop3A_329 = vector.broadcast %parallel_loop3A_328 : i1 to vector<16xi1>
        %parallel_loop3A_330 = tpu.scan <sum>, %parallel_loop3A_327 masked %parallel_loop3A_329 : vector<16xi32>, vector<16xi1> -> vector<16xi32>
        %parallel_loop3A_331 = arith.constant 1 : i32
        %parallel_loop3A_332 = vector.broadcast %parallel_loop3A_331 : i32 to vector<16xi32>
        %parallel_loop3A_333 = arith.subi %parallel_loop3A_330, %parallel_loop3A_332 : vector<16xi32>
        %parallel_loop3A_334 = arith.addi %parallel_loop3A_333, %parallel_loop3A_310 : vector<16xi32>
        %parallel_loop3A_335 = arith.constant 64 : i32
        %parallel_loop3A_336 = vector.broadcast %parallel_loop3A_335 : i32 to vector<16xi32>
        %parallel_loop3A_337 = arith.addi %parallel_loop3A_336, %iota3A : vector<16xi32>
        %parallel_loop3A_338 = arith.select %parallel_loop3A_326, %parallel_loop3A_334, %parallel_loop3A_337 : vector<16xi1>, vector<16xi32>
        %parallel_loop3A_339 = arith.constant 16 : i32
        %parallel_loop3A_340 = arith.muli %parallel_loop3A_309, %parallel_loop3A_339 : i32
        %parallel_loop3A_341 = vector.broadcast %parallel_loop3A_340 : i32 to vector<16xi32>
        %parallel_loop3A_342 = arith.addi %parallel_loop3A_341, %iota3A : vector<16xi32>
        tpu.vector_store_idx %arg11[%parallel_loop3A_338], %parallel_loop3A_316 masked %parallel_loop3A_326 {add = true} : memref<96xi32, #tpu.memory_space<vmem>>[vector<16xi32>], vector<16xi32>, vector<16xi1>
        tpu.vector_store_idx %arg12[%parallel_loop3A_338], %parallel_loop3A_342 masked %parallel_loop3A_326 {add = true} : memref<96xi32, #tpu.memory_space<vmem>>[vector<16xi32>], vector<16xi32>, vector<16xi1>
        %parallel_loop3A_343 = arith.extui %parallel_loop3A_326 : vector<16xi1> to vector<16xi32>
        %parallel_loop3A_344 = arith.constant true
        %parallel_loop3A_345 = vector.broadcast %parallel_loop3A_344 : i1 to vector<16xi1>
        %parallel_loop3A_346 = tpu.scan <sum>, %parallel_loop3A_343 masked %parallel_loop3A_345 : vector<16xi32>, vector<16xi1> -> vector<16xi32>
        %parallel_loop3A_347 = vector.extract %parallel_loop3A_346[15] : i32 from vector<16xi32>
        %parallel_loop3A_348 = vector.broadcast %parallel_loop3A_347 : i32 to vector<16xi32>
        %parallel_loop3A_349 = arith.addi %parallel_loop3A_310, %parallel_loop3A_348 : vector<16xi32>
        %parallel_loop3A_350 = arith.extui %parallel_loop3A_318 : vector<16xi1> to vector<16xi32>
        %parallel_loop3A_351 = arith.constant true
        %parallel_loop3A_352 = vector.broadcast %parallel_loop3A_351 : i1 to vector<16xi1>
        %parallel_loop3A_353 = tpu.scan <sum>, %parallel_loop3A_350 masked %parallel_loop3A_352 : vector<16xi32>, vector<16xi1> -> vector<16xi32>
        %parallel_loop3A_354 = vector.extract %parallel_loop3A_353[15] : i32 from vector<16xi32>
        %parallel_loop3A_355 = vector.broadcast %parallel_loop3A_354 : i32 to vector<16xi32>
        %parallel_loop3A_356 = arith.addi %parallel_loop3A_311, %parallel_loop3A_355 : vector<16xi32>
        scf.yield %parallel_loop3A_349, %parallel_loop3A_356 : vector<16xi32>, vector<16xi32>
      } {sc.loop_unroll_factor = 2 : i64, sc.parallel_access}
      %mul3A_124 = arith.constant 50257 : i32
      %mul3A_125 = arith.muli %add3A_25, %mul3A_124 : i32
      %get3A = arith.constant 48 : index
      %get3A_126 = tpu.vector_load %arg11[%get3A] {strides = array<i32>} : memref<96xi32, #tpu.memory_space<vmem>>, vector<16xi32>,
      %lt3A = arith.constant 2 : i32
      %lt3A_127 = vector.broadcast %lt3A : i32 to vector<16xi32>
      %lt3A_128 = arith.cmpi slt, %iota3A, %lt3A_127 : vector<16xi32>
      %broadcast_in_dim3A_129 = arith.constant -2147483648 : i32
      %broadcast_in_dim3A_130 = vector.broadcast %broadcast_in_dim3A_129 : i32 to vector<16xi32>
      %select_n3A = arith.select %lt3A_128, %get3A_126, %broadcast_in_dim3A_130 : vector<16xi1>, vector<16xi32>
      %swap3A_131 = arith.constant 48 : index
      %swap3A_132 = tpu.vector_load %arg11[%swap3A_131] {strides = array<i32>} : memref<96xi32, #tpu.memory_space<vmem>>, vector<16xi32>,
      tpu.vector_store %arg11[%swap3A_131], %select_n3A {strides = array<i32>} : memref<96xi32, #tpu.memory_space<vmem>>, vector<16xi32>,
      %get3A_133 = arith.constant 0 : index
      %get3A_134 = tpu.vector_load %arg11[%get3A_133] {strides = array<i32>} : memref<96xi32, #tpu.memory_space<vmem>>, vector<16xi32>,
      %get3A_135 = arith.constant 0 : index
      %get3A_136 = tpu.vector_load %arg12[%get3A_135] {strides = array<i32>} : memref<96xi32, #tpu.memory_space<vmem>>, vector<16xi32>,
      %jit3A_137 = arith.constant 0 : i32
      %jit3A_138 = arith.constant 50256 : i32
      %max3A_139 = vector.broadcast %jit3A_137 : i32 to vector<16xi32>
      %max3A_140 = arith.maxsi %max3A_139, %get3A_136 : vector<16xi32>
      %min3A_141 = vector.broadcast %jit3A_138 : i32 to vector<16xi32>
      %min3A_142 = arith.minsi %min3A_141, %max3A_140 : vector<16xi32>
      %broadcast_in_dim3A_143 = vector.broadcast %mul3A_125 : i32 to vector<16xi32>
      %add3A_144 = arith.addi %min3A_142, %broadcast_in_dim3A_143 : vector<16xi32>
      %swap3A_145 = arith.constant 0 : index
      %swap3A_146 = tpu.vector_load %arg13[%swap3A_145] {strides = array<i32>} : memref<64xi32, #tpu.memory_space<vmem>>, vector<16xi32>,
      tpu.vector_store %arg13[%swap3A_145], %add3A_144 {strides = array<i32>} : memref<64xi32, #tpu.memory_space<vmem>>, vector<16xi32>,
      %get3A_147 = arith.constant 16 : index
      %get3A_148 = tpu.vector_load %arg11[%get3A_147] {strides = array<i32>} : memref<96xi32, #tpu.memory_space<vmem>>, vector<16xi32>,
      %get3A_149 = arith.constant 16 : index
      %get3A_150 = tpu.vector_load %arg12[%get3A_149] {strides = array<i32>} : memref<96xi32, #tpu.memory_space<vmem>>, vector<16xi32>,
      %jit3A_151 = arith.constant 0 : i32
      %jit3A_152 = arith.constant 50256 : i32
      %max3A_153 = vector.broadcast %jit3A_151 : i32 to vector<16xi32>
      %max3A_154 = arith.maxsi %max3A_153, %get3A_150 : vector<16xi32>
      %min3A_155 = vector.broadcast %jit3A_152 : i32 to vector<16xi32>
      %min3A_156 = arith.minsi %min3A_155, %max3A_154 : vector<16xi32>
      %broadcast_in_dim3A_157 = vector.broadcast %mul3A_125 : i32 to vector<16xi32>
      %add3A_158 = arith.addi %min3A_156, %broadcast_in_dim3A_157 : vector<16xi32>
      %swap3A_159 = arith.constant 16 : index
      %swap3A_160 = tpu.vector_load %arg13[%swap3A_159] {strides = array<i32>} : memref<64xi32, #tpu.memory_space<vmem>>, vector<16xi32>,
      tpu.vector_store %arg13[%swap3A_159], %add3A_158 {strides = array<i32>} : memref<64xi32, #tpu.memory_space<vmem>>, vector<16xi32>,
      %get3A_161 = arith.constant 32 : index
      %get3A_162 = tpu.vector_load %arg11[%get3A_161] {strides = array<i32>} : memref<96xi32, #tpu.memory_space<vmem>>, vector<16xi32>,
      %get3A_163 = arith.constant 32 : index
      %get3A_164 = tpu.vector_load %arg12[%get3A_163] {strides = array<i32>} : memref<96xi32, #tpu.memory_space<vmem>>, vector<16xi32>,
      %jit3A_165 = arith.constant 0 : i32
      %jit3A_166 = arith.constant 50256 : i32
      %max3A_167 = vector.broadcast %jit3A_165 : i32 to vector<16xi32>
      %max3A_168 = arith.maxsi %max3A_167, %get3A_164 : vector<16xi32>
      %min3A_169 = vector.broadcast %jit3A_166 : i32 to vector<16xi32>
      %min3A_170 = arith.minsi %min3A_169, %max3A_168 : vector<16xi32>
      %broadcast_in_dim3A_171 = vector.broadcast %mul3A_125 : i32 to vector<16xi32>
      %add3A_172 = arith.addi %min3A_170, %broadcast_in_dim3A_171 : vector<16xi32>
      %swap3A_173 = arith.constant 32 : index
      %swap3A_174 = tpu.vector_load %arg13[%swap3A_173] {strides = array<i32>} : memref<64xi32, #tpu.memory_space<vmem>>, vector<16xi32>,
      tpu.vector_store %arg13[%swap3A_173], %add3A_172 {strides = array<i32>} : memref<64xi32, #tpu.memory_space<vmem>>, vector<16xi32>,
      %get3A_175 = arith.constant 48 : index
      %get3A_176 = tpu.vector_load %arg11[%get3A_175] {strides = array<i32>} : memref<96xi32, #tpu.memory_space<vmem>>, vector<16xi32>,
      %get3A_177 = arith.constant 48 : index
      %get3A_178 = tpu.vector_load %arg12[%get3A_177] {strides = array<i32>} : memref<96xi32, #tpu.memory_space<vmem>>, vector<16xi32>,
      %jit3A_179 = arith.constant 0 : i32
      %jit3A_180 = arith.constant 50256 : i32
      %max3A_181 = vector.broadcast %jit3A_179 : i32 to vector<16xi32>
      %max3A_182 = arith.maxsi %max3A_181, %get3A_178 : vector<16xi32>
      %min3A_183 = vector.broadcast %jit3A_180 : i32 to vector<16xi32>
      %min3A_184 = arith.minsi %min3A_183, %max3A_182 : vector<16xi32>
      %broadcast_in_dim3A_185 = vector.broadcast %mul3A_125 : i32 to vector<16xi32>
      %add3A_186 = arith.addi %min3A_184, %broadcast_in_dim3A_185 : vector<16xi32>
      %swap3A_187 = arith.constant 48 : index
      %swap3A_188 = tpu.vector_load %arg13[%swap3A_187] {strides = array<i32>} : memref<64xi32, #tpu.memory_space<vmem>>, vector<16xi32>,
      tpu.vector_store %arg13[%swap3A_187], %add3A_186 {strides = array<i32>} : memref<64xi32, #tpu.memory_space<vmem>>, vector<16xi32>,
      %dma_start3A_189 = arith.constant 0 : i32
      %dma_start3A_190 = tpu.memref_slice %arg3[%dma_start3A_189] : memref<25731584xf32, #tpu.memory_space<hbm>> -> memref<25731584xf32, #tpu.memory_space<hbm>>
      tpu.enqueue_indirect_dma source(%dma_start3A_190 : memref<25731584xf32, #tpu.memory_space<hbm>>) target(%arg14 : memref<64xf32, #tpu.memory_space<vmem>>) offsets(%arg13 : memref<64xi32, #tpu.memory_space<vmem>>) semaphore(%arg19 : memref<!tpu.dma_semaphore, #tpu.memory_space<semaphore_mem>>)
      %dma_wait3A_191 = arith.constant 0 : i32
      %dma_wait3A_192 = tpu.memref_slice %arg3[%dma_wait3A_191] : memref<25731584xf32, #tpu.memory_space<hbm>> -> memref<25731584xf32, #tpu.memory_space<hbm>>
      tpu.wait_indirect_dma semaphore(%arg19 : memref<!tpu.dma_semaphore, #tpu.memory_space<semaphore_mem>>) src(%dma_wait3A_192 : memref<25731584xf32, #tpu.memory_space<hbm>>) dst(%arg14 : memref<64xf32, #tpu.memory_space<vmem>>)
      %parallel_loop3A_193 = arith.constant 0 : i32
      %parallel_loop3A_194 = arith.constant 64 : i32
      %parallel_loop3A_195 = arith.constant 1 : i32
      %parallel_loop3A_196:4 = scf.for %parallel_loop3A_309 = %parallel_loop3A_193 to %parallel_loop3A_194 step %parallel_loop3A_195 iter_args(%parallel_loop3A_310 = %broadcast_in_dim3A_7, %parallel_loop3A_311 = %broadcast_in_dim3A_7, %parallel_loop3A_312 = %broadcast_in_dim3A_7, %parallel_loop3A_313 = %broadcast_in_dim3A_7) -> (vector<16xi32>, vector<16xi32>, vector<16xi32>, vector<16xi32>)  : i32 {
        %parallel_loop3A_314 = vector.broadcast %parallel_loop3A_309 : i32 to vector<16xi32>
        %parallel_loop3A_315 = tpu.vector_load_idx %arg11[%parallel_loop3A_314] : memref<96xi32, #tpu.memory_space<vmem>>[vector<16xi32>], vector<16xi32>,
        %parallel_loop3A_316 = tpu.vector_load_idx %arg12[%parallel_loop3A_314] : memref<96xi32, #tpu.memory_space<vmem>>[vector<16xi32>], vector<16xi32>,
        %parallel_loop3A_317 = arith.cmpi sgt, %parallel_loop3A_315, %get3A_134 : vector<16xi32>
        %parallel_loop3A_318 = arith.cmpi eq, %parallel_loop3A_315, %get3A_134 : vector<16xi32>
        %parallel_loop3A_319 = arith.cmpi slt, %parallel_loop3A_316, %get3A_136 : vector<16xi32>
        %parallel_loop3A_320 = arith.andi %parallel_loop3A_318, %parallel_loop3A_319 : vector<16xi1>
        %parallel_loop3A_321 = arith.ori %parallel_loop3A_317, %parallel_loop3A_320 : vector<16xi1>
        %parallel_loop3A_322 = arith.extui %parallel_loop3A_321 : vector<16xi1> to vector<16xi32>
        %parallel_loop3A_323 = arith.addi %parallel_loop3A_310, %parallel_loop3A_322 : vector<16xi32>
        %parallel_loop3A_324 = arith.cmpi sgt, %parallel_loop3A_315, %get3A_148 : vector<16xi32>
        %parallel_loop3A_325 = arith.cmpi eq, %parallel_loop3A_315, %get3A_148 : vector<16xi32>
        %parallel_loop3A_326 = arith.cmpi slt, %parallel_loop3A_316, %get3A_150 : vector<16xi32>
        %parallel_loop3A_327 = arith.andi %parallel_loop3A_325, %parallel_loop3A_326 : vector<16xi1>
        %parallel_loop3A_328 = arith.ori %parallel_loop3A_324, %parallel_loop3A_327 : vector<16xi1>
        %parallel_loop3A_329 = arith.extui %parallel_loop3A_328 : vector<16xi1> to vector<16xi32>
        %parallel_loop3A_330 = arith.addi %parallel_loop3A_311, %parallel_loop3A_329 : vector<16xi32>
        %parallel_loop3A_331 = arith.cmpi sgt, %parallel_loop3A_315, %get3A_162 : vector<16xi32>
        %parallel_loop3A_332 = arith.cmpi eq, %parallel_loop3A_315, %get3A_162 : vector<16xi32>
        %parallel_loop3A_333 = arith.cmpi slt, %parallel_loop3A_316, %get3A_164 : vector<16xi32>
        %parallel_loop3A_334 = arith.andi %parallel_loop3A_332, %parallel_loop3A_333 : vector<16xi1>
        %parallel_loop3A_335 = arith.ori %parallel_loop3A_331, %parallel_loop3A_334 : vector<16xi1>
        %parallel_loop3A_336 = arith.extui %parallel_loop3A_335 : vector<16xi1> to vector<16xi32>
        %parallel_loop3A_337 = arith.addi %parallel_loop3A_312, %parallel_loop3A_336 : vector<16xi32>
        %parallel_loop3A_338 = arith.cmpi sgt, %parallel_loop3A_315, %get3A_176 : vector<16xi32>
        %parallel_loop3A_339 = arith.cmpi eq, %parallel_loop3A_315, %get3A_176 : vector<16xi32>
        %parallel_loop3A_340 = arith.cmpi slt, %parallel_loop3A_316, %get3A_178 : vector<16xi32>
        %parallel_loop3A_341 = arith.andi %parallel_loop3A_339, %parallel_loop3A_340 : vector<16xi1>
        %parallel_loop3A_342 = arith.ori %parallel_loop3A_338, %parallel_loop3A_341 : vector<16xi1>
        %parallel_loop3A_343 = arith.extui %parallel_loop3A_342 : vector<16xi1> to vector<16xi32>
        %parallel_loop3A_344 = arith.addi %parallel_loop3A_313, %parallel_loop3A_343 : vector<16xi32>
        scf.yield %parallel_loop3A_323, %parallel_loop3A_330, %parallel_loop3A_337, %parallel_loop3A_344 : vector<16xi32>, vector<16xi32>, vector<16xi32>, vector<16xi32>
      } {sc.loop_unroll_factor = 4 : i64, sc.parallel_access}
      %broadcast_in_dim3A_197 = vector.broadcast %scan3A_23 : i32 to vector<16xi32>
      %gather3A = tpu.vector_load_idx %arg16[%broadcast_in_dim3A_197] : memref<16xi32, #tpu.memory_space<vmem>>[vector<16xi32>], vector<16xi32>,
      %broadcast_in_dim3A_198 = arith.constant 0xFF800000 : f32
      %broadcast_in_dim3A_199 = vector.broadcast %broadcast_in_dim3A_198 : f32 to vector<16xf32>
      %gather3A_200 = tpu.vector_load_idx %arg15[%parallel_loop3A_196#0] : memref<80xf32, #tpu.memory_space<vmem>>[vector<16xi32>], vector<16xf32>,
      %get3A_201 = arith.constant 0 : index
      %get3A_202 = tpu.vector_load %arg14[%get3A_201] {strides = array<i32>} : memref<64xf32, #tpu.memory_space<vmem>>, vector<16xf32>,
      %neg3A = arith.constant 0.000000e+00 : f32
      %neg3A_203 = vector.broadcast %neg3A : f32 to vector<16xf32>
      %neg3A_204 = arith.subf %neg3A_203, %get3A_202 : vector<16xf32>
      %eq3A = arith.cmpi eq, %get3A_136, %gather3A : vector<16xi32>
      %mul3A_205 = arith.constant 1.000000e-10 : f32
      %mul3A_206 = vector.broadcast %mul3A_205 : f32 to vector<16xf32>
      %mul3A_207 = arith.mulf %neg3A_204, %mul3A_206 : vector<16xf32>
      %select_n3A_208 = arith.select %eq3A, %mul3A_207, %neg3A_204 : vector<16xi1>, vector<16xf32>
      %add3A_209 = arith.addf %select_n3A_208, %gather3A_200 : vector<16xf32>
      %max3A_210 = arith.maximumf %broadcast_in_dim3A_199, %add3A_209 : vector<16xf32>
      %gather3A_211 = tpu.vector_load_idx %arg15[%parallel_loop3A_196#1] : memref<80xf32, #tpu.memory_space<vmem>>[vector<16xi32>], vector<16xf32>,
      %get3A_212 = arith.constant 16 : index
      %get3A_213 = tpu.vector_load %arg14[%get3A_212] {strides = array<i32>} : memref<64xf32, #tpu.memory_space<vmem>>, vector<16xf32>,
      %neg3A_214 = arith.constant 0.000000e+00 : f32
      %neg3A_215 = vector.broadcast %neg3A_214 : f32 to vector<16xf32>
      %neg3A_216 = arith.subf %neg3A_215, %get3A_213 : vector<16xf32>
      %eq3A_217 = arith.cmpi eq, %get3A_150, %gather3A : vector<16xi32>
      %mul3A_218 = arith.constant 1.000000e-10 : f32
      %mul3A_219 = vector.broadcast %mul3A_218 : f32 to vector<16xf32>
      %mul3A_220 = arith.mulf %neg3A_216, %mul3A_219 : vector<16xf32>
      %select_n3A_221 = arith.select %eq3A_217, %mul3A_220, %neg3A_216 : vector<16xi1>, vector<16xf32>
      %add3A_222 = arith.addf %select_n3A_221, %gather3A_211 : vector<16xf32>
      %max3A_223 = arith.maximumf %max3A_210, %add3A_222 : vector<16xf32>
      %gather3A_224 = tpu.vector_load_idx %arg15[%parallel_loop3A_196#2] : memref<80xf32, #tpu.memory_space<vmem>>[vector<16xi32>], vector<16xf32>,
      %get3A_225 = arith.constant 32 : index
      %get3A_226 = tpu.vector_load %arg14[%get3A_225] {strides = array<i32>} : memref<64xf32, #tpu.memory_space<vmem>>, vector<16xf32>,
      %neg3A_227 = arith.constant 0.000000e+00 : f32
      %neg3A_228 = vector.broadcast %neg3A_227 : f32 to vector<16xf32>
      %neg3A_229 = arith.subf %neg3A_228, %get3A_226 : vector<16xf32>
      %eq3A_230 = arith.cmpi eq, %get3A_164, %gather3A : vector<16xi32>
      %mul3A_231 = arith.constant 1.000000e-10 : f32
      %mul3A_232 = vector.broadcast %mul3A_231 : f32 to vector<16xf32>
      %mul3A_233 = arith.mulf %neg3A_229, %mul3A_232 : vector<16xf32>
      %select_n3A_234 = arith.select %eq3A_230, %mul3A_233, %neg3A_229 : vector<16xi1>, vector<16xf32>
      %add3A_235 = arith.addf %select_n3A_234, %gather3A_224 : vector<16xf32>
      %max3A_236 = arith.maximumf %max3A_223, %add3A_235 : vector<16xf32>
      %gather3A_237 = tpu.vector_load_idx %arg15[%parallel_loop3A_196#3] : memref<80xf32, #tpu.memory_space<vmem>>[vector<16xi32>], vector<16xf32>,
      %get3A_238 = arith.constant 48 : index
      %get3A_239 = tpu.vector_load %arg14[%get3A_238] {strides = array<i32>} : memref<64xf32, #tpu.memory_space<vmem>>, vector<16xf32>,
      %neg3A_240 = arith.constant 0.000000e+00 : f32
      %neg3A_241 = vector.broadcast %neg3A_240 : f32 to vector<16xf32>
      %neg3A_242 = arith.subf %neg3A_241, %get3A_239 : vector<16xf32>
      %eq3A_243 = arith.cmpi eq, %get3A_178, %gather3A : vector<16xi32>
      %mul3A_244 = arith.constant 1.000000e-10 : f32
      %mul3A_245 = vector.broadcast %mul3A_244 : f32 to vector<16xf32>
      %mul3A_246 = arith.mulf %neg3A_242, %mul3A_245 : vector<16xf32>
      %select_n3A_247 = arith.select %eq3A_243, %mul3A_246, %neg3A_242 : vector<16xi1>, vector<16xf32>
      %add3A_248 = arith.addf %select_n3A_247, %gather3A_237 : vector<16xf32>
      %lt3A_249 = arith.constant 2 : i32
      %lt3A_250 = vector.broadcast %lt3A_249 : i32 to vector<16xi32>
      %lt3A_251 = arith.cmpi slt, %iota3A, %lt3A_250 : vector<16xi32>
      %broadcast_in_dim3A_252 = arith.constant 0xFF800000 : f32
      %broadcast_in_dim3A_253 = vector.broadcast %broadcast_in_dim3A_252 : f32 to vector<16xf32>
      %select_n3A_254 = arith.select %lt3A_251, %add3A_248, %broadcast_in_dim3A_253 : vector<16xi1>, vector<16xf32>
      %max3A_255 = arith.maximumf %max3A_236, %select_n3A_254 : vector<16xf32>
      %reduce_max3A = arith.constant true
      %reduce_max3A_256 = vector.broadcast %reduce_max3A : i1 to vector<16xi1>
      %reduce_max3A_257 = tpu.scan <max>, %max3A_255 masked %reduce_max3A_256 : vector<16xf32>, vector<16xi1> -> vector<16xf32>
      %reduce_max3A_258 = vector.extract %reduce_max3A_257[15] : f32 from vector<16xf32>
      %broadcast_in_dim3A_259 = vector.broadcast %reduce_max3A_258 : f32 to vector<16xf32>
      %broadcast_in_dim3A_260 = arith.constant 64 : i32
      %broadcast_in_dim3A_261 = vector.broadcast %broadcast_in_dim3A_260 : i32 to vector<16xi32>
      %eq3A_262 = arith.cmpf oeq, %add3A_209, %broadcast_in_dim3A_259 : vector<16xf32>
      %broadcast_in_dim3A_263 = arith.constant 64 : i32
      %broadcast_in_dim3A_264 = vector.broadcast %broadcast_in_dim3A_263 : i32 to vector<16xi32>
      %select_n3A_265 = arith.select %eq3A_262, %parallel_loop3A_196#0, %broadcast_in_dim3A_264 : vector<16xi1>, vector<16xi32>
      %min3A_266 = arith.minsi %broadcast_in_dim3A_261, %select_n3A_265 : vector<16xi32>
      %eq3A_267 = arith.cmpf oeq, %add3A_222, %broadcast_in_dim3A_259 : vector<16xf32>
      %broadcast_in_dim3A_268 = arith.constant 64 : i32
      %broadcast_in_dim3A_269 = vector.broadcast %broadcast_in_dim3A_268 : i32 to vector<16xi32>
      %select_n3A_270 = arith.select %eq3A_267, %parallel_loop3A_196#1, %broadcast_in_dim3A_269 : vector<16xi1>, vector<16xi32>
      %min3A_271 = arith.minsi %min3A_266, %select_n3A_270 : vector<16xi32>
      %eq3A_272 = arith.cmpf oeq, %add3A_235, %broadcast_in_dim3A_259 : vector<16xf32>
      %broadcast_in_dim3A_273 = arith.constant 64 : i32
      %broadcast_in_dim3A_274 = vector.broadcast %broadcast_in_dim3A_273 : i32 to vector<16xi32>
      %select_n3A_275 = arith.select %eq3A_272, %parallel_loop3A_196#2, %broadcast_in_dim3A_274 : vector<16xi1>, vector<16xi32>
      %min3A_276 = arith.minsi %min3A_271, %select_n3A_275 : vector<16xi32>
      %eq3A_277 = arith.cmpf oeq, %select_n3A_254, %broadcast_in_dim3A_259 : vector<16xf32>
      %broadcast_in_dim3A_278 = arith.constant 64 : i32
      %broadcast_in_dim3A_279 = vector.broadcast %broadcast_in_dim3A_278 : i32 to vector<16xi32>
      %select_n3A_280 = arith.select %eq3A_277, %parallel_loop3A_196#3, %broadcast_in_dim3A_279 : vector<16xi1>, vector<16xi32>
      %min3A_281 = arith.minsi %min3A_276, %select_n3A_280 : vector<16xi32>
      %reduce_min3A = arith.constant true
      %reduce_min3A_282 = vector.broadcast %reduce_min3A : i1 to vector<16xi1>
      %reduce_min3A_283 = arith.constant -2147483648 : i32
      %reduce_min3A_284 = vector.broadcast %reduce_min3A_283 : i32 to vector<16xi32>
      %reduce_min3A_285 = arith.xori %min3A_281, %reduce_min3A_284 : vector<16xi32>
      %reduce_min3A_286 = tpu.scan <min>, %reduce_min3A_285 masked %reduce_min3A_282 : vector<16xi32>, vector<16xi1> -> vector<16xi32>
      %reduce_min3A_287 = arith.xori %reduce_min3A_286, %reduce_min3A_284 : vector<16xi32>
      %reduce_min3A_288 = vector.extract %reduce_min3A_287[15] : i32 from vector<16xi32>
      %broadcast_in_dim3A_289 = vector.broadcast %reduce_min3A_288 : i32 to vector<16xi32>
      %eq3A_290 = arith.cmpi eq, %parallel_loop3A_196#0, %broadcast_in_dim3A_289 : vector<16xi32>
      %select_n3A_291 = arith.select %eq3A_290, %get3A_136, %broadcast_in_dim3A_5 : vector<16xi1>, vector<16xi32>
      %add3A_292 = arith.addi %broadcast_in_dim3A_5, %select_n3A_291 : vector<16xi32>
      %eq3A_293 = arith.cmpi eq, %parallel_loop3A_196#1, %broadcast_in_dim3A_289 : vector<16xi32>
      %select_n3A_294 = arith.select %eq3A_293, %get3A_150, %broadcast_in_dim3A_5 : vector<16xi1>, vector<16xi32>
      %add3A_295 = arith.addi %add3A_292, %select_n3A_294 : vector<16xi32>
      %eq3A_296 = arith.cmpi eq, %parallel_loop3A_196#2, %broadcast_in_dim3A_289 : vector<16xi32>
      %select_n3A_297 = arith.select %eq3A_296, %get3A_164, %broadcast_in_dim3A_5 : vector<16xi1>, vector<16xi32>
      %add3A_298 = arith.addi %add3A_295, %select_n3A_297 : vector<16xi32>
      %eq3A_299 = arith.cmpi eq, %parallel_loop3A_196#3, %broadcast_in_dim3A_289 : vector<16xi32>
      %select_n3A_300 = arith.select %eq3A_299, %get3A_178, %broadcast_in_dim3A_5 : vector<16xi1>, vector<16xi32>
      %add3A_301 = arith.addi %add3A_298, %select_n3A_300 : vector<16xi32>
      %reduce_sum3A = arith.constant true
      %reduce_sum3A_302 = vector.broadcast %reduce_sum3A : i1 to vector<16xi1>
      %reduce_sum3A_303 = tpu.scan <sum>, %add3A_301 masked %reduce_sum3A_302 : vector<16xi32>, vector<16xi1> -> vector<16xi32>
      %reduce_sum3A_304 = vector.extract %reduce_sum3A_303[15] : i32 from vector<16xi32>
      %broadcast_in_dim3A_305 = vector.broadcast %reduce_sum3A_304 : i32 to vector<16xi32>
      %broadcast_in_dim3A_306 = vector.broadcast %scan3A_23 : i32 to vector<16xi32>
      %eq3A_307 = arith.cmpi eq, %iota3A, %broadcast_in_dim3A_306 : vector<16xi32>
      %select_n3A_308 = arith.select %eq3A_307, %broadcast_in_dim3A_305, %scan3A_24 : vector<16xi1>, vector<16xi32>
      scf.yield %select_n3A_308 : vector<16xi32>
    }
    %scan3A_14 = arith.constant 16 : i32
    %jit3A = arith.constant 0 : i32
    %jit3A_15 = arith.constant 50256 : i32
    %max3A = vector.broadcast %jit3A : i32 to vector<16xi32>
    %max3A_16 = arith.maxsi %max3A, %scan3A_13 : vector<16xi32>
    %min3A = vector.broadcast %jit3A_15 : i32 to vector<16xi32>
    %min3A_17 = arith.minsi %min3A, %max3A_16 : vector<16xi32>
    %swap3A = arith.constant 0 : index
    %swap3A_18 = tpu.vector_load %arg17[%swap3A] {strides = array<i32>} : memref<16xi32, #tpu.memory_space<vmem>>, vector<16xi32>,
    tpu.vector_store %arg17[%swap3A], %min3A_17 {strides = array<i32>} : memref<16xi32, #tpu.memory_space<vmem>>, vector<16xi32>,
    %dma_start3A = arith.constant 0 : i32
    %dma_start3A_19 = arith.constant 0 : i32
    %dma_start3A_20 = tpu.memref_slice %arg6[%dma_start3A, %dma_start3A_19] : memref<50257x768xf32, #tpu.memory_space<hbm>> -> memref<50257x768xf32, #tpu.memory_space<hbm>>
    tpu.enqueue_indirect_dma source(%dma_start3A_20 : memref<50257x768xf32, #tpu.memory_space<hbm>>) target(%arg18 : memref<16x768xf32, #tpu.memory_space<vmem>>) offsets(%arg17 : memref<16xi32, #tpu.memory_space<vmem>>) semaphore(%arg19 : memref<!tpu.dma_semaphore, #tpu.memory_space<semaphore_mem>>)
    %dma_wait3A = arith.constant 0 : i32
    %dma_wait3A_21 = arith.constant 0 : i32
    %dma_wait3A_22 = tpu.memref_slice %arg6[%dma_wait3A, %dma_wait3A_21] : memref<50257x768xf32, #tpu.memory_space<hbm>> -> memref<50257x768xf32, #tpu.memory_space<hbm>>
    tpu.wait_indirect_dma semaphore(%arg19 : memref<!tpu.dma_semaphore, #tpu.memory_space<semaphore_mem>>) src(%dma_wait3A_22 : memref<50257x768xf32, #tpu.memory_space<hbm>>) dst(%arg18 : memref<16x768xf32, #tpu.memory_space<vmem>>)
    "tpu.region"() ({
      %run_scoped3A = tpu.sem_alloc : memref<!tpu.dma_semaphore, #tpu.memory_space<semaphore_mem>>
      %dma_start3A_23 = arith.constant 0 : i32
      %dma_start3A_24 = tpu.memref_slice %arg7[%mul3A_2, %dma_start3A_23] : memref<512x768xf32, #tpu.memory_space<hbm>> -> memref<16x768xf32, #tpu.memory_space<hbm>>
      %dma_start3A_25 = arith.constant 0 : i32
      %dma_start3A_26 = tpu.memref_slice %arg7[%mul3A_2, %dma_start3A_25] : memref<512x768xf32, #tpu.memory_space<hbm>> -> memref<16x768xf32, #tpu.memory_space<hbm>>
      tpu.enqueue_dma source(%arg18 : memref<16x768xf32, #tpu.memory_space<vmem>>) target(%dma_start3A_26 : memref<16x768xf32, #tpu.memory_space<hbm>>) target_semaphore(%run_scoped3A : memref<!tpu.dma_semaphore, #tpu.memory_space<semaphore_mem>>)
      %dma_wait3A_27 = arith.constant 0 : i32
      %dma_wait3A_28 = tpu.memref_slice %arg7[%mul3A_2, %dma_wait3A_27] : memref<512x768xf32, #tpu.memory_space<hbm>> -> memref<16x768xf32, #tpu.memory_space<hbm>>
      %dma_wait3A_29 = arith.constant 0 : i32
      %dma_wait3A_30 = tpu.memref_slice %arg7[%mul3A_2, %dma_wait3A_29] : memref<512x768xf32, #tpu.memory_space<hbm>> -> memref<16x768xf32, #tpu.memory_space<hbm>>
      tpu.wait_dma2 semaphore(%run_scoped3A : memref<!tpu.dma_semaphore, #tpu.memory_space<semaphore_mem>>) src(%arg18 : memref<16x768xf32, #tpu.memory_space<vmem>>) dst(%dma_wait3A_30 : memref<16x768xf32, #tpu.memory_space<hbm>>)
      tpu.yield
    }) : () -> ()
    "tpu.region"() ({
      %run_scoped3A = tpu.sem_alloc : memref<!tpu.dma_semaphore, #tpu.memory_space<semaphore_mem>>
      %dma_start3A_23 = tpu.memref_slice %arg8[%mul3A_2] : memref<512xi32, #tpu.memory_space<hbm>> -> memref<16xi32, #tpu.memory_space<hbm>>
      %dma_start3A_24 = tpu.memref_slice %arg8[%mul3A_2] : memref<512xi32, #tpu.memory_space<hbm>> -> memref<16xi32, #tpu.memory_space<hbm>>
      tpu.enqueue_dma source(%arg17 : memref<16xi32, #tpu.memory_space<vmem>>) target(%dma_start3A_24 : memref<16xi32, #tpu.memory_space<hbm>>) target_semaphore(%run_scoped3A : memref<!tpu.dma_semaphore, #tpu.memory_space<semaphore_mem>>)
      %dma_wait3A_25 = tpu.memref_slice %arg8[%mul3A_2] : memref<512xi32, #tpu.memory_space<hbm>> -> memref<16xi32, #tpu.memory_space<hbm>>
      %dma_wait3A_26 = tpu.memref_slice %arg8[%mul3A_2] : memref<512xi32, #tpu.memory_space<hbm>> -> memref<16xi32, #tpu.memory_space<hbm>>
      tpu.wait_dma2 semaphore(%run_scoped3A : memref<!tpu.dma_semaphore, #tpu.memory_space<semaphore_mem>>) src(%arg17 : memref<16xi32, #tpu.memory_space<vmem>>) dst(%dma_wait3A_26 : memref<16xi32, #tpu.memory_space<hbm>>)
      tpu.yield
    }) : () -> ()
    return
  }
}

</mosaic_0001>

<sc_bundles>
// kernel: _sc_sample.3.cloned.1.call-start
scs
__scs_entry_jumppad:
0x0: {  	(pc) =	sbr.rel $0x88, $3  }
0x1: {  	(tag) =	ssettag $0x0;
	lr =	simm.s32 $0x1  }
0x2: {  	[smem:$0x3F9C] =	sst lr;
	_ =	strace $0xD0000000  }
0x3: {  	_ = 	snop  }
0x4: {  	_ = 	snop  }
0x5: {  	_ = 	snop  }
0x6: {  	_ = 	snop  }
0x7: {  	_ = 	snop  }
__scs_overlays_trampoline_lowered:
0x8: {  	[smem:$0x3FAB] =	sst s0  }
0x9: {  	[smem:$0x3FAC] =	sst s1  }
0xa: {  	[smem:$0x3FAD] =	sst s2  }
0xb: {  	[smem:$0x3FAE] =	sst s3  }
0xc: {  	[smem:$0x3FAF] =	sst s4  }
0xd: {  	[smem:$0x3FB0] =	sst s5  }
0xe: {  	[smem:$0x3FB1] =	sst s6  }
0xf: {  	[smem:$0x3FB2] =	sst s7  }
0x10: {  	[smem:$0x3FB3] =	sst s8  }
0x11: {  	[smem:$0x3FB4] =	sst s9;
	s0 =	simm.s32 @!p0 $0x0  }
0x12: {  	s1 =	sld [smem:$0x3F9A];
	s0 =	simm.s32 @p0 $0x1  }
0x13: {  	[smem:$0x3FB5] =	sst s0;
	s0 =	simm.s32 @!p1 $0x0  }
0x14: {  	s2 =	sld [smem:$0x3F99];
	s0 =	simm.s32 @p1 $0x1  }
0x15: {  	[smem:$0x3FB6] =	sst s0;
	s0 =	simm.s32 @!p2 $0x0  }
0x16: {  	s3 =	sld [smem:$0x3FDB];
	s0 =	simm.s32 @p2 $0x1  }
0x17: {  	s4 =	simm.s32 $0x1BF5;
	[smem:$0x3FB8] =	sst s0  }
0x18: {  	s0 =	sld [smem:$0x3F9B];
	_ =	swait.ge [sflag:s4], $0x0  }
0x19: {  	s7 =	sld [smem:$0x3F9C]  }
0x1a: {  	s8 =	sadd.s32 $0xFFFFE003, lr  }
0x1b: {  	s9 =	sadd.s32 $0xFFFFFEF7, lr;
	s5 =	simm.s32 $0xFFFFFFFF;
	p2 =	slt.u32 s8, $0xFFFFF086  }
0x1c: {  	p1 =	slt.u32 s9, $0xF7A;
	s5 =	simm.s32 @!p2 $0x0  }
0x1d: {  	s5 =	simm.s32 @p1 $0x1;
	p0 =	seq.s32 s7, s2  }
0x1e: {  	s7 =	smul.u32 @!p0 $0xF7A, s2;
	p2 =	seq.s32 @!p0 s5, $0x0  }
0x1f: {  	s9 =	smul.u32 $0xF7A, s1;
	s8 =	simm.s32 @!p0 $0x1BF5;
	p2 =	por !p2, p0  }
0x20: {  	[sflag:s8] =	ssyncset.s32 @!p0 $0xFFFFF086;
	s6 =	sadd.s32 @!p0 s3, s7;
	s7 =	simm.s32 @!p0 $0x108  }
0x21: {  	s3 =	sadd.s32 s3, s9;
	s6 =	sadd.s32 @!p0 $0x88, s6;
	s7 =	simm.s32 @p2 $0x1082  }
0x22: {  	[simem:s7], [sflag:s8] =	dma.local @!p0 [hbm:s6], $0xF7A  }
0x23: {  	s9 =	sor.u32 $0xD0000000, s2;
	s6 =	simm.s32 $0x108;
	_ =	swait.ge @!p0 [sflag:s8], $0x0  }
0x24: {  	s3 =	sadd.s32 $0x88, s3;
	s6 =	simm.s32 @!p1 $0x1082;
	[sflag:s4] =	ssyncset.s32 $0xFFFFF086  }
0x25: {  	[simem:s6], [sflag:s4] =	dma.local [hbm:s3], $0xF7A  }
0x26: {  	[smem:$0x3F9C] =	sst s1;
	(tag) =	ssettag s2;
	_ =	strace s9  }
0x27: {  	s1 =	sld [smem:$0x3FAC]  }
0x28: {  	s2 =	sld [smem:$0x3FAD]  }
0x29: {  	s4 =	sld [smem:$0x3FAF]  }
0x2a: {  	p0 =	seq.s32 s5, $0x0;
	s5 =	sld [smem:$0x3FB0]  }
0x2b: {  	s6 =	sld [smem:$0x3FB1]  }
0x2c: {  	s7 =	sld [smem:$0x3FB2]  }
0x2d: {  	s3 =	simm.s32 $0x108;
	s8 =	sld [smem:$0x3FB3]  }
0x2e: {  	s3 =	simm.s32 @!p0 $0x1082;
	s9 =	sld [smem:$0x3FB4]  }
0x2f: {  	lr =	sadd.s32 s0, s3;
	s0 =	sld [smem:$0x3FAB]  }
0x30: {  	s3 =	sld [smem:$0x3FAE]  }
0x31: {  	[smem:$0x3FB7] =	sst s10  }
0x32: {  	s10 =	sld [smem:$0x3FB5];
	_ =	sdelay $0x3  }
0x33: {  	p0 =	seq.s32 s10, $0x1;
	s10 =	sld [smem:$0x3FB7];
	_ =	sdelay $0x3  }
0x34: {  	[smem:$0x3FB7] =	sst s10  }
0x35: {  	s10 =	sld [smem:$0x3FB6];
	_ =	sdelay $0x3  }
0x36: {  	p1 =	seq.s32 s10, $0x1;
	s10 =	sld [smem:$0x3FB7];
	_ =	sdelay $0x3  }
0x37: {  	[smem:$0x3FB7] =	sst s10  }
0x38: {  	s10 =	sld [smem:$0x3FB8]  }
0x39: {  	_ = 	snop;
	(pc) =	sbr.ind lr, $3  }
0x3a: {  	_ = 	snop  }
0x3b: {  	_ = 	snop  }
0x3c: {  	p2 =	seq.s32 s10, $0x1;
	s10 =	sld [smem:$0x3FB7]  }
0x3d: {  	_ =	shalt  }
0x3e: {  	_ =	shalt  }
0x3f: {  	_ =	shalt  }
0x40: {  	_ =	shalt  }
0x41: {  	_ =	shalt  }
0x42: {  	_ =	shalt  }
0x43: {  	_ =	shalt  }
0x44: {  	_ =	shalt  }
0x45: {  	_ =	shalt  }
0x46: {  	_ =	shalt  }
0x47: {  	_ =	shalt  }
0x48: {  	_ =	shalt  }
0x49: {  	_ =	shalt  }
0x4a: {  	_ =	shalt  }
0x4b: {  	_ =	shalt  }
0x4c: {  	_ =	shalt  }
0x4d: {  	_ =	shalt  }
0x4e: {  	_ =	shalt  }
0x4f: {  	_ =	shalt  }
0x50: {  	_ =	shalt  }
0x51: {  	_ =	shalt  }
0x52: {  	_ =	shalt  }
0x53: {  	_ =	shalt  }
0x54: {  	_ =	shalt  }
0x55: {  	_ =	shalt  }
0x56: {  	_ =	shalt  }
0x57: {  	_ =	shalt  }
0x58: {  	_ =	shalt  }
0x59: {  	_ =	shalt  }
0x5a: {  	_ =	shalt  }
0x5b: {  	_ =	shalt  }
0x5c: {  	_ =	shalt  }
0x5d: {  	_ =	shalt  }
0x5e: {  	_ =	shalt  }
0x5f: {  	_ =	shalt  }
0x60: {  	_ =	shalt  }
0x61: {  	_ =	shalt  }
0x62: {  	_ =	shalt  }
0x63: {  	_ =	shalt  }
0x64: {  	_ =	shalt  }
0x65: {  	_ =	shalt  }
0x66: {  	_ =	shalt  }
0x67: {  	_ =	shalt  }
0x68: {  	_ =	shalt  }
0x69: {  	_ =	shalt  }
0x6a: {  	_ =	shalt  }
0x6b: {  	_ =	shalt  }
0x6c: {  	_ =	shalt  }
0x6d: {  	_ =	shalt  }
0x6e: {  	_ =	shalt  }
0x6f: {  	_ =	shalt  }
0x70: {  	_ =	shalt  }
0x71: {  	_ =	shalt  }
0x72: {  	_ =	shalt  }
0x73: {  	_ =	shalt  }
0x74: {  	_ =	shalt  }
0x75: {  	_ =	shalt  }
0x76: {  	_ =	shalt  }
0x77: {  	_ =	shalt  }
0x78: {  	_ =	shalt  }
0x79: {  	_ =	shalt  }
0x7a: {  	_ =	shalt  }
0x7b: {  	_ =	shalt  }
0x7c: {  	_ =	shalt  }
0x7d: {  	_ =	shalt  }
0x7e: {  	_ =	shalt  }
0x7f: {  	_ =	shalt  }
0x80: {  	_ =	shalt  }
0x81: {  	_ =	shalt  }
0x82: {  	_ =	shalt  }
0x83: {  	_ =	shalt  }
0x84: {  	_ =	shalt  }
0x85: {  	_ =	shalt  }
0x86: {  	_ =	shalt  }
0x87: {  	_ =	shalt  }
.Lfunc_end0:
.L_simem_size_0:
called_computation_lowered:
.L_overlay_start_0:
0x88: {  	s2 =	sld [smem:$0x3FD9]  }
0x89: {  	s3 =	sld [smem:$0x3FFE];
	_ =	sdelay $0x1  }
0x8a: {  	s1 =	srdreg.scid  }
0x8b: {  	s0 =	sand.u32 $0x1, s1  }
0x8c: {  	s14 =	sshll.u32 s0, $0xA;
	s2 =	sadd.s32 s3, s2  }
0x8d: {  	s2 =	sadd.s32 s2, s14  }
0x8e: {  	[smem:$0x3FC3] =	sst s2  }
0x8f: {  	_ = 	snop  }
0x90: {  	s2 =	sld [smem:$0x3FD0]  }
0x91: {  	s15 =	sld [smem:$0x3FC8]  }
0x92: {  	s4 =	sld [smem:$0x3FC7]  }
0x93: {  	s6 =	simm.s32 $0xA;
	s7 =	simm.s32 $0x10;
	s5 =	sld [smem:$0x3FC5]  }
0x94: {  	[smem:s7], [sflag:s6] =	dma.local [hbm:s2], $0x1  }
0x95: {  	_ =	swait.eq [sflag:s6], $0x1  }
0x96: {  	[sflag:s6] =	ssyncset.done $0x0  }
0x97: {  	s16 =	sld [smem:$0x10];
	[sflag:s6] =	ssyncadd.s32 $0xFFFFFFFF  }
0x98: {  	s17 =	sld [smem:$0x11];
	(tm) =	ssettm $0x1  }
0x99: {  	s18 =	sld [smem:$0x3FFB];
	_ =	sdelay $0x3  }
0x9a: {  	_ =	strace s18  }
0x9b: {  	s7 =	sld [smem:$0x3FFC];
	_ =	sdelay $0x3  }
0x9c: {  	_ =	strace s7  }
0x9d: {  	s7 =	sld [smem:$0x3FFD];
	_ =	sdelay $0x3  }
0x9e: {  	_ =	strace s7  }
0x9f: {  	_ =	strace $0x8FFFFFFF  }
0xa0: {  	s19 =	sld [smem:$0x3FDB];
	_ =	sdelay $0x1  }
0xa1: {  	s8 =	simm.s32 $_scs_section_size  }
0xa2: {  	s9 =	simm.s32 $_size__tile_overlayer_lowered;
	s10 =	simm.s32 $_tile_overlayer_lowered  }
0xa3: {  	s22 =	simm.s32 $0x1BFF;
	s21 =	sshll.u32 s10, $0x1;
	s7 =	sadd.s32 s8, s19  }
0xa4: {  	s11 =	simm.s32 $0x0;
	s20 =	sshll.u32 s9, $0x1;
	s9 =	sadd.s32 s21, s7  }
0xa5: {  	[timem:s11], [sflag:s22] =	dma.local [hbm:s9], s20  }
0xa6: {  	_ =	swait.ge [sflag:s22], s20  }
0xa7: {  	s8 =	ssub.s32 $0x0, s20;
	[sflag:s22] =	ssyncset.done $0x0  }
0xa8: {  	[sflag:s22] =	ssyncadd.s32 s8;
	_ =	sdelay $0x1  }
0xa9: {  	s23 =	simm.s32 $0x1B8B  }
0xaa: {  	_ =	swait.ge [sflag:s23], $0x1  }
0xab: {  	[sflag:s23] =	ssyncset.done $0x0  }
0xac: {  	s25 =	simm.s32 $0x1B8E;
	s24 =	sld [smem:$0x3FFE];
	[sflag:s23] =	ssyncadd.s32 $0xFFFFFFFF  }
0xad: {  	s26 =	simm.s32 $execute0_lowered;
	[smem:$0x3FD2] =	sst s25  }
0xae: {  	s9 =	sshll.u32 s26, $0x1;
	_ =	strace $0x80000046;
	[dreg:$0x1] =	wrdreg $0xFFFFFFFF  }
0xaf: {  	s28 =	simm.s32 $_size_execute0_lowered;
	s7 =	sadd.s32 s7, s9;
	[dreg:$0x0] =	wrdreg $0x0  }
0xb0: {  	s9 =	sshll.u32 s28, $0x1;
	[dreg:$0x2] =	wrdreg s7  }
0xb1: {  	[dreg:$0x3] =	wrdreg s9  }
0xb2: {  	[dreg:$0x4] =	wrdreg $0xC0  }
0xb3: {  	_ =	task [dreg:s11], $0x5FFFF  }
0xb4: {  	[dreg:$0x1] =	wrdreg $0xFFFFFFFF  }
0xb5: {  	[dreg:$0x0] =	wrdreg $0x60  }
0xb6: {  	[dreg:$0x2] =	wrdreg s24  }
0xb7: {  	[dreg:$0x3] =	wrdreg s15  }
0xb8: {  	[dreg:$0x4] =	wrdreg s4  }
0xb9: {  	[dreg:$0x5] =	wrdreg s5  }
0xba: {  	[dreg:$0x6] =	wrdreg s16  }
0xbb: {  	[dreg:$0x7] =	wrdreg s17  }
0xbc: {  	[dreg:$0x8] =	wrdreg $0x9  }
0xbd: {  	_ =	task.clear_ibuf [dreg:s11], $0x9FFFF;
	_ =	strace $0x90000046  }
0xbe: {  	s29 =	simm.s32 $0x9;
	_ =	strace $0x80000048  }
0xbf: {  	_ =	swait.ge [sflag:s29], $0x1  }
0xc0: {  	[sflag:s29] =	ssyncadd.s32 $0xFFFFFFFF  }
0xc1: {  	_ =	strace $0x90000048  }
0xc2: {  	_ =	sfence  }
0xc3: {  	s30 =	sld [smem:$0x0];
	_ =	sdelay $0x2  }
0xc4: {  	s31 =	sshll.u32 s1, $0xD;
	s1 =	sshrl.u32 s1, $0x2  }
0xc5: {  	s3 =	sand.u32 $0x4000, s31;
	s1 =	sadd.s32 s1, s30  }
0xc6: {  	s0 =	sor.u32 s3, s0;
	s1 =	sshll.u32 s1, $0x11  }
0xc7: {  	s0 =	sor.u32 s1, s0  }
0xc8: {  	s0 =	sadd.s32 $0x8F2B, s0  }
0xc9: {  	[sflag:s0] =	ssyncadd.remote.s32 $0x1  }
0xca: {  	_ =	sfence.sel $0xFFFF  }
0xcb: {  	[dreg:$0x0] =	wrdreg $0xFFFFFFFF;
	(pc) =	sbr.abs _section_cstart, $3  }
0xcc: {  	[dreg:$0x1] =	wrdreg $0xFFFFFFFF  }
0xcd: {  	_ =	task.clear_ibuf [dreg:s11], $0x2FFFF;
	_ =	strace $0x9FFFFFFF  }
0xce: {  	(tm) =	ssettm $0x7FFFFFFF  }
0xcf: {  	_ =	shalt  }
tec
execute0_lowered:
.L_overlay_start_1:
0x0: {  	(tag) =	ssettag $0x1  }
0x1: {  	s0 =	rddreg [dreg:$0x0]  }
0x2: {  	s1 =	rddreg [dreg:$0x1]  }
0x3: {  	s3 =	rddreg [dreg:$0x2]  }
0x4: {  	s2 =	rddreg [dreg:$0x3]  }
0x5: {  	s8 =	rddreg [dreg:$0x4]  }
0x6: {  	s12 =	rddreg [dreg:$0x5];
	s5 =	srdreg.scid  }
0x7: {  	s4 =	simm.s32 $0x0;
	s6 =	stileid.u32;
	s14 =	simm.s32 $0x10700  }
0x8: {  	s15 =	simm.s32 $0x2;
	s16 =	simm.s32 $0x80;
	s17 =	simm.s32 $0x400  }
0x9: {  	s18 =	simm.s32 $0x10680;
	s19 =	simm.s32 $0xC480;
	s20 =	simm.s32 $0x10480  }
0xa: {  	s21 =	simm.s32 $0x10500;
	s22 =	simm.s32 $0x40;
	s23 =	simm.s32 $0x10580  }
0xb: {  	s24 =	simm.s32 $0x10600;
	s25 =	simm.s32 $0x1;
	s7 =	sand.u32 $0x1, s5  }
0xc: {  	s28 =	simm.s32 $0x0;
	s26 =	sshll.u32 s6, $0x5;
	s29 =	sshll.u32 s7, $0x4  }
0xd: {  	[smem:$0x7FF] =	sst s4;
	s6 =	sadd.s32 $0x2600, s0;
	s5 =	sor.u32 s29, s26  }
0xe: {  	s10 =	sadd.s32 $0x200, s2;
	s9 =	ssub.s32 $0x2, s7;
	s13 =	sshrl.u32 s5, $0x3  }
0xf: {  	v0 =	vlaneseq.u32;
	v1 =	vimm.s32 $0x0;
	_ =	strace $0x80000047;
	s30 =	sshrl.u32 s9, $0x1;
	s11 =	smul.u32 $0x300, s13  }
0x10: {  	v3 =	vimm.s32 $0x1;
	vm9 =	vmxor vm9, vm9;
	v5 =	vmul.u32 $0xFFFFFFFF, v0;
	s7 =	sadd.s32 $0x600, s0;
	s0 =	ssub.s32 s9, s30;
	s3 =	sadd.s32 s3, s13  }
0x11: {  	v6 =	vimm.f32 $0.0e+00;
	v2 =	vor.u32 $0x800, v0;
	v4 =	vmul.u32 $0x10, v0;
	s9 =	sadd.s32 $0x100, s2;
	[dreg:$0x7] =	wrdreg s3;
	s31 =	sadd.s32 s8, s11  }
0x12: {  	v7 =	vor.u32 $0x1000, v0;
	v8 =	vor.u32 $0x2000, v0;
	v5 =	vadd.s32 $0xF, v5;
	s12 =	sadd.s32 s12, s13;
	s13 =	smax.u32 s0, $0x1;
	[dreg:$0x8] =	wrdreg s31  }
.LBB2_1:
0x13: {  	s0 =	rddreg [dreg:$0x7]  }
0x14: {  	[tilespmem:s14], [sflag:$0x2] =	stream.linear.gather [hbm4b:s0+s4], $0x10, $0x38;
	[tilespmem:$0x13800] =	vst v63  }
0x15: {  	_ =	swait.ge [sflag:s15], $0x10  }
0x16: {  	[sflag:s15] =	ssyncset.done $0x0  }
0x17: {  	v9 =	vimm.s32 $0x0;
	s29 =	simm.s32 $0x0;
	[sflag:s15] =	ssyncadd.s32 $0xFFFFFFF0  }
.LBB2_2:
0x18: {  	s30 =	sor.u32 s5, s29  }
0x19: {  	s0 =	sshrl.u32 s30, $0x3  }
0x1a: {  	s8 =	sshll.u32 s29, $0x7;
	s3 =	smul.u32 $0x62400, s0  }
0x1b: {  	s8 =	sand.u32 $0x380, s8  }
0x1c: {  	s3 =	sor.u32 s8, s3  }
0x1d: {  	s3 =	sshrl.u32 s3, $0x3  }
0x1e: {  	s0 =	sshll.u32 s0, $0xA;
	s3 =	sadd.s32 s6, s3  }
0x1f: {  	[tilespmem:s4], [sflag:$0x2] =	stream.strided.gather [hbm4b:s3+s16], $0xC480, s17, s16, $0x38;
	[tilespmem:$0x13800] =	vst v63  }
0x20: {  	s0 =	sor.u32 s8, s0;
	_ =	swait.ge [sflag:s15], $0xC480  }
0x21: {  	s0 =	sshrl.u32 s0, $0x3;
	[sflag:s15] =	ssyncset.done $0x0  }
0x22: {  	s0 =	sadd.s32 s7, s0;
	[sflag:s15] =	ssyncadd.s32 $0xFFFF3B80  }
0x23: {  	[tilespmem:s18], [sflag:$0x2] =	stream.linear.gather [hbm4b:s0+s4], $0x80, $0x38;
	[tilespmem:$0x13800] =	vst v63  }
0x24: {  	_ =	swait.ge [sflag:s15], $0x80  }
0x25: {  	[sflag:s15] =	ssyncset.done $0x0  }
0x26: {  	s0 =	simm.s32 $0xC4C0;
	[sflag:s15] =	ssyncadd.s32 $0xFFFFFF80  }
0x27: {  	[tilespmem:s0+$0xFFFFFFC0] =	vst v1  }
0x28: {  	[tilespmem:s0+$0x30] =	vst v1  }
0x29: {  	[tilespmem:s0+$0x20] =	vst v1  }
0x2a: {  	[tilespmem:s0+$0x10] =	vst v1  }
0x2b: {  	[tilespmem:s0+$0x0] =	vst v1  }
0x2c: {  	[tilespmem:s0+$0xFFFFFFF0] =	vst v1  }
0x2d: {  	s3 =	simm.s32 $0x0;
	[tilespmem:s0+$0xFFFFFFE0] =	vst v1  }
.LBB2_3:
0x2e: {  	s3 =	sadd.s32 $0x8, s3;
	[tilespmem:s0+$0xFFFFFFD0] =	vst v1;
	s0 =	sadd.s32 $0x80, s0  }
0x2f: {  	[tilespmem:s0+$0xFFFFFFC0] =	vst v1;
	p0 =	slt.u32 s3, $0x3F8  }
0x30: {  	[tilespmem:s0+$0x30] =	vst v1  }
.Ltmp0:
0x31: {  	[tilespmem:s0+$0x20] =	vst v1;
	(pc) =	sbr.rel @p0 .LBB2_3-.Ltmp0, $4  }
0x32: {  	[tilespmem:s0+$0x10] =	vst v1  }
0x33: {  	[tilespmem:s0+$0x0] =	vst v1  }
0x34: {  	[tilespmem:s0+$0xFFFFFFF0] =	vst v1  }
0x35: {  	[tilespmem:s0+$0xFFFFFFE0] =	vst v1  }
0x36: {  	[tilespmem:s0+$0xFFFFFFD0] =	vst v1  }
0x37: {  	[tilespmem:$0x10480] =	vst v1  }
0x38: {  	[tilespmem:$0x10500] =	vst v1  }
0x39: {  	[tilespmem:$0x10490] =	vst v1  }
0x3a: {  	[tilespmem:$0x10510] =	vst v1  }
0x3b: {  	[tilespmem:$0x104A0] =	vst v1  }
0x3c: {  	[tilespmem:$0x10520] =	vst v1  }
0x3d: {  	[tilespmem:$0x104B0] =	vst v1  }
0x3e: {  	s3 =	simm.s32 $0x20;
	[tilespmem:$0x10530] =	vst v1  }
0x3f: {  	v10 =	vld [tilespmem:s3+$0x0]  }
0x40: {  	v11 =	vld [tilespmem:s3+$0x10]  }
0x41: {  	v12 =	vld [tilespmem:s3+$0xFFFFFFF0]  }
0x42: {  	v13 =	vld [tilespmem:s3+$0xFFFFFFE0];
	_ =	sdelay $0x1  }
0x43: {  	v14 =	vshra.s32 v10, $0x1F  }
0x44: {  	v14 =	vand.u32 $0x7FFFFFFF, v14  }
0x45: {  	v15 =	vshra.s32 v11, $0x1F;
	v17 =	vxor.u32 v10, v14  }
0x46: {  	s0 =	simm.s32 $0x60;
	v19 =	vshra.s32 v13, $0x1F;
	v10 =	vshra.s32 v12, $0x1F;
	v18 =	vshra.s32 v17, $0x14  }
0x47: {  	v15 =	vand.u32 $0x7FFFFFFF, v15;
	v14 =	vld [tilespmem:s0+$0x0];
	v10 =	vand.u32 $0x7FFFFFFF, v10;
	v18 =	vand.u32 $0xFFFFFFF0, v18  }
0x48: {  	v16 =	vld [tilespmem:s0+$0x10];
	v10 =	vxor.u32 v12, v10;
	v12 =	vxor.u32 v11, v15;
	v11 =	vand.u32 $0x7FFFFFFF, v19  }
0x49: {  	v18 =	vadd.s32 v2, v18;
	v15 =	vshra.s32 v10, $0x14;
	v19 =	vxor.u32 v13, v11;
	v13 =	vld [tilespmem:s0+$0xFFFFFFF0]  }
0x4a: {  	v20 =	vshra.s32 v12, $0x14;
	v11 =	vand.u32 $0xFFFFFFF0, v15;
	v15 =	vld [tilespmem:s0+$0xFFFFFFE0]  }
0x4b: {  	v23 =	vand.u32 $0xFFFFFFF0, v20  }
0x4c: {  	v20 =	vshra.s32 v19, $0x14;
	v21 =	vshra.s32 v14, $0x1F;
	v11 =	vadd.s32 v2, v11  }
0x4d: {  	s8 =	simm.s32 $0x4;
	s26 =	simm.s32 $0xA0;
	[tilespmem:s3+$0x0] =	vst v17;
	v17 =	vadd.s32 v2, v23;
	v22 =	vand.u32 $0x7FFFFFFF, v21;
	v21 =	vshra.s32 v16, $0x1F  }
.LBB2_5:
0x4e: {  	s8 =	sadd.s32 $0x4, s8;
	v22 =	vxor.u32 v14, v22;
	v21 =	vand.u32 $0x7FFFFFFF, v21;
	v20 =	vand.u32 $0xFFFFFFF0, v20;
	[tilespmem:v18+s19+$0x0] =	vst.idx.add.s32.msk $0xffff, v3  }
0x4f: {  	v18 =	vshra.s32 v13, $0x1F;
	v14 =	vld [tilespmem:s26+$0x0];
	p0 =	slt.u32 s8, $0xC40;
	v23 =	vshra.s32 v15, $0x1F;
	[tilespmem:s0+$0x0] =	vst v22;
	v22 =	vshra.s32 v22, $0x14;
	v24 =	vmovc v15  }
0x50: {  	v15 =	vand.u32 $0x7FFFFFFF, v18;
	v26 =	vadd.s32 v2, v20;
	v25 =	vld [tilespmem:s26+$0x10];
	v18 =	vand.u32 $0xFFFFFFF0, v22;
	[tilespmem:s3+$0xFFFFFFE0] =	vst v19  }
.Ltmp1:
0x51: {  	v19 =	vxor.u32 v13, v15;
	v13 =	vld [tilespmem:s26+$0xFFFFFFF0];
	v18 =	vadd.s32 v2, v18;
	[tilespmem:s3+$0x10] =	vst v12;
	v12 =	vxor.u32 v16, v21;
	(pc) =	sbr.rel @p0 .LBB2_5-.Ltmp1, $4  }
0x52: {  	v16 =	vand.u32 $0x7FFFFFFF, v23;
	v20 =	vshra.s32 v19, $0x14;
	v15 =	vld [tilespmem:s26+$0xFFFFFFE0];
	v21 =	vshra.s32 v12, $0x14;
	[tilespmem:s3+$0xFFFFFFF0] =	vst v10;
	v10 =	vmovc v19;
	s3 =	smov.u32 s0;
	s0 =	smov.u32 s26  }
0x53: {  	v19 =	vxor.u32 v24, v16;
	v24 =	vand.u32 $0xFFFFFFF0, v20;
	v23 =	vand.u32 $0xFFFFFFF0, v21;
	[tilespmem:v17+s19+$0x0] =	vst.idx.add.s32.msk $0xffff, v3  }
0x54: {  	v20 =	vshra.s32 v19, $0x14;
	v17 =	vshra.s32 v14, $0x1F;
	[tilespmem:v11+s19+$0x0] =	vst.idx.add.s32.msk $0xffff, v3;
	v11 =	vadd.s32 v2, v24  }
0x55: {  	s26 =	sadd.s32 $0x40, s26;
	v22 =	vand.u32 $0x7FFFFFFF, v17;
	v21 =	vshra.s32 v25, $0x1F;
	v17 =	vadd.s32 v2, v23;
	[tilespmem:v26+s19+$0x0] =	vst.idx.add.s32.msk $0xffff, v3;
	v16 =	vmovc v25  }
0x56: {  	_ =	sdelay $0x3  }
0x57: {  	[tilespmem:v18+s19+$0x0] =	vst.idx.add.s32.msk $0xffff, v3  }
0x58: {  	v14 =	vxor.u32 v14, v22;
	v57 =	vand.u32 $0xFFFFFFF0, v20;
	[tilespmem:s3+$0xFFFFFFE0] =	vst v19  }
0x59: {  	v58 =	vand.u32 $0x7FFFFFFF, v21;
	v59 =	vshra.s32 v13, $0x1F;
	[tilespmem:s0+$0x0] =	vst v14;
	v14 =	vshra.s32 v14, $0x14  }
0x5a: {  	[tilespmem:s3+$0x10] =	vst v12;
	v18 =	vadd.s32 v2, v57;
	v60 =	vshra.s32 v15, $0x1F;
	v20 =	vand.u32 $0x7FFFFFFF, v59  }
0x5b: {  	[tilespmem:s3+$0xFFFFFFF0] =	vst v10;
	v16 =	vxor.u32 v16, v58;
	v14 =	vand.u32 $0xFFFFFFF0, v14;
	v10 =	vxor.u32 v13, v20  }
0x5c: {  	[tilespmem:v17+s19+$0x0] =	vst.idx.add.s32.msk $0xffff, v3;
	v12 =	vand.u32 $0x7FFFFFFF, v60;
	v61 =	vshra.s32 v16, $0x14;
	v14 =	vadd.s32 v2, v14  }
0x5d: {  	[tilespmem:v11+s19+$0x0] =	vst.idx.add.s32.msk $0xffff, v3;
	v62 =	vshra.s32 v10, $0x14;
	v12 =	vxor.u32 v15, v12;
	v13 =	vand.u32 $0xFFFFFFF0, v61  }
0x5e: {  	[tilespmem:s0+$0x10] =	vst v16;
	v11 =	vand.u32 $0xFFFFFFF0, v62;
	v15 =	vshra.s32 v12, $0x14;
	v13 =	vadd.s32 v2, v13  }
0x5f: {  	[tilespmem:s0+$0xFFFFFFF0] =	vst v10;
	v11 =	vadd.s32 v2, v11;
	v15 =	vand.u32 $0xFFFFFFF0, v15  }
0x60: {  	[tilespmem:s0+$0xFFFFFFE0] =	vst v12;
	v63 =	vadd.s32 v2, v15  }
0x61: {  	[tilespmem:v18+s19+$0x0] =	vst.idx.add.s32.msk $0xffff, v3  }
0x62: {  	[tilespmem:v14+s19+$0x0] =	vst.idx.add.s32.msk $0xffff, v3  }
0x63: {  	[tilespmem:v13+s19+$0x0] =	vst.idx.add.s32.msk $0xffff, v3  }
0x64: {  	[tilespmem:v11+s19+$0x0] =	vst.idx.add.s32.msk $0xffff, v3  }
0x65: {  	s0 =	simm.s32 $0x0;
	[tilespmem:v63+s19+$0x0] =	vst.idx.add.s32.msk $0xffff, v3  }
.LBB2_7:
0x66: {  	s3 =	sshra.s32 s0, $0x2  }
0x67: {  	v10 =	vld [tilespmem:s3+$0xC440];
	_ =	sdelay $0x4  }
0x68: {  	v11 =	vshra.s32 v10, $0x1F  }
0x69: {  	v11 =	vand.u32 $0x7FFFFFFF, v11  }
0x6a: {  	v10 =	vxor.u32 v10, v11  }
0x6b: {  	v11 =	vshra.s32 v10, $0x14  }
0x6c: {  	v11 =	vand.u32 $0xFFFFFFF0, v11  }
0x6d: {  	p0 =	sne.s32 s0, $0x40;
	v11 =	vadd.s32 v2, v11  }
.Ltmp2:
0x6e: {  	_ = 	snop;
	(pc) =	sbr.rel @p0 .LBB2_7-.Ltmp2, $3  }
0x6f: {  	_ =	sdelay $0x1  }
0x70: {  	[tilespmem:s3+$0xC440] =	vst v10  }
0x71: {  	s0 =	sadd.s32 $0x40, s0;
	[tilespmem:v11+s19+$0x0] =	vst.idx.add.s32.msk $0xffff, v3  }
0x72: {  	s0 =	simm.s32 $0xF0  }
0x73: {  	v10 =	vmov s0  }
0x74: {  	v10 =	vshll.u32 v10, $0x4  }
0x75: {  	v10 =	vor.u32 v4, v10  }
0x76: {  	v11 =	vor.u32 $0x1, v10  }
0x77: {  	v12 =	vor.u32 $0x2, v10  }
0x78: {  	v13 =	vor.u32 $0x3, v10  }
0x79: {  	v14 =	vor.u32 $0x4, v10  }
0x7a: {  	v16 =	vor.u32 $0x5, v10;
	v15 =	vld.idx.msk [tilespmem:v10+s19+$0x0], $0xffff  }
0x7b: {  	v17 =	vor.u32 $0x6, v10;
	v11 =	vld.idx.msk [tilespmem:v11+s19+$0x0], $0xffff  }
0x7c: {  	v18 =	vor.u32 $0x7, v10;
	v12 =	vld.idx.msk [tilespmem:v12+s19+$0x0], $0xffff  }
0x7d: {  	v19 =	vor.u32 $0x8, v10;
	v13 =	vld.idx.msk [tilespmem:v13+s19+$0x0], $0xffff  }
0x7e: {  	v20 =	vor.u32 $0x9, v10;
	v14 =	vld.idx.msk [tilespmem:v14+s19+$0x0], $0xffff  }
0x7f: {  	v21 =	vor.u32 $0xA, v10;
	v16 =	vld.idx.msk [tilespmem:v16+s19+$0x0], $0xffff  }
0x80: {  	v22 =	vor.u32 $0xB, v10;
	v17 =	vld.idx.msk [tilespmem:v17+s19+$0x0], $0xffff;
	v11 =	vadd.s32 v15, v11  }
0x81: {  	v15 =	vld.idx.msk [tilespmem:v18+s19+$0x0], $0xffff;
	v18 =	vor.u32 $0xC, v10;
	v11 =	vadd.s32 v12, v11  }
0x82: {  	v12 =	vld.idx.msk [tilespmem:v19+s19+$0x0], $0xffff;
	v19 =	vor.u32 $0xD, v10;
	v11 =	vadd.s32 v13, v11  }
0x83: {  	s31 =	simm.s32 $0xE0;
	v13 =	vld.idx.msk [tilespmem:v20+s19+$0x0], $0xffff;
	v20 =	vor.u32 $0xE, v10;
	v11 =	vadd.s32 v14, v11  }
0x84: {  	v10 =	vor.u32 $0xF, v10;
	v14 =	vld.idx.msk [tilespmem:v21+s19+$0x0], $0xffff;
	v11 =	vadd.s32 v16, v11;
	v16 =	vmov s31  }
0x85: {  	v21 =	vld.idx.msk [tilespmem:v22+s19+$0x0], $0xffff;
	v11 =	vadd.s32 v17, v11;
	v16 =	vshll.u32 v16, $0x4  }
0x86: {  	v17 =	vld.idx.msk [tilespmem:v18+s19+$0x0], $0xffff;
	v11 =	vadd.s32 v15, v11;
	v15 =	vor.u32 v4, v16  }
0x87: {  	v16 =	vld.idx.msk [tilespmem:v19+s19+$0x0], $0xffff;
	v11 =	vadd.s32 v12, v11;
	v12 =	vor.u32 $0x1, v15  }
0x88: {  	v18 =	vld.idx.msk [tilespmem:v20+s19+$0x0], $0xffff;
	v11 =	vadd.s32 v13, v11;
	v13 =	vor.u32 $0x2, v15  }
0x89: {  	v10 =	vld.idx.msk [tilespmem:v10+s19+$0x0], $0xffff;
	v11 =	vadd.s32 v14, v11;
	v14 =	vor.u32 $0x3, v15  }
0x8a: {  	v19 =	vor.u32 $0x4, v15;
	v11 =	vadd.s32 v21, v11  }
0x8b: {  	v20 =	vor.u32 $0x5, v15;
	v11 =	vadd.s32 v17, v11;
	v17 =	vld.idx.msk [tilespmem:v15+s19+$0x0], $0xffff  }
0x8c: {  	v11 =	vadd.s32 v16, v11;
	v12 =	vld.idx.msk [tilespmem:v12+s19+$0x0], $0xffff  }
0x8d: {  	v11 =	vadd.s32 v18, v11;
	v13 =	vld.idx.msk [tilespmem:v13+s19+$0x0], $0xffff  }
0x8e: {  	v16 =	vor.u32 $0x6, v15;
	v11 =	vadd.s32 v10, v11;
	v10 =	vld.idx.msk [tilespmem:v14+s19+$0x0], $0xffff  }
0x8f: {  	v19 =	vld.idx.msk [tilespmem:v19+s19+$0x0], $0xffff;
	v18 =	vor.u32 $0x7, v15  }
0x90: {  	v20 =	vld.idx.msk [tilespmem:v20+s19+$0x0], $0xffff;
	v14 =	vor.u32 $0x8, v15;
	v21 =	vperm.xlane v11, v5  }
0x91: {  	v22 =	vor.u32 $0x9, v15;
	v12 =	vadd.s32 v17, v12  }
0x92: {  	v23 =	vor.u32 $0xA, v15;
	(xrf0) =	vadd.scan.msk.s32 $0xffff, v21;
	v12 =	vadd.s32 v13, v12  }
0x93: {  	v24 =	vor.u32 $0xB, v15;
	v16 =	vld.idx.msk [tilespmem:v16+s19+$0x0], $0xffff;
	v10 =	vadd.s32 v10, v12  }
0x94: {  	v17 =	vld.idx.msk [tilespmem:v18+s19+$0x0], $0xffff;
	v18 =	vor.u32 $0xC, v15;
	v10 =	vadd.s32 v19, v10  }
0x95: {  	v13 =	vld.idx.msk [tilespmem:v14+s19+$0x0], $0xffff;
	v14 =	vor.u32 $0xD, v15;
	v20 =	vadd.s32 v20, v10  }
0x96: {  	s0 =	simm.s32 $0xD0;
	v12 =	vld.idx.msk [tilespmem:v22+s19+$0x0], $0xffff;
	v22 =	vor.u32 $0xE, v15  }
0x97: {  	v15 =	vor.u32 $0xF, v15;
	v19 =	vld.idx.msk [tilespmem:v23+s19+$0x0], $0xffff;
	v23 =	vmov s0  }
0x98: {  	v24 =	vld.idx.msk [tilespmem:v24+s19+$0x0], $0xffff;
	v10 =	vimm.s32 $0x0;
	v23 =	vshll.u32 v23, $0x4;
	v16 =	vadd.s32 v16, v20;
	v20, _, _ =	vpop (xrf0)  }
0x99: {  	v18 =	vld.idx.msk [tilespmem:v18+s19+$0x0], $0xffff;
	v16 =	vadd.s32 v17, v16;
	v17 =	vadd.s32 v10, v20;
	v20 =	vor.u32 v4, v23  }
0x9a: {  	v14 =	vld.idx.msk [tilespmem:v14+s19+$0x0], $0xffff;
	v13 =	vadd.s32 v13, v16;
	vm1 =	vgt.s32 v17, $0x31;
	v16 =	vor.u32 $0x1, v20  }
0x9b: {  	v12 =	vadd.s32 v12, v13;
	v17 =	vld.idx.msk [tilespmem:v22+s19+$0x0], $0xffff;
	v22 =	vor.u32 $0x2, v20;
	v13 =	vsel vm1, $0x3F800000, v6  }
0x9c: {  	v15 =	vld.idx.msk [tilespmem:v15+s19+$0x0], $0xffff;
	v12 =	vadd.s32 v19, v12;
	(xrf0) =	vmax.scan.msk.f32 $0xffff, v13;
	v13 =	vor.u32 $0x3, v20  }
0x9d: {  	v19 =	vor.u32 $0x4, v20;
	v12 =	vadd.s32 v24, v12  }
0x9e: {  	v23 =	vor.u32 $0x5, v20;
	v12 =	vadd.s32 v18, v12;
	v18 =	vld.idx.msk [tilespmem:v20+s19+$0x0], $0xffff  }
0x9f: {  	v25 =	vor.u32 $0x9, v20;
	v12 =	vadd.s32 v14, v12;
	v14 =	vld.idx.msk [tilespmem:v16+s19+$0x0], $0xffff  }
0xa0: {  	v16 =	vor.u32 $0x6, v20;
	v12 =	vadd.s32 v17, v12;
	v17 =	vld.idx.msk [tilespmem:v22+s19+$0x0], $0xffff  }
0xa1: {  	(xrf0) =	vadd.scan.msk.s32 $0xffff, v11;
	v22 =	vor.u32 $0x7, v20;
	v12 =	vadd.s32 v15, v12;
	v11 =	vld.idx.msk [tilespmem:v13+s19+$0x0], $0xffff  }
0xa2: {  	s3 =	simm.s32 $0xC0;
	v19 =	vld.idx.msk [tilespmem:v19+s19+$0x0], $0xffff;
	v15 =	vor.u32 $0x8, v20;
	v13 =	vperm.xlane v12, v5  }
0xa3: {  	v27 =	vmov s3;
	v26 =	vor.u32 $0xB, v20;
	v23 =	vld.idx.msk [tilespmem:v23+s19+$0x0], $0xffff;
	v24, _, _ =	vpop (xrf0)  }
0xa4: {  	v25 =	vld.idx.msk [tilespmem:v25+s19+$0x0], $0xffff;
	(v2sf) =	vpush v24, $0xF;
	v24 =	vor.u32 $0xA, v20;
	(xrf0) =	vadd.scan.msk.s32 $0xffff, v13;
	v14 =	vadd.s32 v18, v14  }
0xa5: {  	v16 =	vld.idx.msk [tilespmem:v16+s19+$0x0], $0xffff;
	v18 =	vor.u32 $0xC, v20;
	v14 =	vadd.s32 v17, v14  }
0xa6: {  	v22 =	vld.idx.msk [tilespmem:v22+s19+$0x0], $0xffff;
	v17 =	vor.u32 $0xD, v20;
	v11 =	vadd.s32 v11, v14  }
0xa7: {  	v28 =	vld.idx.msk [tilespmem:v15+s19+$0x0], $0xffff;
	v15 =	vshll.u32 v27, $0x4;
	v27, _, _ =	vpop (xrf0);
	v14 =	vor.u32 $0xE, v20;
	v11 =	vadd.s32 v19, v11  }
0xa8: {  	v26 =	vld.idx.msk [tilespmem:v26+s19+$0x0], $0xffff;
	v19 =	vor.u32 $0xF, v20;
	v20 =	vbroadcast v27, $0xF;
	v27 =	vor.u32 v4, v15  }
0xa9: {  	v24 =	vld.idx.msk [tilespmem:v24+s19+$0x0], $0xffff;
	v11 =	vadd.s32 v23, v11;
	v23 =	vmctz.xlane vm1;
	v29 =	vor.u32 $0x1, v27  }
0xaa: {  	v11 =	vadd.s32 v16, v11;
	v16, _, _ =	vpop (xrf0);
	v15 =	vadd.s32 v10, v20;
	v18 =	vld.idx.msk [tilespmem:v18+s19+$0x0], $0xffff;
	v20 =	vor.u32 $0x2, v27  }
0xab: {  	v11 =	vadd.s32 v22, v11;
	v16 =	vadd.s32 v15, v16;
	vm1 =	vgt.s32 v23, v0;
	v17 =	vld.idx.msk [tilespmem:v17+s19+$0x0], $0xffff  }
0xac: {  	v11 =	vadd.s32 v28, v11;
	vm3 =	vgt.s32 v16, $0x31;
	v16 =	vnsel vm1, $0x0, v21;
	v14 =	vld.idx.msk [tilespmem:v14+s19+$0x0], $0xffff  }
0xad: {  	v11 =	vadd.s32 v25, v11;
	v21 =	vsel vm3, $0x3F800000, v6;
	(xrf0) =	vadd.scan.msk.s32 $0xffff, v16;
	v16 =	vld.idx.msk [tilespmem:v19+s19+$0x0], $0xffff;
	v19 =	vor.u32 $0x3, v27  }
0xae: {  	v11 =	vadd.s32 v24, v11;
	(xrf0) =	vmax.scan.msk.f32 $0xffff, v21;
	v21 =	vor.u32 $0x4, v27  }
0xaf: {  	v22 =	vld.idx.msk [tilespmem:v27+s19+$0x0], $0xffff;
	v24 =	vor.u32 $0x5, v27;
	v11 =	vadd.s32 v26, v11  }
0xb0: {  	s8 =	simm.s32 $0xFF;
	v26 =	vor.u32 $0x7, v27;
	v11 =	vadd.s32 v18, v11;
	v18 =	vld.idx.msk [tilespmem:v29+s19+$0x0], $0xffff  }
0xb1: {  	v25 =	vor.u32 $0x6, v27;
	v17 =	vadd.s32 v17, v11;
	v11 =	vsub.s32 s8, v23;
	v23 =	vld.idx.msk [tilespmem:v20+s19+$0x0], $0xffff  }
0xb2: {  	vm2 =	vmmov vm9;
	v28 =	vor.u32 $0x8, v27;
	v14 =	vadd.s32 v14, v17;
	v19 =	vld.idx.msk [tilespmem:v19+s19+$0x0], $0xffff  }
0xb3: {  	v30 =	vor.u32 $0xA, v27;
	v32 =	vor.u32 $0xB, v27;
	(xrf0) =	vadd.scan.msk.s32 $0xffff, v12;
	v16 =	vadd.s32 v16, v14;
	v12, _, _ =	vpop (xrf0);
	v21 =	vld.idx.msk [tilespmem:v21+s19+$0x0], $0xffff  }
0xb4: {  	vm1 =	vmneg vm9;
	s26 =	spop (v2sf);
	v14 =	vor.u32 $0x9, v27;
	v31 =	vld.idx.msk [tilespmem:v24+s19+$0x0], $0xffff;
	v17 =	vperm.xlane v16, v5;
	v20, _, _ =	vpop (xrf0)  }
0xb5: {  	v29 =	vor.u32 $0xE, v27;
	p0 =	sgt.f32 s26, $0.0e+00;
	v12 =	vbroadcast v12, $0xF;
	s26 =	simm.s32 $0xB0;
	v24 =	vld.idx.msk [tilespmem:v26+s19+$0x0], $0xffff;
	(v2sf) =	vpush v20, $0xF  }
0xb6: {  	v26 =	vor.u32 $0xC, v27;
	v20 =	vld.idx.msk [tilespmem:v25+s19+$0x0], $0xffff;
	v18 =	vadd.s32 v22, v18;
	v22 =	vmov s26;
	(xrf0) =	vadd.scan.msk.s32 $0xffff, v17  }
0xb7: {  	v25 =	vld.idx.msk [tilespmem:v28+s19+$0x0], $0xffff;
	v28 =	vor.u32 $0xD, v27;
	v27 =	vor.u32 $0xF, v27;
	vm2 =	vmneg @p0 vm2  }
0xb8: {  	v12 =	vadd.s32 v10, v12;
	v18 =	vadd.s32 v23, v18;
	vm4 =	vmand vm2, vm1  }
0xb9: {  	v22 =	vshll.u32 v22, $0x4;
	v18 =	vadd.s32 v19, v18;
	v12 =	vsel vm4, v12, v10;
	v23 =	vld.idx.msk [tilespmem:v14+s19+$0x0], $0xffff;
	v14, _, _ =	vpop (xrf0)  }
0xba: {  	v19 =	vadd.s32 v21, v18;
	v21 =	vld.idx.msk [tilespmem:v30+s19+$0x0], $0xffff;
	v18 =	vor.u32 v4, v22;
	v30 =	vbroadcast v14, $0xF  }
0xbb: {  	s8 =	simm.s32 $0xA0;
	v22 =	vld.idx.msk [tilespmem:v32+s19+$0x0], $0xffff;
	v31 =	vadd.s32 v31, v19;
	v19 =	vmctz.xlane vm3;
	vm3 =	vmmov vm9;
	v14 =	vmovc v15  }
.LBB2_9:
0xbc: {  	p0 =	sne.s32 s8, $0x0;
	v32 =	vor.u32 $0x1, v18;
	v20 =	vadd.s32 v20, v31;
	v26 =	vld.idx.msk [tilespmem:v26+s19+$0x0], $0xffff;
	v31, _, _ =	vpop (xrf0);
	v15 =	vadd.s32 v15, v30  }
0xbd: {  	v20 =	vadd.s32 v24, v20;
	v24 =	vld.idx.msk [tilespmem:v28+s19+$0x0], $0xffff;
	v28 =	vadd.s32 v15, v31;
	vm6 =	vgt.s32 v19, v0  }
0xbe: {  	v20 =	vadd.s32 v25, v20;
	v25 =	vld.idx.msk [tilespmem:v29+s19+$0x0], $0xffff;
	vm5 =	vgt.s32 v28, $0x31;
	v28 =	vnsel vm6, $0x0, v13;
	v13 =	vmovc v17  }
0xbf: {  	s11 =	sadd.s32 $0xF, s31;
	s31 =	smov.u32 s0;
	s0 =	smov.u32 s3;
	v17 =	vor.u32 $0x2, v18;
	v20 =	vadd.s32 v23, v20;
	v23 =	vld.idx.msk [tilespmem:v27+s19+$0x0], $0xffff;
	v27 =	vsel vm5, $0x3F800000, v6;
	(xrf0) =	vadd.scan.msk.s32 $0xffff, v28  }
0xc0: {  	s3 =	smov.u32 s26;
	s26 =	smov.u32 s8;
	v19 =	vsub.s32 s11, v19;
	v28 =	vor.u32 $0x3, v18;
	v20 =	vadd.s32 v21, v20;
	(xrf0) =	vmax.scan.msk.f32 $0xffff, v27  }
0xc1: {  	v10 =	vsel vm4, v11, v10;
	v11 =	vmovc v19;
	v21 =	vor.u32 $0x4, v18;
	v20 =	vadd.s32 v22, v20  }
0xc2: {  	v22 =	vor.u32 $0x5, v18;
	v19 =	vld.idx.msk [tilespmem:v18+s19+$0x0], $0xffff;
	v20 =	vadd.s32 v26, v20  }
0xc3: {  	v30 =	vor.u32 $0xA, v18;
	v27 =	vor.u32 $0x6, v18;
	v26 =	vld.idx.msk [tilespmem:v32+s19+$0x0], $0xffff;
	v33 =	vadd.s32 v24, v20  }
0xc4: {  	vm3 =	vmor vm3, vm2;
	v24 =	vor.u32 $0x7, v18;
	v29 =	vld.idx.msk [tilespmem:v17+s19+$0x0], $0xffff;
	v17 =	vadd.s32 v25, v33;
	s11 =	spop (v2sf)  }
0xc5: {  	v32 =	vor.u32 $0x9, v18;
	v25 =	vor.u32 $0x8, v18;
	v31 =	vld.idx.msk [tilespmem:v28+s19+$0x0], $0xffff;
	(xrf0) =	vadd.scan.msk.s32 $0xffff, v16;
	v16 =	vadd.s32 v23, v17;
	p1 =	sgt.f32 s11, $0.0e+00;
	v20, _, _ =	vpop (xrf0)  }
0xc6: {  	vm2 =	vmmov vm9;
	v21 =	vld.idx.msk [tilespmem:v21+s19+$0x0], $0xffff;
	v17 =	vperm.xlane v16, v5;
	v23, _, _ =	vpop (xrf0);
	v28 =	vbroadcast v20, $0xF  }
0xc7: {  	vm4 =	vmneg vm3;
	v22 =	vld.idx.msk [tilespmem:v22+s19+$0x0], $0xffff;
	(v2sf) =	vpush v23, $0xF;
	vm2 =	vmneg @p1 vm2  }
0xc8: {  	v33 =	vor.u32 $0xB, v18;
	v20 =	vld.idx.msk [tilespmem:v27+s19+$0x0], $0xffff;
	(xrf0) =	vadd.scan.msk.s32 $0xffff, v17;
	v23 =	vadd.s32 v14, v28;
	vm4 =	vmand vm2, vm4;
	v14 =	vmovc v15  }
.Ltmp3:
0xc9: {  	v19 =	vadd.s32 v19, v26;
	v26 =	vor.u32 $0xC, v18;
	v24 =	vld.idx.msk [tilespmem:v24+s19+$0x0], $0xffff;
	v12 =	vsel vm4, v23, v12;
	(pc) =	sbr.rel @p0 .LBB2_9-.Ltmp3, $4  }
0xca: {  	v28 =	vor.u32 $0xD, v18;
	v23 =	vmov s8;
	v19 =	vadd.s32 v29, v19;
	v25 =	vld.idx.msk [tilespmem:v25+s19+$0x0], $0xffff  }
0xcb: {  	v29 =	vor.u32 $0xE, v18;
	v34 =	vshll.u32 v23, $0x4;
	v19 =	vadd.s32 v31, v19;
	v23 =	vld.idx.msk [tilespmem:v32+s19+$0x0], $0xffff;
	v31, _, _ =	vpop (xrf0)  }
0xcc: {  	v27 =	vor.u32 $0xF, v18;
	v19 =	vadd.s32 v21, v19;
	v21 =	vld.idx.msk [tilespmem:v30+s19+$0x0], $0xffff;
	v30 =	vbroadcast v31, $0xF  }
0xcd: {  	s8 =	sadd.s32 $0xFFFFFFF0, s8;
	v18 =	vor.u32 v4, v34;
	v31 =	vadd.s32 v22, v19;
	v19 =	vmctz.xlane vm5;
	v22 =	vld.idx.msk [tilespmem:v33+s19+$0x0], $0xffff  }
0xce: {  	_ =	sdelay $0x3  }
0xcf: {  	v32 =	vor.u32 $0x1, v18;
	v26 =	vld.idx.msk [tilespmem:v26+s19+$0x0], $0xffff  }
0xd0: {  	v20 =	vadd.s32 v20, v31;
	v28 =	vld.idx.msk [tilespmem:v28+s19+$0x0], $0xffff;
	v40 =	vor.u32 $0x2, v18  }
0xd1: {  	v41 =	vld.idx.msk [tilespmem:v29+s19+$0x0], $0xffff;
	v42 =	vor.u32 $0x3, v18;
	v20 =	vadd.s32 v24, v20  }
0xd2: {  	v43 =	vld.idx.msk [tilespmem:v27+s19+$0x0], $0xffff;
	v44 =	vor.u32 $0x4, v18;
	v20 =	vadd.s32 v25, v20  }
0xd3: {  	v45 =	vor.u32 $0x5, v18;
	v20 =	vadd.s32 v23, v20;
	v23 =	vld.idx.msk [tilespmem:v18+s19+$0x0], $0xffff  }
0xd4: {  	v15 =	vadd.s32 v15, v30;
	v20 =	vadd.s32 v21, v20;
	v21 =	vld.idx.msk [tilespmem:v32+s19+$0x0], $0xffff  }
0xd5: {  	v33, _, _ =	vpop (xrf0);
	v46 =	vor.u32 $0x6, v18;
	v47 =	vor.u32 $0x7, v18;
	v20 =	vadd.s32 v22, v20;
	v22 =	vld.idx.msk [tilespmem:v40+s19+$0x0], $0xffff  }
0xd6: {  	v49 =	vor.u32 $0x8, v18;
	v30 =	vadd.s32 v15, v33;
	vm6 =	vgt.s32 v19, v0;
	v48 =	vld.idx.msk [tilespmem:v42+s19+$0x0], $0xffff  }
0xd7: {  	vm5 =	vgt.s32 v30, $0x31;
	v13 =	vnsel vm6, $0x0, v13;
	v27 =	vld.idx.msk [tilespmem:v44+s19+$0x0], $0xffff;
	v20 =	vadd.s32 v26, v20  }
0xd8: {  	v50 =	vor.u32 $0x9, v18;
	(xrf0) =	vadd.scan.msk.s32 $0xffff, v13;
	v13 =	vsel vm5, $0x3F800000, v6;
	v51 =	vld.idx.msk [tilespmem:v45+s19+$0x0], $0xffff;
	v20 =	vadd.s32 v28, v20  }
0xd9: {  	(xrf0) =	vmax.scan.msk.f32 $0xffff, v13;
	v13 =	vadd.s32 v41, v20;
	v20 =	vor.u32 $0xA, v18;
	v21 =	vadd.s32 v23, v21  }
0xda: {  	v52 =	vor.u32 $0xB, v18;
	(xrf0) =	vadd.scan.msk.s32 $0xffff, v16;
	v16 =	vld.idx.msk [tilespmem:v46+s19+$0x0], $0xffff;
	v13 =	vadd.s32 v43, v13;
	v21 =	vadd.s32 v22, v21  }
0xdb: {  	v54 =	vor.u32 $0xC, v18;
	v53 =	vld.idx.msk [tilespmem:v47+s19+$0x0], $0xffff;
	v23 =	vperm.xlane v13, v5;
	v21 =	vadd.s32 v48, v21  }
0xdc: {  	v55 =	vor.u32 $0xD, v18;
	v22 =	vld.idx.msk [tilespmem:v49+s19+$0x0], $0xffff;
	v21 =	vadd.s32 v27, v21  }
0xdd: {  	v57 =	vor.u32 $0xE, v18;
	v56 =	vld.idx.msk [tilespmem:v50+s19+$0x0], $0xffff;
	(xrf0) =	vadd.scan.msk.s32 $0xffff, v23;
	v21 =	vadd.s32 v51, v21  }
0xde: {  	v18 =	vor.u32 $0xF, v18;
	v58, _, _ =	vpop (xrf0);
	v20 =	vld.idx.msk [tilespmem:v20+s19+$0x0], $0xffff  }
0xdf: {  	v25 =	vld.idx.msk [tilespmem:v52+s19+$0x0], $0xffff;
	v59, _, _ =	vpop (xrf0);
	v16 =	vadd.s32 v16, v21  }
0xe0: {  	v31 =	vld.idx.msk [tilespmem:v54+s19+$0x0], $0xffff;
	v16 =	vadd.s32 v53, v16;
	v21, _, _ =	vpop (xrf0)  }
0xe1: {  	v29 =	vld.idx.msk [tilespmem:v55+s19+$0x0], $0xffff;
	v16 =	vadd.s32 v22, v16;
	v21 =	vbroadcast v21, $0xF  }
0xe2: {  	v28 =	vld.idx.msk [tilespmem:v57+s19+$0x0], $0xffff;
	v22 =	vmctz.xlane vm5;
	v16 =	vadd.s32 v56, v16  }
0xe3: {  	v18 =	vld.idx.msk [tilespmem:v18+s19+$0x0], $0xffff;
	v60, _, _ =	vpop (xrf0);
	v16 =	vadd.s32 v20, v16;
	v21 =	vadd.s32 v15, v21  }
0xe4: {  	vm5 =	vgt.s32 v22, v0;
	v16 =	vadd.s32 v25, v16;
	v20 =	vadd.s32 v21, v60  }
0xe5: {  	v17 =	vnsel vm5, $0x0, v17;
	v16 =	vadd.s32 v31, v16;
	vm6 =	vgt.s32 v20, $0x31  }
0xe6: {  	(xrf0) =	vadd.scan.msk.s32 $0xffff, v17;
	v16 =	vadd.s32 v29, v16;
	v20 =	vsel vm6, $0x3F800000, v6  }
0xe7: {  	v16 =	vadd.s32 v28, v16;
	(xrf0) =	vmax.scan.msk.f32 $0xffff, v20  }
0xe8: {  	v16 =	vadd.s32 v18, v16;
	(xrf0) =	vadd.scan.msk.s32 $0xffff, v13  }
0xe9: {  	v13 =	vperm.xlane v16, v5;
	_ =	sdelay $0x1  }
0xea: {  	(xrf0) =	vadd.scan.msk.s32 $0xffff, v13  }
0xeb: {  	v17, _, _ =	vpop (xrf0)  }
0xec: {  	v18, _, _ =	vpop (xrf0)  }
0xed: {  	v20, _, _ =	vpop (xrf0)  }
0xee: {  	v20 =	vbroadcast v20, $0xF  }
0xef: {  	v61 =	vmctz.xlane vm6  }
0xf0: {  	v62, _, _ =	vpop (xrf0);
	v20 =	vadd.s32 v21, v20  }
0xf1: {  	vm5 =	vgt.s32 v61, v0;
	v26 =	vadd.s32 v20, v62  }
0xf2: {  	v23 =	vnsel vm5, $0x0, v23;
	vm6 =	vgt.s32 v26, $0x31  }
0xf3: {  	(v2sf) =	vpush v59, $0xF;
	(xrf0) =	vadd.scan.msk.s32 $0xffff, v23;
	v26 =	vsel vm6, $0x3F800000, v6  }
0xf4: {  	(xrf0) =	vmax.scan.msk.f32 $0xffff, v26;
	_ =	sdelay $0x2  }
0xf5: {  	(v2sf) =	vpush v18, $0xF;
	_ =	sdelay $0x1  }
0xf6: {  	v18, _, _ =	vpop (xrf0)  }
0xf7: {  	v23, _, _ =	vpop (xrf0)  }
0xf8: {  	(v2sf) =	vpush v23, $0xF;
	_ =	sdelay $0x3  }
0xf9: {  	s8 =	spop (v2sf)  }
0xfa: {  	vm2 =	vmor vm3, vm2;
	p0 =	sgt.f32 s8, $0.0e+00;
	v23 =	vmctz.xlane vm6  }
0xfb: {  	s11 =	sadd.s32 $0xF, s31;
	vm3 =	vmmov vm9;
	v10 =	vsel vm4, v11, v10;
	v63 =	vbroadcast v58, $0xF  }
0xfc: {  	v19 =	vsub.s32 s11, v19;
	vm3 =	vmneg @p0 vm3;
	s11 =	spop (v2sf);
	vm5 =	vgt.s32 v23, v0  }
0xfd: {  	v11 =	vadd.s32 v14, v63;
	p0 =	sgt.f32 s11, $0.0e+00;
	(xrf0) =	vadd.scan.msk.s32 $0xffff, v16;
	vm6 =	vmneg vm2;
	v13 =	vnsel vm5, $0x0, v13  }
0xfe: {  	vm2 =	vmor vm2, vm3;
	vm4 =	vmand vm3, vm6;
	vm3 =	vmmov vm9;
	(xrf0) =	vadd.scan.msk.s32 $0xffff, v13  }
0xff: {  	v11 =	vsel vm4, v11, v12;
	v12 =	vbroadcast v17, $0xF;
	vm3 =	vmneg @p0 vm3  }
0x100: {  	s0 =	sadd.s32 $0xF, s0;
	s31 =	spop (v2sf);
	v10 =	vsel vm4, v19, v10;
	vm5 =	vmneg vm2;
	vm2 =	vmor vm2, vm3  }
0x101: {  	p0 =	sgt.f32 s31, $0.0e+00;
	v13 =	vsub.s32 s0, v22;
	v12 =	vadd.s32 v15, v12;
	vm4 =	vmand vm3, vm5  }
0x102: {  	vm3 =	vmmov vm9;
	v11 =	vsel vm4, v12, v11;
	v12 =	vbroadcast v18, $0xF  }
0x103: {  	s11 =	simm.s32 $0x20;
	vm5 =	vmneg vm2;
	v15, _, _ =	vpop (xrf0);
	vm3 =	vmneg @p0 vm3  }
0x104: {  	v10 =	vsel vm4, v13, v10;
	v15 =	vld [tilespmem:s11+$0x10];
	vm4 =	vmand vm3, vm5;
	v12 =	vadd.s32 v21, v12;
	v13, _, _ =	vpop (xrf0);
	s8 =	spop (v2sf)  }
0x105: {  	s3 =	sadd.s32 $0xF, s3;
	v11 =	vsel vm4, v12, v11;
	v12 =	vbroadcast v13, $0xF;
	v13 =	vld [tilespmem:s11+$0xFFFFFFF0];
	p0 =	sgt.f32 s8, $0.0e+00  }
0x106: {  	s26 =	sadd.s32 $0xF, s26;
	v14 =	vsub.s32 s3, v61;
	vm2 =	vmor vm2, vm3;
	vm3 =	vmmov vm9  }
0x107: {  	v16 =	vsub.s32 s26, v23;
	v17 =	vld [tilespmem:s11+$0x0];
	vm2 =	vmneg vm2;
	vm3 =	vmneg @p0 vm3  }
0x108: {  	s31 =	simm.s32 $0x60;
	v14 =	vsel vm4, v14, v10;
	v10 =	vadd.s32 v20, v12;
	vm2 =	vmand vm3, vm2  }
0x109: {  	v19 =	vld [tilespmem:s31+$0x10];
	v10 =	vsel vm2, v10, v11;
	v11 =	vsel vm2, v16, v14  }
0x10a: {  	v12 =	vld [tilespmem:s11+$0xFFFFFFE0];
	v14 =	vshra.s32 v15, $0x18;
	v15 =	vshrl.u32 v15, $0xC;
	v16 =	vshrl.u32 v13, $0xC  }
0x10b: {  	v13 =	vshra.s32 v13, $0x18;
	v11 =	vadd.s32 $0xFFFFFF80, v11;
	v16 =	vand.u32 $0xFF0, v16  }
0x10c: {  	vm6 =	veq.s32 v14, v11;
	v14 =	vand.u32 $0xFF0, v15;
	v15 =	vshrl.u32 v17, $0xC  }
0x10d: {  	v21 =	vld [tilespmem:s31+$0xFFFFFFF0];
	v17 =	vshra.s32 v17, $0x18;
	vm4 =	veq.s32 v13, v11;
	v13 =	vor.u32 v7, v16  }
0x10e: {  	v16 =	vshra.s32 v19, $0x18;
	v18 =	vor.u32 v7, v14;
	v20 =	vand.u32 $0xFF0, v15;
	v15 =	vld [tilespmem:s31+$0x0]  }
0x10f: {  	v19 =	vshrl.u32 v19, $0xC;
	v14 =	vshra.s32 v12, $0x18;
	vm5 =	veq.s32 v17, v11;
	v17 =	vld [tilespmem:s31+$0xFFFFFFE0]  }
0x110: {  	v12 =	vshrl.u32 v12, $0xC;
	vm3 =	veq.s32 v16, v11;
	v16 =	vand.u32 $0xFF0, v19  }
0x111: {  	v12 =	vand.u32 $0xFF0, v12;
	vm2 =	veq.s32 v14, v11;
	v14 =	vor.u32 v7, v20  }
0x112: {  	v20 =	vshrl.u32 v21, $0xC;
	v16 =	vor.u32 v7, v16;
	v12 =	vor.u32 v7, v12  }
0x113: {  	s3 =	simm.s32 $0xA0;
	s0 =	simm.s32 $0x4;
	vm2 =	vmmov vm2;
	[tilespmem:v18+s19+$0x0] =	vst.idx.add.s32.msk vm6, v3;
	v18 =	vshra.s32 v21, $0x18;
	v19 =	vshrl.u32 v15, $0xC  }
.LBB2_11:
0x114: {  	v22 =	vshra.s32 v17, $0x18;
	v17 =	vshrl.u32 v17, $0xC  }
0x115: {  	v21 =	vld [tilespmem:s3+$0x10];
	s0 =	sadd.s32 $0x4, s0;
	v20 =	vand.u32 $0xFF0, v20;
	vm7 =	vmmov vm4;
	vm6 =	vmmov vm5  }
0x116: {  	v24 =	vshra.s32 v15, $0x18;
	v19 =	vand.u32 $0xFF0, v19;
	v23 =	vld [tilespmem:s3+$0xFFFFFFF0];
	p0 =	slt.u32 s0, $0xC40;
	v17 =	vand.u32 $0xFF0, v17  }
0x117: {  	vm4 =	veq.s32 v18, v11;
	vm8 =	veq.s32 v22, v11;
	v15 =	vld [tilespmem:s3+$0x0];
	v22 =	vor.u32 v7, v17  }
.Ltmp4:
0x118: {  	v18 =	vor.u32 v7, v20;
	vm5 =	veq.s32 v24, v11;
	v24 =	vor.u32 v7, v19;
	v17 =	vld [tilespmem:s3+$0xFFFFFFE0];
	(pc) =	sbr.rel @p0 .LBB2_11-.Ltmp4, $4  }
0x119: {  	[tilespmem:v16+s19+$0x0] =	vst.idx.add.s32.msk vm3, v3  }
0x11a: {  	v16 =	vshra.s32 v21, $0x18;
	v19 =	vshrl.u32 v21, $0xC;
	[tilespmem:v12+s19+$0x0] =	vst.idx.add.s32.msk vm2, v3;
	v12 =	vmovc v22;
	vm2 =	vmmov vm8  }
0x11b: {  	v20 =	vshrl.u32 v23, $0xC;
	vm3 =	veq.s32 v16, v11;
	v16 =	vand.u32 $0xFF0, v19;
	[tilespmem:v13+s19+$0x0] =	vst.idx.add.s32.msk vm7, v3;
	v13 =	vmovc v18  }
0x11c: {  	s3 =	sadd.s32 $0x40, s3;
	v18 =	vshra.s32 v23, $0x18;
	v19 =	vshrl.u32 v15, $0xC;
	v16 =	vor.u32 v7, v16;
	[tilespmem:v14+s19+$0x0] =	vst.idx.add.s32.msk vm6, v3;
	v14 =	vmovc v24  }
0x11d: {  	_ = 	snop  }
0x11e: {  	v21 =	vshra.s32 v17, $0x18;
	v61 =	vshrl.u32 v17, $0xC;
	vm4 =	vmmov vm4  }
0x11f: {  	v20 =	vand.u32 $0xFF0, v20;
	vm5 =	vmmov vm5;
	vm7 =	veq.s32 v18, v11  }
0x120: {  	v15 =	vshra.s32 v15, $0x18;
	v62 =	vand.u32 $0xFF0, v19;
	vm7 =	vmmov vm7  }
0x121: {  	vm6 =	veq.s32 v21, v11;
	vm8 =	veq.s32 v15, v11;
	v63 =	vor.u32 v7, v20  }
0x122: {  	[tilespmem:v16+s19+$0x0] =	vst.idx.add.s32.msk vm3, v3;
	v17 =	vand.u32 $0xFF0, v61;
	v15 =	vor.u32 v7, v62;
	vm6 =	vmmov vm6  }
0x123: {  	[tilespmem:v12+s19+$0x0] =	vst.idx.add.s32.msk vm2, v3;
	v17 =	vor.u32 v7, v17  }
0x124: {  	[tilespmem:v13+s19+$0x0] =	vst.idx.add.s32.msk vm4, v3  }
0x125: {  	[tilespmem:v14+s19+$0x0] =	vst.idx.add.s32.msk vm5, v3  }
0x126: {  	[tilespmem:v63+s19+$0x0] =	vst.idx.add.s32.msk vm7, v3  }
0x127: {  	[tilespmem:v15+s19+$0x0] =	vst.idx.add.s32.msk vm8, v3  }
0x128: {  	s0 =	simm.s32 $0x0;
	vm3 =	vmmov vm8;
	[tilespmem:v17+s19+$0x0] =	vst.idx.add.s32.msk vm6, v3  }
.LBB2_13:
0x129: {  	s3 =	sshra.s32 s0, $0x2  }
0x12a: {  	v12 =	vld [tilespmem:s3+$0xC440];
	_ =	sdelay $0x4  }
0x12b: {  	v13 =	vshra.s32 v12, $0x18;
	v12 =	vshrl.u32 v12, $0xC  }
0x12c: {  	vm2 =	veq.s32 v13, v11;
	v12 =	vand.u32 $0xFF0, v12  }
0x12d: {  	p0 =	sne.s32 s0, $0x40;
	v12 =	vor.u32 v7, v12  }
.Ltmp5:
0x12e: {  	_ = 	snop;
	(pc) =	sbr.rel @p0 .LBB2_13-.Ltmp5, $2  }
0x12f: {  	_ =	sdelay $0x2  }
0x130: {  	s0 =	sadd.s32 $0x40, s0;
	[tilespmem:v12+s19+$0x0] =	vst.idx.add.s32.msk vm2, v3  }
0x131: {  	s0 =	simm.s32 $0xF0  }
0x132: {  	v12 =	vmov s0  }
0x133: {  	v12 =	vshll.u32 v12, $0x4  }
0x134: {  	v12 =	vor.u32 v4, v12  }
0x135: {  	v13 =	vor.u32 $0x1000, v12  }
0x136: {  	v14 =	vor.u32 $0x1001, v12  }
0x137: {  	v15 =	vor.u32 $0x1002, v12  }
0x138: {  	v16 =	vor.u32 $0x1003, v12  }
0x139: {  	v17 =	vor.u32 $0x1004, v12  }
0x13a: {  	v18 =	vor.u32 $0x1005, v12;
	v13 =	vld.idx.msk [tilespmem:v13+s19+$0x0], $0xffff  }
0x13b: {  	v19 =	vor.u32 $0x1006, v12;
	v14 =	vld.idx.msk [tilespmem:v14+s19+$0x0], $0xffff  }
0x13c: {  	v20 =	vor.u32 $0x1007, v12;
	v15 =	vld.idx.msk [tilespmem:v15+s19+$0x0], $0xffff  }
0x13d: {  	v21 =	vor.u32 $0x1008, v12;
	v16 =	vld.idx.msk [tilespmem:v16+s19+$0x0], $0xffff  }
0x13e: {  	v22 =	vor.u32 $0x1009, v12;
	v17 =	vld.idx.msk [tilespmem:v17+s19+$0x0], $0xffff  }
0x13f: {  	v23 =	vor.u32 $0x100A, v12;
	v18 =	vld.idx.msk [tilespmem:v18+s19+$0x0], $0xffff  }
0x140: {  	v24 =	vor.u32 $0x100B, v12;
	v19 =	vld.idx.msk [tilespmem:v19+s19+$0x0], $0xffff;
	v13 =	vadd.s32 v13, v14  }
0x141: {  	v14 =	vld.idx.msk [tilespmem:v20+s19+$0x0], $0xffff;
	v20 =	vor.u32 $0x100C, v12;
	v13 =	vadd.s32 v15, v13  }
0x142: {  	s31 =	simm.s32 $0xE0;
	v15 =	vld.idx.msk [tilespmem:v21+s19+$0x0], $0xffff;
	v21 =	vor.u32 $0x100D, v12;
	v13 =	vadd.s32 v16, v13  }
0x143: {  	v16 =	vld.idx.msk [tilespmem:v22+s19+$0x0], $0xffff;
	v22 =	vor.u32 $0x100E, v12;
	v13 =	vadd.s32 v17, v13;
	v17 =	vmov s31  }
0x144: {  	v23 =	vld.idx.msk [tilespmem:v23+s19+$0x0], $0xffff;
	v12 =	vor.u32 $0x100F, v12;
	v13 =	vadd.s32 v18, v13;
	v17 =	vshll.u32 v17, $0x4  }
0x145: {  	v18 =	vld.idx.msk [tilespmem:v24+s19+$0x0], $0xffff;
	v13 =	vadd.s32 v19, v13;
	v17 =	vor.u32 v4, v17  }
0x146: {  	v19 =	vld.idx.msk [tilespmem:v20+s19+$0x0], $0xffff;
	v13 =	vadd.s32 v14, v13;
	v14 =	vor.u32 $0x1000, v17  }
0x147: {  	v20 =	vld.idx.msk [tilespmem:v21+s19+$0x0], $0xffff;
	v13 =	vadd.s32 v15, v13;
	v15 =	vor.u32 $0x1001, v17  }
0x148: {  	v21 =	vld.idx.msk [tilespmem:v22+s19+$0x0], $0xffff;
	v13 =	vadd.s32 v16, v13;
	v16 =	vor.u32 $0x1002, v17  }
0x149: {  	v12 =	vld.idx.msk [tilespmem:v12+s19+$0x0], $0xffff;
	v22 =	vor.u32 $0x1003, v17;
	v13 =	vadd.s32 v23, v13  }
0x14a: {  	v13 =	vadd.s32 v18, v13;
	v18 =	vor.u32 $0x1004, v17  }
0x14b: {  	v13 =	vadd.s32 v19, v13;
	v14 =	vld.idx.msk [tilespmem:v14+s19+$0x0], $0xffff;
	v19 =	vor.u32 $0x1005, v17  }
0x14c: {  	v13 =	vadd.s32 v20, v13;
	v15 =	vld.idx.msk [tilespmem:v15+s19+$0x0], $0xffff;
	v20 =	vor.u32 $0x1006, v17  }
0x14d: {  	v13 =	vadd.s32 v21, v13;
	v16 =	vld.idx.msk [tilespmem:v16+s19+$0x0], $0xffff;
	v21 =	vor.u32 $0x1007, v17  }
0x14e: {  	v13 =	vadd.s32 v12, v13;
	v12 =	vld.idx.msk [tilespmem:v22+s19+$0x0], $0xffff;
	v22 =	vor.u32 $0x1008, v17  }
0x14f: {  	v24 =	vor.u32 $0x1009, v17;
	v23 =	vperm.xlane v13, v5;
	v18 =	vld.idx.msk [tilespmem:v18+s19+$0x0], $0xffff  }
0x150: {  	v25 =	vor.u32 $0x100A, v17;
	v19 =	vld.idx.msk [tilespmem:v19+s19+$0x0], $0xffff  }
0x151: {  	v26 =	vor.u32 $0x100B, v17;
	(xrf0) =	vadd.scan.msk.s32 $0xffff, v23;
	v20 =	vld.idx.msk [tilespmem:v20+s19+$0x0], $0xffff;
	v14 =	vadd.s32 v14, v15  }
0x152: {  	v15 =	vld.idx.msk [tilespmem:v21+s19+$0x0], $0xffff;
	v21 =	vor.u32 $0x100C, v17;
	v14 =	vadd.s32 v16, v14  }
0x153: {  	v16 =	vld.idx.msk [tilespmem:v22+s19+$0x0], $0xffff;
	v22 =	vor.u32 $0x100D, v17;
	v12 =	vadd.s32 v12, v14  }
0x154: {  	s0 =	simm.s32 $0xD0;
	v14 =	vld.idx.msk [tilespmem:v24+s19+$0x0], $0xffff;
	v24 =	vor.u32 $0x100E, v17;
	v12 =	vadd.s32 v18, v12  }
0x155: {  	v25 =	vld.idx.msk [tilespmem:v25+s19+$0x0], $0xffff;
	v17 =	vor.u32 $0x100F, v17;
	v18 =	vmov s0;
	v19 =	vadd.s32 v19, v12  }
0x156: {  	v10 =	vsub.s32 $0x32, v10;
	v26 =	vld.idx.msk [tilespmem:v26+s19+$0x0], $0xffff;
	v18 =	vshll.u32 v18, $0x4;
	v19 =	vadd.s32 v20, v19  }
0x157: {  	v12 =	vimm.s32 $0x0;
	v18 =	vor.u32 v4, v18;
	v20, _, _ =	vpop (xrf0);
	v21 =	vld.idx.msk [tilespmem:v21+s19+$0x0], $0xffff;
	v15 =	vadd.s32 v15, v19  }
0x158: {  	v19 =	vadd.s32 v12, v20;
	v20 =	vor.u32 $0x1000, v18;
	v22 =	vld.idx.msk [tilespmem:v22+s19+$0x0], $0xffff;
	v15 =	vadd.s32 v16, v15  }
0x159: {  	v16 =	vor.u32 $0x1001, v18;
	vm2 =	vge.s32 v19, v10;
	v19 =	vld.idx.msk [tilespmem:v24+s19+$0x0], $0xffff;
	v14 =	vadd.s32 v14, v15  }
0x15a: {  	v17 =	vld.idx.msk [tilespmem:v17+s19+$0x0], $0xffff;
	v24 =	vor.u32 $0x1002, v18;
	v15 =	vsel vm2, $0x3F800000, v6;
	v14 =	vadd.s32 v25, v14  }
0x15b: {  	(xrf0) =	vmax.scan.msk.f32 $0xffff, v15;
	v15 =	vor.u32 $0x1003, v18;
	v14 =	vadd.s32 v26, v14  }
0x15c: {  	v25 =	vor.u32 $0x1004, v18;
	v14 =	vadd.s32 v21, v14  }
0x15d: {  	v21 =	vor.u32 $0x1005, v18;
	v20 =	vld.idx.msk [tilespmem:v20+s19+$0x0], $0xffff;
	v14 =	vadd.s32 v22, v14  }
0x15e: {  	v16 =	vld.idx.msk [tilespmem:v16+s19+$0x0], $0xffff;
	v14 =	vadd.s32 v19, v14;
	v19 =	vor.u32 $0x1006, v18  }
0x15f: {  	(xrf0) =	vadd.scan.msk.s32 $0xffff, v13;
	v13 =	vor.u32 $0x1007, v18;
	v22 =	vld.idx.msk [tilespmem:v24+s19+$0x0], $0xffff;
	v14 =	vadd.s32 v17, v14  }
0x160: {  	v26 =	vor.u32 $0x1008, v18;
	v17 =	vld.idx.msk [tilespmem:v15+s19+$0x0], $0xffff;
	v15 =	vperm.xlane v14, v5  }
0x161: {  	v27 =	vor.u32 $0x1009, v18;
	v31 =	vmctz.xlane vm2;
	v25 =	vld.idx.msk [tilespmem:v25+s19+$0x0], $0xffff  }
0x162: {  	v28 =	vor.u32 $0x100A, v18;
	v29 =	vor.u32 $0x100B, v18;
	v30 =	vor.u32 $0x100E, v18;
	v24, _, _ =	vpop (xrf0);
	v21 =	vld.idx.msk [tilespmem:v21+s19+$0x0], $0xffff;
	(xrf0) =	vadd.scan.msk.s32 $0xffff, v15  }
0x163: {  	s3 =	simm.s32 $0xC0;
	vm2 =	vgt.s32 v31, v0;
	(v2sf) =	vpush v24, $0xF;
	v16 =	vadd.s32 v20, v16;
	v19 =	vld.idx.msk [tilespmem:v19+s19+$0x0], $0xffff  }
0x164: {  	v13 =	vld.idx.msk [tilespmem:v13+s19+$0x0], $0xffff;
	v24 =	vmov s3;
	v20 =	vor.u32 $0x100C, v18;
	v16 =	vadd.s32 v22, v16  }
0x165: {  	v26 =	vld.idx.msk [tilespmem:v26+s19+$0x0], $0xffff;
	v24 =	vshll.u32 v24, $0x4;
	v22 =	vor.u32 $0x100D, v18;
	v16 =	vadd.s32 v17, v16;
	v17, _, _ =	vpop (xrf0)  }
0x166: {  	v24 =	vor.u32 v4, v24;
	v16 =	vadd.s32 v25, v16;
	v17 =	vbroadcast v17, $0xF;
	v25 =	vld.idx.msk [tilespmem:v27+s19+$0x0], $0xffff  }
0x167: {  	v28 =	vld.idx.msk [tilespmem:v28+s19+$0x0], $0xffff;
	v18 =	vor.u32 $0x100F, v18;
	v27 =	vor.u32 $0x1000, v24;
	v16 =	vadd.s32 v21, v16  }
0x168: {  	v29 =	vld.idx.msk [tilespmem:v29+s19+$0x0], $0xffff;
	v21 =	vor.u32 $0x1001, v24;
	v32, _, _ =	vpop (xrf0);
	v17 =	vadd.s32 v12, v17;
	v16 =	vadd.s32 v19, v16  }
0x169: {  	v20 =	vld.idx.msk [tilespmem:v20+s19+$0x0], $0xffff;
	v19 =	vadd.s32 v17, v32;
	v13 =	vadd.s32 v13, v16;
	v16 =	vnsel vm2, $0x0, v23  }
0x16a: {  	vm3 =	vge.s32 v19, v10;
	v19 =	vld.idx.msk [tilespmem:v22+s19+$0x0], $0xffff;
	v13 =	vadd.s32 v26, v13;
	v22 =	vor.u32 $0x1002, v24  }
0x16b: {  	(xrf0) =	vadd.scan.msk.s32 $0xffff, v16;
	v16 =	vld.idx.msk [tilespmem:v30+s19+$0x0], $0xffff;
	v23 =	vsel vm3, $0x3F800000, v6;
	v13 =	vadd.s32 v25, v13;
	v25 =	vor.u32 $0x1003, v24  }
0x16c: {  	v18 =	vld.idx.msk [tilespmem:v18+s19+$0x0], $0xffff;
	(xrf0) =	vmax.scan.msk.f32 $0xffff, v23;
	v13 =	vadd.s32 v28, v13;
	v23 =	vor.u32 $0x1004, v24  }
0x16d: {  	v27 =	vld.idx.msk [tilespmem:v27+s19+$0x0], $0xffff;
	v26 =	vadd.s32 v29, v13  }
0x16e: {  	s8 =	simm.s32 $0xFF;
	v33 =	vor.u32 $0x100A, v24;
	v28 =	vor.u32 $0x1005, v24;
	v21 =	vld.idx.msk [tilespmem:v21+s19+$0x0], $0xffff;
	v20 =	vadd.s32 v20, v26  }
0x16f: {  	v13 =	vsub.s32 s8, v31;
	v26 =	vor.u32 $0x1006, v24;
	v19 =	vadd.s32 v19, v20;
	v31 =	vld.idx.msk [tilespmem:v22+s19+$0x0], $0xffff  }
0x170: {  	v63 =	vor.u32 $0x1009, v24;
	v29 =	vor.u32 $0x1007, v24;
	v16 =	vadd.s32 v16, v19;
	v25 =	vld.idx.msk [tilespmem:v25+s19+$0x0], $0xffff  }
0x171: {  	v35 =	vor.u32 $0x100B, v24;
	vm2 =	vmmov vm9;
	(xrf0) =	vadd.scan.msk.s32 $0xffff, v14;
	v14, _, _ =	vpop (xrf0);
	v18 =	vadd.s32 v18, v16;
	v16 =	vld.idx.msk [tilespmem:v23+s19+$0x0], $0xffff  }
0x172: {  	s26 =	simm.s32 $0xB0;
	v32 =	vor.u32 $0x100E, v24;
	v19 =	vor.u32 $0x1008, v24;
	v22, _, _ =	vpop (xrf0);
	v20 =	vperm.xlane v18, v5  }
0x173: {  	v30 =	vmov s26;
	s11 =	spop (v2sf);
	v34 =	vld.idx.msk [tilespmem:v28+s19+$0x0], $0xffff;
	v21 =	vadd.s32 v27, v21;
	(v2sf) =	vpush v22, $0xF  }
0x174: {  	v14 =	vbroadcast v14, $0xF;
	v23 =	vshll.u32 v30, $0x4;
	p0 =	sgt.f32 s11, $0.0e+00;
	v22 =	vld.idx.msk [tilespmem:v26+s19+$0x0], $0xffff;
	v21 =	vadd.s32 v31, v21;
	(xrf0) =	vadd.scan.msk.s32 $0xffff, v20  }
0x175: {  	v30 =	vor.u32 $0x100F, v24;
	v26 =	vld.idx.msk [tilespmem:v29+s19+$0x0], $0xffff;
	v29 =	vor.u32 $0x100C, v24;
	v21 =	vadd.s32 v25, v21  }
0x176: {  	v27 =	vld.idx.msk [tilespmem:v63+s19+$0x0], $0xffff;
	vm2 =	vmneg @p0 vm2;
	v31 =	vor.u32 $0x100D, v24;
	v16 =	vadd.s32 v16, v21  }
0x177: {  	v14 =	vadd.s32 v12, v14;
	vm4 =	vmand vm2, vm1;
	v28 =	vld.idx.msk [tilespmem:v19+s19+$0x0], $0xffff;
	v19 =	vor.u32 v4, v23;
	v25, _, _ =	vpop (xrf0)  }
0x178: {  	v23 =	vld.idx.msk [tilespmem:v33+s19+$0x0], $0xffff;
	v14 =	vsel vm4, v14, v12;
	v33 =	vbroadcast v25, $0xF;
	v24 =	vor.u32 $0x1000, v19  }
0x179: {  	s8 =	simm.s32 $0xA0;
	v25 =	vld.idx.msk [tilespmem:v35+s19+$0x0], $0xffff;
	v21 =	vmctz.xlane vm3;
	vm3 =	vmmov vm9;
	v34 =	vadd.s32 v34, v16;
	v16 =	vmovc v17  }
.LBB2_15:
0x17a: {  	p0 =	sne.s32 s8, $0x0;
	v35 =	vor.u32 $0x1001, v19;
	v22 =	vadd.s32 v22, v34;
	v29 =	vld.idx.msk [tilespmem:v29+s19+$0x0], $0xffff;
	v34, _, _ =	vpop (xrf0);
	v17 =	vadd.s32 v17, v33  }
0x17b: {  	v22 =	vadd.s32 v26, v22;
	v26 =	vld.idx.msk [tilespmem:v31+s19+$0x0], $0xffff;
	v31 =	vadd.s32 v17, v34;
	vm6 =	vgt.s32 v21, v0  }
0x17c: {  	v22 =	vadd.s32 v28, v22;
	v28 =	vld.idx.msk [tilespmem:v32+s19+$0x0], $0xffff;
	vm5 =	vge.s32 v31, v10;
	v31 =	vnsel vm6, $0x0, v15;
	v15 =	vmovc v20  }
0x17d: {  	s11 =	sadd.s32 $0xF, s31;
	s31 =	smov.u32 s0;
	s0 =	smov.u32 s3;
	v20 =	vor.u32 $0x1002, v19;
	v22 =	vadd.s32 v27, v22;
	v27 =	vld.idx.msk [tilespmem:v30+s19+$0x0], $0xffff;
	v30 =	vsel vm5, $0x3F800000, v6;
	(xrf0) =	vadd.scan.msk.s32 $0xffff, v31  }
0x17e: {  	s3 =	smov.u32 s26;
	s26 =	smov.u32 s8;
	v21 =	vsub.s32 s11, v21;
	v31 =	vor.u32 $0x1003, v19;
	v22 =	vadd.s32 v23, v22;
	(xrf0) =	vmax.scan.msk.f32 $0xffff, v30  }
0x17f: {  	v12 =	vsel vm4, v13, v12;
	v13 =	vmovc v21;
	v23 =	vor.u32 $0x1004, v19;
	v22 =	vadd.s32 v25, v22  }
0x180: {  	v33 =	vor.u32 $0x100A, v19;
	v21 =	vld.idx.msk [tilespmem:v24+s19+$0x0], $0xffff;
	v24 =	vor.u32 $0x1005, v19;
	v22 =	vadd.s32 v29, v22  }
0x181: {  	v30 =	vor.u32 $0x1006, v19;
	v25 =	vmov s8;
	v29 =	vld.idx.msk [tilespmem:v35+s19+$0x0], $0xffff;
	v36 =	vadd.s32 v26, v22  }
0x182: {  	vm3 =	vmor vm3, vm2;
	v26 =	vor.u32 $0x1007, v19;
	v32 =	vld.idx.msk [tilespmem:v20+s19+$0x0], $0xffff;
	v20 =	vadd.s32 v28, v36;
	s11 =	spop (v2sf)  }
0x183: {  	v35 =	vor.u32 $0x1009, v19;
	v28 =	vor.u32 $0x1008, v19;
	v34 =	vld.idx.msk [tilespmem:v31+s19+$0x0], $0xffff;
	(xrf0) =	vadd.scan.msk.s32 $0xffff, v18;
	v18 =	vadd.s32 v27, v20;
	p1 =	sgt.f32 s11, $0.0e+00;
	v22, _, _ =	vpop (xrf0)  }
0x184: {  	vm2 =	vmmov vm9;
	v23 =	vld.idx.msk [tilespmem:v23+s19+$0x0], $0xffff;
	v20 =	vperm.xlane v18, v5;
	v27, _, _ =	vpop (xrf0);
	v31 =	vbroadcast v22, $0xF  }
0x185: {  	vm4 =	vmneg vm3;
	v36 =	vld.idx.msk [tilespmem:v24+s19+$0x0], $0xffff;
	(v2sf) =	vpush v27, $0xF;
	vm2 =	vmneg @p1 vm2  }
0x186: {  	v37 =	vor.u32 $0x100B, v19;
	v22 =	vld.idx.msk [tilespmem:v30+s19+$0x0], $0xffff;
	(xrf0) =	vadd.scan.msk.s32 $0xffff, v20;
	v24 =	vadd.s32 v16, v31;
	vm4 =	vmand vm2, vm4;
	v16 =	vmovc v17  }
.Ltmp6:
0x187: {  	v21 =	vadd.s32 v21, v29;
	v29 =	vor.u32 $0x100C, v19;
	v26 =	vld.idx.msk [tilespmem:v26+s19+$0x0], $0xffff;
	v14 =	vsel vm4, v24, v14;
	(pc) =	sbr.rel @p0 .LBB2_15-.Ltmp6, $4  }
0x188: {  	v31 =	vor.u32 $0x100D, v19;
	v24 =	vshll.u32 v25, $0x4;
	v21 =	vadd.s32 v32, v21;
	v28 =	vld.idx.msk [tilespmem:v28+s19+$0x0], $0xffff  }
0x189: {  	v32 =	vor.u32 $0x100E, v19;
	v24 =	vor.u32 v4, v24;
	v21 =	vadd.s32 v34, v21;
	v27 =	vld.idx.msk [tilespmem:v35+s19+$0x0], $0xffff;
	v25, _, _ =	vpop (xrf0)  }
0x18a: {  	v30 =	vor.u32 $0x100F, v19;
	v21 =	vadd.s32 v23, v21;
	v19 =	vmovc v24;
	v23 =	vld.idx.msk [tilespmem:v33+s19+$0x0], $0xffff;
	v33 =	vbroadcast v25, $0xF  }
0x18b: {  	s8 =	sadd.s32 $0xFFFFFFF0, s8;
	v24 =	vor.u32 $0x1000, v19;
	v34 =	vadd.s32 v36, v21;
	v21 =	vmctz.xlane vm5;
	v25 =	vld.idx.msk [tilespmem:v37+s19+$0x0], $0xffff  }
0x18c: {  	_ =	sdelay $0x3  }
0x18d: {  	v35 =	vor.u32 $0x1001, v19;
	v29 =	vld.idx.msk [tilespmem:v29+s19+$0x0], $0xffff  }
0x18e: {  	v22 =	vadd.s32 v22, v34;
	v31 =	vld.idx.msk [tilespmem:v31+s19+$0x0], $0xffff;
	v60 =	vor.u32 $0x1002, v19  }
0x18f: {  	v61 =	vld.idx.msk [tilespmem:v32+s19+$0x0], $0xffff;
	v62 =	vor.u32 $0x1003, v19;
	v22 =	vadd.s32 v26, v22  }
0x190: {  	v63 =	vld.idx.msk [tilespmem:v30+s19+$0x0], $0xffff;
	v36 =	vor.u32 $0x1004, v19;
	v22 =	vadd.s32 v28, v22  }
0x191: {  	v24 =	vld.idx.msk [tilespmem:v24+s19+$0x0], $0xffff;
	v37 =	vor.u32 $0x1005, v19;
	v22 =	vadd.s32 v27, v22  }
0x192: {  	v17 =	vadd.s32 v17, v33;
	v22 =	vadd.s32 v23, v22;
	v23 =	vld.idx.msk [tilespmem:v35+s19+$0x0], $0xffff  }
0x193: {  	v38, _, _ =	vpop (xrf0);
	v39 =	vor.u32 $0x1006, v19;
	v41 =	vor.u32 $0x1007, v19;
	v43 =	vor.u32 $0x1008, v19;
	v40 =	vld.idx.msk [tilespmem:v60+s19+$0x0], $0xffff  }
0x194: {  	vm5 =	vgt.s32 v21, v0;
	v33 =	vadd.s32 v17, v38;
	v22 =	vadd.s32 v25, v22;
	v42 =	vld.idx.msk [tilespmem:v62+s19+$0x0], $0xffff  }
0x195: {  	v15 =	vnsel vm5, $0x0, v15;
	vm5 =	vge.s32 v33, v10;
	v30 =	vld.idx.msk [tilespmem:v36+s19+$0x0], $0xffff;
	v22 =	vadd.s32 v29, v22  }
0x196: {  	v44 =	vor.u32 $0x1009, v19;
	(xrf0) =	vadd.scan.msk.s32 $0xffff, v15;
	v15 =	vsel vm5, $0x3F800000, v6;
	v45 =	vld.idx.msk [tilespmem:v37+s19+$0x0], $0xffff;
	v22 =	vadd.s32 v31, v22  }
0x197: {  	(xrf0) =	vmax.scan.msk.f32 $0xffff, v15;
	v15 =	vor.u32 $0x100A, v19;
	v22 =	vadd.s32 v61, v22;
	v23 =	vadd.s32 v24, v23  }
0x198: {  	v46 =	vor.u32 $0x100B, v19;
	(xrf0) =	vadd.scan.msk.s32 $0xffff, v18;
	v18 =	vld.idx.msk [tilespmem:v39+s19+$0x0], $0xffff;
	v22 =	vadd.s32 v63, v22;
	v23 =	vadd.s32 v40, v23  }
0x199: {  	v49 =	vor.u32 $0x100C, v19;
	v48 =	vld.idx.msk [tilespmem:v41+s19+$0x0], $0xffff;
	v47 =	vperm.xlane v22, v5;
	v23 =	vadd.s32 v42, v23  }
0x19a: {  	v51 =	vor.u32 $0x100D, v19;
	v50 =	vld.idx.msk [tilespmem:v43+s19+$0x0], $0xffff;
	v23 =	vadd.s32 v30, v23  }
0x19b: {  	v53 =	vor.u32 $0x100E, v19;
	v52 =	vld.idx.msk [tilespmem:v44+s19+$0x0], $0xffff;
	(xrf0) =	vadd.scan.msk.s32 $0xffff, v47;
	v23 =	vadd.s32 v45, v23  }
0x19c: {  	v19 =	vor.u32 $0x100F, v19;
	v54, _, _ =	vpop (xrf0);
	v15 =	vld.idx.msk [tilespmem:v15+s19+$0x0], $0xffff  }
0x19d: {  	v27 =	vld.idx.msk [tilespmem:v46+s19+$0x0], $0xffff;
	v55, _, _ =	vpop (xrf0);
	v18 =	vadd.s32 v18, v23  }
0x19e: {  	v33 =	vld.idx.msk [tilespmem:v49+s19+$0x0], $0xffff;
	v18 =	vadd.s32 v48, v18;
	v23, _, _ =	vpop (xrf0)  }
0x19f: {  	v56 =	vld.idx.msk [tilespmem:v51+s19+$0x0], $0xffff;
	v18 =	vadd.s32 v50, v18;
	v23 =	vbroadcast v23, $0xF  }
0x1a0: {  	v57 =	vmctz.xlane vm5;
	v31 =	vld.idx.msk [tilespmem:v53+s19+$0x0], $0xffff;
	v18 =	vadd.s32 v52, v18  }
0x1a1: {  	v19 =	vld.idx.msk [tilespmem:v19+s19+$0x0], $0xffff;
	v58, _, _ =	vpop (xrf0);
	v15 =	vadd.s32 v15, v18;
	v23 =	vadd.s32 v17, v23  }
0x1a2: {  	vm5 =	vgt.s32 v57, v0;
	v15 =	vadd.s32 v27, v15;
	v18 =	vadd.s32 v23, v58  }
0x1a3: {  	v15 =	vadd.s32 v33, v15;
	vm6 =	vge.s32 v18, v10;
	v18 =	vnsel vm5, $0x0, v20  }
0x1a4: {  	v15 =	vadd.s32 v56, v15;
	v20 =	vsel vm6, $0x3F800000, v6;
	(xrf0) =	vadd.scan.msk.s32 $0xffff, v18  }
0x1a5: {  	v15 =	vadd.s32 v31, v15;
	(xrf0) =	vmax.scan.msk.f32 $0xffff, v20  }
0x1a6: {  	v15 =	vadd.s32 v19, v15;
	(xrf0) =	vadd.scan.msk.s32 $0xffff, v22  }
0x1a7: {  	v18 =	vperm.xlane v15, v5;
	_ =	sdelay $0x1  }
0x1a8: {  	(xrf0) =	vadd.scan.msk.s32 $0xffff, v18  }
0x1a9: {  	v19, _, _ =	vpop (xrf0)  }
0x1aa: {  	v20, _, _ =	vpop (xrf0)  }
0x1ab: {  	v22, _, _ =	vpop (xrf0)  }
0x1ac: {  	v22 =	vbroadcast v22, $0xF  }
0x1ad: {  	v59 =	vmctz.xlane vm6  }
0x1ae: {  	v60, _, _ =	vpop (xrf0);
	v22 =	vadd.s32 v23, v22  }
0x1af: {  	vm5 =	vgt.s32 v59, v0;
	v28 =	vadd.s32 v22, v60  }
0x1b0: {  	v24 =	vnsel vm5, $0x0, v47;
	vm6 =	vge.s32 v28, v10  }
0x1b1: {  	(xrf0) =	vadd.scan.msk.s32 $0xffff, v24;
	v28 =	vsel vm6, $0x3F800000, v6  }
0x1b2: {  	(v2sf) =	vpush v55, $0xF;
	(xrf0) =	vmax.scan.msk.f32 $0xffff, v28;
	_ =	sdelay $0x3  }
0x1b3: {  	(v2sf) =	vpush v20, $0xF  }
0x1b4: {  	v20, _, _ =	vpop (xrf0)  }
0x1b5: {  	v61, _, _ =	vpop (xrf0)  }
0x1b6: {  	(v2sf) =	vpush v61, $0xF;
	_ =	sdelay $0x3  }
0x1b7: {  	s8 =	spop (v2sf)  }
0x1b8: {  	vm2 =	vmor vm3, vm2;
	p0 =	sgt.f32 s8, $0.0e+00  }
0x1b9: {  	s11 =	sadd.s32 $0xF, s31;
	vm3 =	vmmov vm9;
	v63 =	vbroadcast v54, $0xF;
	v62 =	vmctz.xlane vm6  }
0x1ba: {  	v12 =	vsel vm4, v13, v12;
	v21 =	vsub.s32 s11, v21;
	vm3 =	vmneg @p0 vm3  }
0x1bb: {  	v13 =	vadd.s32 v16, v63;
	s11 =	spop (v2sf);
	vm6 =	vmneg vm2;
	vm5 =	vgt.s32 v62, v0  }
0x1bc: {  	p0 =	sgt.f32 s11, $0.0e+00;
	vm2 =	vmor vm2, vm3;
	vm4 =	vmand vm3, vm6;
	(xrf0) =	vadd.scan.msk.s32 $0xffff, v15;
	v15 =	vnsel vm5, $0x0, v18  }
0x1bd: {  	vm3 =	vmmov vm9;
	v13 =	vsel vm4, v13, v14;
	v14 =	vbroadcast v19, $0xF;
	(xrf0) =	vadd.scan.msk.s32 $0xffff, v15  }
0x1be: {  	vm3 =	vmneg @p0 vm3;
	vm5 =	vmneg vm2  }
0x1bf: {  	s0 =	sadd.s32 $0xF, s0;
	v12 =	vsel vm4, v21, v12;
	v14 =	vadd.s32 v17, v14;
	vm4 =	vmand vm3, vm5;
	s31 =	spop (v2sf)  }
0x1c0: {  	s3 =	sadd.s32 $0xF, s3;
	v13 =	vsel vm4, v14, v13;
	v14 =	vbroadcast v20, $0xF;
	v15 =	vsub.s32 s0, v57;
	p0 =	sgt.f32 s31, $0.0e+00  }
0x1c1: {  	v16 =	vsub.s32 s3, v59;
	vm2 =	vmor vm2, vm3;
	vm3 =	vmmov vm9  }
0x1c2: {  	s11 =	simm.s32 $0x20;
	vm5 =	vmneg vm2;
	v14 =	vadd.s32 v23, v14;
	v17, _, _ =	vpop (xrf0);
	vm3 =	vmneg @p0 vm3;
	s8 =	spop (v2sf)  }
0x1c3: {  	v12 =	vsel vm4, v15, v12;
	v17 =	vld [tilespmem:s11+$0x10];
	vm4 =	vmand vm3, vm5;
	v15, _, _ =	vpop (xrf0);
	vm2 =	vmor vm2, vm3;
	p0 =	sgt.f32 s8, $0.0e+00  }
0x1c4: {  	s26 =	sadd.s32 $0xF, s26;
	vm3 =	vmmov vm9;
	v13 =	vsel vm4, v14, v13;
	v14 =	vbroadcast v15, $0xF;
	v15 =	vld [tilespmem:s11+$0xFFFFFFF0]  }
0x1c5: {  	v19 =	vld [tilespmem:s11+$0x0];
	v18 =	vsub.s32 s26, v62;
	vm2 =	vmneg vm2;
	vm3 =	vmneg @p0 vm3  }
0x1c6: {  	v16 =	vsel vm4, v16, v12;
	v12 =	vadd.s32 v22, v14;
	v14 =	vld [tilespmem:s11+$0xFFFFFFE0];
	vm2 =	vmand vm3, vm2  }
0x1c7: {  	v11 =	vshll.u32 v11, $0x8;
	v12 =	vsel vm2, v12, v13;
	v13 =	vsel vm2, v18, v16  }
0x1c8: {  	s31 =	simm.s32 $0x60;
	v11 =	vadd.s32 v11, v13;
	v13 =	vshra.s32 v17, $0x10  }
0x1c9: {  	v16 =	vshrl.u32 v17, $0x4;
	v18 =	vld [tilespmem:s31+$0x10];
	v17 =	vshrl.u32 v15, $0x4;
	vm6 =	veq.s32 v13, v11  }
0x1ca: {  	v13 =	vand.u32 $0xFF0, v16;
	v16 =	vshrl.u32 v19, $0x4;
	v17 =	vand.u32 $0xFF0, v17  }
0x1cb: {  	v22 =	vld [tilespmem:s31+$0xFFFFFFF0];
	v20 =	vor.u32 v8, v13;
	v13 =	vshra.s32 v14, $0x10;
	v14 =	vshrl.u32 v14, $0x4  }
0x1cc: {  	v19 =	vshra.s32 v19, $0x10;
	v21 =	vand.u32 $0xFF0, v16;
	v14 =	vand.u32 $0xFF0, v14  }
0x1cd: {  	v16 =	vld [tilespmem:s31+$0x0];
	vm5 =	veq.s32 v19, v11;
	vm2 =	veq.s32 v13, v11;
	v13 =	vor.u32 v8, v14  }
0x1ce: {  	v14 =	vor.u32 v8, v17;
	v17 =	vshra.s32 v18, $0x10;
	v19 =	vshrl.u32 v18, $0x4;
	v18 =	vld [tilespmem:s31+$0xFFFFFFE0]  }
0x1cf: {  	v15 =	vshra.s32 v15, $0x10  }
0x1d0: {  	vm4 =	veq.s32 v15, v11;
	v15 =	vor.u32 v8, v21;
	v21 =	vshrl.u32 v22, $0x4  }
0x1d1: {  	vm2 =	vmmov vm2;
	vm3 =	veq.s32 v17, v11;
	v17 =	vand.u32 $0xFF0, v19  }
0x1d2: {  	s3 =	simm.s32 $0xA0;
	s0 =	simm.s32 $0x4;
	v19 =	vshra.s32 v22, $0x10;
	v17 =	vor.u32 v8, v17;
	[tilespmem:v20+s19+$0x0] =	vst.idx.add.s32.msk vm6, v3;
	v20 =	vshrl.u32 v16, $0x4  }
.LBB2_17:
0x1d3: {  	v23 =	vshra.s32 v18, $0x10;
	v18 =	vshrl.u32 v18, $0x4  }
0x1d4: {  	v22 =	vld [tilespmem:s3+$0x10];
	s0 =	sadd.s32 $0x4, s0;
	v21 =	vand.u32 $0xFF0, v21;
	vm7 =	vmmov vm4;
	vm6 =	vmmov vm5  }
0x1d5: {  	v25 =	vshra.s32 v16, $0x10;
	v20 =	vand.u32 $0xFF0, v20;
	v24 =	vld [tilespmem:s3+$0xFFFFFFF0];
	p0 =	slt.u32 s0, $0xC40;
	v18 =	vand.u32 $0xFF0, v18  }
0x1d6: {  	vm4 =	veq.s32 v19, v11;
	vm8 =	veq.s32 v23, v11;
	v16 =	vld [tilespmem:s3+$0x0];
	v23 =	vor.u32 v8, v18  }
.Ltmp7:
0x1d7: {  	v19 =	vor.u32 v8, v21;
	vm5 =	veq.s32 v25, v11;
	v25 =	vor.u32 v8, v20;
	v18 =	vld [tilespmem:s3+$0xFFFFFFE0];
	(pc) =	sbr.rel @p0 .LBB2_17-.Ltmp7, $4  }
0x1d8: {  	[tilespmem:v17+s19+$0x0] =	vst.idx.add.s32.msk vm3, v3  }
0x1d9: {  	v17 =	vshra.s32 v22, $0x10;
	v20 =	vshrl.u32 v22, $0x4;
	[tilespmem:v13+s19+$0x0] =	vst.idx.add.s32.msk vm2, v3;
	v13 =	vmovc v23;
	vm2 =	vmmov vm8  }
0x1da: {  	v21 =	vshrl.u32 v24, $0x4;
	vm3 =	veq.s32 v17, v11;
	v17 =	vand.u32 $0xFF0, v20;
	[tilespmem:v14+s19+$0x0] =	vst.idx.add.s32.msk vm7, v3;
	v14 =	vmovc v19  }
0x1db: {  	s3 =	sadd.s32 $0x40, s3;
	v19 =	vshra.s32 v24, $0x10;
	v20 =	vshrl.u32 v16, $0x4;
	v17 =	vor.u32 v8, v17;
	[tilespmem:v15+s19+$0x0] =	vst.idx.add.s32.msk vm6, v3;
	v15 =	vmovc v25  }
0x1dc: {  	_ = 	snop  }
0x1dd: {  	v22 =	vshra.s32 v18, $0x10;
	v61 =	vshrl.u32 v18, $0x4;
	vm4 =	vmmov vm4  }
0x1de: {  	v21 =	vand.u32 $0xFF0, v21;
	vm5 =	vmmov vm5;
	vm7 =	veq.s32 v19, v11  }
0x1df: {  	v16 =	vshra.s32 v16, $0x10;
	v62 =	vand.u32 $0xFF0, v20;
	vm7 =	vmmov vm7  }
0x1e0: {  	vm6 =	veq.s32 v22, v11;
	vm8 =	veq.s32 v16, v11;
	v63 =	vor.u32 v8, v21  }
0x1e1: {  	[tilespmem:v17+s19+$0x0] =	vst.idx.add.s32.msk vm3, v3;
	v18 =	vand.u32 $0xFF0, v61;
	v16 =	vor.u32 v8, v62;
	vm6 =	vmmov vm6  }
0x1e2: {  	[tilespmem:v13+s19+$0x0] =	vst.idx.add.s32.msk vm2, v3;
	v18 =	vor.u32 v8, v18  }
0x1e3: {  	[tilespmem:v14+s19+$0x0] =	vst.idx.add.s32.msk vm4, v3  }
0x1e4: {  	[tilespmem:v15+s19+$0x0] =	vst.idx.add.s32.msk vm5, v3  }
0x1e5: {  	[tilespmem:v63+s19+$0x0] =	vst.idx.add.s32.msk vm7, v3  }
0x1e6: {  	[tilespmem:v16+s19+$0x0] =	vst.idx.add.s32.msk vm8, v3  }
0x1e7: {  	s0 =	simm.s32 $0x0;
	vm3 =	vmmov vm8;
	[tilespmem:v18+s19+$0x0] =	vst.idx.add.s32.msk vm6, v3  }
.LBB2_19:
0x1e8: {  	s3 =	sshra.s32 s0, $0x2  }
0x1e9: {  	v13 =	vld [tilespmem:s3+$0xC440];
	_ =	sdelay $0x4  }
0x1ea: {  	v14 =	vshra.s32 v13, $0x10;
	v13 =	vshrl.u32 v13, $0x4  }
0x1eb: {  	vm2 =	veq.s32 v14, v11;
	v13 =	vand.u32 $0xFF0, v13  }
0x1ec: {  	p0 =	sne.s32 s0, $0x40;
	v13 =	vor.u32 v8, v13  }
.Ltmp8:
0x1ed: {  	_ = 	snop;
	(pc) =	sbr.rel @p0 .LBB2_19-.Ltmp8, $2  }
0x1ee: {  	_ =	sdelay $0x2  }
0x1ef: {  	s0 =	sadd.s32 $0x40, s0;
	[tilespmem:v13+s19+$0x0] =	vst.idx.add.s32.msk vm2, v3  }
0x1f0: {  	s0 =	simm.s32 $0xF0  }
0x1f1: {  	v13 =	vmov s0  }
0x1f2: {  	v13 =	vshll.u32 v13, $0x4  }
0x1f3: {  	v13 =	vor.u32 v4, v13  }
0x1f4: {  	v14 =	vor.u32 $0x2000, v13  }
0x1f5: {  	v15 =	vor.u32 $0x2001, v13  }
0x1f6: {  	v16 =	vor.u32 $0x2002, v13  }
0x1f7: {  	v17 =	vor.u32 $0x2003, v13  }
0x1f8: {  	v18 =	vor.u32 $0x2004, v13  }
0x1f9: {  	v19 =	vor.u32 $0x2005, v13;
	v14 =	vld.idx.msk [tilespmem:v14+s19+$0x0], $0xffff  }
0x1fa: {  	v20 =	vor.u32 $0x2006, v13;
	v15 =	vld.idx.msk [tilespmem:v15+s19+$0x0], $0xffff  }
0x1fb: {  	v21 =	vor.u32 $0x2007, v13;
	v16 =	vld.idx.msk [tilespmem:v16+s19+$0x0], $0xffff  }
0x1fc: {  	v22 =	vor.u32 $0x2008, v13;
	v17 =	vld.idx.msk [tilespmem:v17+s19+$0x0], $0xffff  }
0x1fd: {  	v23 =	vor.u32 $0x2009, v13;
	v18 =	vld.idx.msk [tilespmem:v18+s19+$0x0], $0xffff  }
0x1fe: {  	v24 =	vor.u32 $0x200A, v13;
	v19 =	vld.idx.msk [tilespmem:v19+s19+$0x0], $0xffff  }
0x1ff: {  	v25 =	vor.u32 $0x200B, v13;
	v20 =	vld.idx.msk [tilespmem:v20+s19+$0x0], $0xffff;
	v14 =	vadd.s32 v14, v15  }
0x200: {  	v15 =	vld.idx.msk [tilespmem:v21+s19+$0x0], $0xffff;
	v21 =	vor.u32 $0x200C, v13;
	v14 =	vadd.s32 v16, v14  }
0x201: {  	v16 =	vld.idx.msk [tilespmem:v22+s19+$0x0], $0xffff;
	v22 =	vor.u32 $0x200D, v13;
	v14 =	vadd.s32 v17, v14  }
0x202: {  	s31 =	simm.s32 $0xE0;
	v17 =	vld.idx.msk [tilespmem:v23+s19+$0x0], $0xffff;
	v23 =	vor.u32 $0x200E, v13;
	v14 =	vadd.s32 v18, v14  }
0x203: {  	v24 =	vld.idx.msk [tilespmem:v24+s19+$0x0], $0xffff;
	v13 =	vor.u32 $0x200F, v13;
	v18 =	vmov s31;
	v14 =	vadd.s32 v19, v14  }
0x204: {  	v18 =	vshll.u32 v18, $0x4;
	v19 =	vld.idx.msk [tilespmem:v25+s19+$0x0], $0xffff;
	v14 =	vadd.s32 v20, v14  }
0x205: {  	v18 =	vor.u32 v4, v18;
	v20 =	vld.idx.msk [tilespmem:v21+s19+$0x0], $0xffff;
	v14 =	vadd.s32 v15, v14  }
0x206: {  	v15 =	vor.u32 $0x2000, v18;
	v21 =	vld.idx.msk [tilespmem:v22+s19+$0x0], $0xffff;
	v14 =	vadd.s32 v16, v14  }
0x207: {  	v16 =	vor.u32 $0x2001, v18;
	v22 =	vld.idx.msk [tilespmem:v23+s19+$0x0], $0xffff;
	v14 =	vadd.s32 v17, v14  }
0x208: {  	v13 =	vld.idx.msk [tilespmem:v13+s19+$0x0], $0xffff;
	v17 =	vor.u32 $0x2002, v18;
	v14 =	vadd.s32 v24, v14  }
0x209: {  	v23 =	vor.u32 $0x2003, v18;
	v14 =	vadd.s32 v19, v14  }
0x20a: {  	v19 =	vor.u32 $0x2004, v18;
	v14 =	vadd.s32 v20, v14  }
0x20b: {  	v15 =	vld.idx.msk [tilespmem:v15+s19+$0x0], $0xffff;
	v20 =	vor.u32 $0x2005, v18;
	v14 =	vadd.s32 v21, v14  }
0x20c: {  	v16 =	vld.idx.msk [tilespmem:v16+s19+$0x0], $0xffff;
	v21 =	vor.u32 $0x2006, v18;
	v14 =	vadd.s32 v22, v14  }
0x20d: {  	v17 =	vld.idx.msk [tilespmem:v17+s19+$0x0], $0xffff;
	v22 =	vor.u32 $0x2007, v18;
	v13 =	vadd.s32 v13, v14  }
0x20e: {  	v14 =	vld.idx.msk [tilespmem:v23+s19+$0x0], $0xffff;
	v23 =	vor.u32 $0x2008, v18;
	v24 =	vperm.xlane v13, v5  }
0x20f: {  	v25 =	vor.u32 $0x2009, v18;
	v19 =	vld.idx.msk [tilespmem:v19+s19+$0x0], $0xffff  }
0x210: {  	v26 =	vor.u32 $0x200A, v18;
	v20 =	vld.idx.msk [tilespmem:v20+s19+$0x0], $0xffff;
	(xrf0) =	vadd.scan.msk.s32 $0xffff, v24  }
0x211: {  	v27 =	vor.u32 $0x200B, v18;
	v21 =	vld.idx.msk [tilespmem:v21+s19+$0x0], $0xffff;
	v15 =	vadd.s32 v15, v16  }
0x212: {  	v16 =	vld.idx.msk [tilespmem:v22+s19+$0x0], $0xffff;
	v22 =	vor.u32 $0x200C, v18;
	v15 =	vadd.s32 v17, v15  }
0x213: {  	v10 =	vsub.s32 v10, v12;
	s0 =	simm.s32 $0xD0;
	v17 =	vld.idx.msk [tilespmem:v23+s19+$0x0], $0xffff;
	v23 =	vor.u32 $0x200D, v18;
	v14 =	vadd.s32 v14, v15  }
0x214: {  	v15 =	vld.idx.msk [tilespmem:v25+s19+$0x0], $0xffff;
	v25 =	vor.u32 $0x200E, v18;
	v12 =	vadd.s32 v19, v14;
	v14 =	vmov s0  }
0x215: {  	v18 =	vor.u32 $0x200F, v18;
	v19 =	vld.idx.msk [tilespmem:v26+s19+$0x0], $0xffff;
	v20 =	vadd.s32 v20, v12;
	v14 =	vshll.u32 v14, $0x4  }
0x216: {  	v26 =	vld.idx.msk [tilespmem:v27+s19+$0x0], $0xffff;
	v12 =	vimm.s32 $0x0;
	v20 =	vadd.s32 v21, v20;
	v14 =	vor.u32 v4, v14;
	v21, _, _ =	vpop (xrf0)  }
0x217: {  	v22 =	vld.idx.msk [tilespmem:v22+s19+$0x0], $0xffff;
	v16 =	vadd.s32 v16, v20;
	v20 =	vadd.s32 v12, v21;
	v21 =	vor.u32 $0x2000, v14  }
0x218: {  	v23 =	vld.idx.msk [tilespmem:v23+s19+$0x0], $0xffff;
	v16 =	vadd.s32 v17, v16;
	v17 =	vor.u32 $0x2001, v14  }
0x219: {  	vm2 =	vge.s32 v20, v10;
	v20 =	vld.idx.msk [tilespmem:v25+s19+$0x0], $0xffff;
	v25 =	vor.u32 $0x2002, v14  }
0x21a: {  	v15 =	vadd.s32 v15, v16  }
0x21b: {  	v18 =	vld.idx.msk [tilespmem:v18+s19+$0x0], $0xffff;
	v16 =	vsel vm2, $0x3F800000, v6;
	v15 =	vadd.s32 v19, v15  }
0x21c: {  	(xrf0) =	vmax.scan.msk.f32 $0xffff, v16;
	v16 =	vor.u32 $0x2003, v14;
	v15 =	vadd.s32 v26, v15;
	v21 =	vld.idx.msk [tilespmem:v21+s19+$0x0], $0xffff  }
0x21d: {  	v19 =	vor.u32 $0x2004, v14;
	v15 =	vadd.s32 v22, v15;
	v17 =	vld.idx.msk [tilespmem:v17+s19+$0x0], $0xffff  }
0x21e: {  	v22 =	vor.u32 $0x2005, v14;
	v15 =	vadd.s32 v23, v15;
	v23 =	vld.idx.msk [tilespmem:v25+s19+$0x0], $0xffff  }
0x21f: {  	v15 =	vadd.s32 v20, v15;
	v20 =	vor.u32 $0x2006, v14  }
0x220: {  	(xrf0) =	vadd.scan.msk.s32 $0xffff, v13;
	v13 =	vor.u32 $0x2007, v14;
	v18 =	vadd.s32 v18, v15  }
0x221: {  	v26 =	vor.u32 $0x2008, v14;
	v16 =	vld.idx.msk [tilespmem:v16+s19+$0x0], $0xffff;
	v15 =	vperm.xlane v18, v5  }
0x222: {  	v27 =	vor.u32 $0x2009, v14;
	v19 =	vld.idx.msk [tilespmem:v19+s19+$0x0], $0xffff;
	v17 =	vadd.s32 v21, v17  }
0x223: {  	v28 =	vor.u32 $0x200A, v14;
	v25, _, _ =	vpop (xrf0);
	v22 =	vld.idx.msk [tilespmem:v22+s19+$0x0], $0xffff;
	(xrf0) =	vadd.scan.msk.s32 $0xffff, v15;
	v17 =	vadd.s32 v23, v17  }
0x224: {  	v29 =	vor.u32 $0x200B, v14;
	v20 =	vld.idx.msk [tilespmem:v20+s19+$0x0], $0xffff  }
0x225: {  	v30 =	vor.u32 $0x200E, v14;
	v31 =	vmctz.xlane vm2;
	v13 =	vld.idx.msk [tilespmem:v13+s19+$0x0], $0xffff;
	v21 =	vor.u32 $0x200C, v14  }
0x226: {  	s3 =	simm.s32 $0xC0;
	v26 =	vld.idx.msk [tilespmem:v26+s19+$0x0], $0xffff;
	(v2sf) =	vpush v25, $0xF;
	v23 =	vor.u32 $0x200D, v14;
	v16 =	vadd.s32 v16, v17;
	v17, _, _ =	vpop (xrf0)  }
0x227: {  	v25 =	vmov s3;
	v16 =	vadd.s32 v19, v16;
	v19 =	vld.idx.msk [tilespmem:v27+s19+$0x0], $0xffff;
	v17 =	vbroadcast v17, $0xF  }
0x228: {  	v28 =	vld.idx.msk [tilespmem:v28+s19+$0x0], $0xffff;
	vm2 =	vgt.s32 v31, v0;
	v25 =	vshll.u32 v25, $0x4;
	v16 =	vadd.s32 v22, v16  }
0x229: {  	v29 =	vld.idx.msk [tilespmem:v29+s19+$0x0], $0xffff;
	v14 =	vor.u32 $0x200F, v14;
	v32, _, _ =	vpop (xrf0);
	v16 =	vadd.s32 v20, v16;
	v17 =	vadd.s32 v12, v17  }
0x22a: {  	v25 =	vor.u32 v4, v25;
	v21 =	vld.idx.msk [tilespmem:v21+s19+$0x0], $0xffff;
	v13 =	vadd.s32 v13, v16;
	v20 =	vadd.s32 v17, v32  }
0x22b: {  	v27 =	vor.u32 $0x2000, v25;
	v13 =	vadd.s32 v26, v13;
	vm3 =	vge.s32 v20, v10;
	v20 =	vld.idx.msk [tilespmem:v23+s19+$0x0], $0xffff  }
0x22c: {  	v22 =	vor.u32 $0x2001, v25;
	v16 =	vnsel vm2, $0x0, v24;
	v13 =	vadd.s32 v19, v13  }
0x22d: {  	(xrf0) =	vadd.scan.msk.s32 $0xffff, v16;
	v23 =	vor.u32 $0x2002, v25;
	v13 =	vadd.s32 v28, v13  }
0x22e: {  	v16 =	vld.idx.msk [tilespmem:v30+s19+$0x0], $0xffff;
	v19 =	vor.u32 $0x2003, v25;
	v24 =	vsel vm3, $0x3F800000, v6;
	v26 =	vadd.s32 v29, v13  }
0x22f: {  	v14 =	vld.idx.msk [tilespmem:v14+s19+$0x0], $0xffff;
	(xrf0) =	vmax.scan.msk.f32 $0xffff, v24;
	v24 =	vor.u32 $0x2004, v25;
	v21 =	vadd.s32 v21, v26  }
0x230: {  	v27 =	vld.idx.msk [tilespmem:v27+s19+$0x0], $0xffff;
	v20 =	vadd.s32 v20, v21  }
0x231: {  	v28 =	vor.u32 $0x2005, v25;
	v26 =	vld.idx.msk [tilespmem:v22+s19+$0x0], $0xffff  }
0x232: {  	v33 =	vor.u32 $0x200A, v25;
	v34 =	vor.u32 $0x2009, v25;
	v22 =	vor.u32 $0x2006, v25;
	v21 =	vld.idx.msk [tilespmem:v23+s19+$0x0], $0xffff  }
0x233: {  	v36 =	vor.u32 $0x200B, v25;
	v63 =	vld.idx.msk [tilespmem:v19+s19+$0x0], $0xffff;
	v19 =	vor.u32 $0x2008, v25;
	v16 =	vadd.s32 v16, v20;
	v20, _, _ =	vpop (xrf0)  }
0x234: {  	s26 =	simm.s32 $0xB0;
	(xrf0) =	vadd.scan.msk.s32 $0xffff, v18;
	v23 =	vor.u32 $0x2007, v25;
	v18 =	vadd.s32 v14, v16;
	v16 =	vld.idx.msk [tilespmem:v24+s19+$0x0], $0xffff;
	v24 =	vbroadcast v20, $0xF  }
0x235: {  	vm2 =	vmmov vm9;
	v30 =	vmov s26;
	s11 =	spop (v2sf);
	v14, _, _ =	vpop (xrf0);
	v20 =	vperm.xlane v18, v5  }
0x236: {  	s8 =	simm.s32 $0xFF;
	v35 =	vld.idx.msk [tilespmem:v28+s19+$0x0], $0xffff;
	p0 =	sgt.f32 s11, $0.0e+00;
	(v2sf) =	vpush v14, $0xF;
	v14 =	vadd.s32 v12, v24;
	v24 =	vadd.s32 v27, v26  }
0x237: {  	v32 =	vor.u32 $0x200E, v25;
	v13 =	vsub.s32 s8, v31;
	v22 =	vld.idx.msk [tilespmem:v22+s19+$0x0], $0xffff;
	(xrf0) =	vadd.scan.msk.s32 $0xffff, v20;
	v21 =	vadd.s32 v21, v24  }
0x238: {  	v29 =	vor.u32 $0x200C, v25;
	vm2 =	vmneg @p0 vm2;
	v28 =	vld.idx.msk [tilespmem:v19+s19+$0x0], $0xffff;
	v21 =	vadd.s32 v63, v21  }
0x239: {  	v31 =	vor.u32 $0x200D, v25;
	vm4 =	vmand vm2, vm1;
	v26 =	vld.idx.msk [tilespmem:v23+s19+$0x0], $0xffff;
	v16 =	vadd.s32 v16, v21  }
0x23a: {  	v23 =	vshll.u32 v30, $0x4;
	v27 =	vld.idx.msk [tilespmem:v34+s19+$0x0], $0xffff;
	v30 =	vor.u32 $0x200F, v25;
	v14 =	vsel vm4, v14, v12;
	v24, _, _ =	vpop (xrf0)  }
0x23b: {  	v19 =	vor.u32 v4, v23;
	v23 =	vld.idx.msk [tilespmem:v33+s19+$0x0], $0xffff;
	v21 =	vmctz.xlane vm3;
	v33 =	vbroadcast v24, $0xF  }
0x23c: {  	s8 =	simm.s32 $0xA0;
	v25 =	vld.idx.msk [tilespmem:v36+s19+$0x0], $0xffff;
	vm3 =	vmmov vm9;
	v24 =	vor.u32 $0x2000, v19;
	v34 =	vadd.s32 v35, v16;
	v16 =	vmovc v17  }
.LBB2_21:
0x23d: {  	p0 =	sne.s32 s8, $0x0;
	v35 =	vor.u32 $0x2001, v19;
	v22 =	vadd.s32 v22, v34;
	v29 =	vld.idx.msk [tilespmem:v29+s19+$0x0], $0xffff;
	v34, _, _ =	vpop (xrf0);
	v17 =	vadd.s32 v17, v33  }
0x23e: {  	v22 =	vadd.s32 v26, v22;
	v26 =	vld.idx.msk [tilespmem:v31+s19+$0x0], $0xffff;
	v31 =	vadd.s32 v17, v34;
	vm6 =	vgt.s32 v21, v0  }
0x23f: {  	v22 =	vadd.s32 v28, v22;
	v28 =	vld.idx.msk [tilespmem:v32+s19+$0x0], $0xffff;
	vm5 =	vge.s32 v31, v10;
	v31 =	vnsel vm6, $0x0, v15;
	v15 =	vmovc v20  }
0x240: {  	s11 =	sadd.s32 $0xF, s31;
	s31 =	smov.u32 s0;
	s0 =	smov.u32 s3;
	v20 =	vor.u32 $0x2002, v19;
	v22 =	vadd.s32 v27, v22;
	v27 =	vld.idx.msk [tilespmem:v30+s19+$0x0], $0xffff;
	v30 =	vsel vm5, $0x3F800000, v6;
	(xrf0) =	vadd.scan.msk.s32 $0xffff, v31  }
0x241: {  	s3 =	smov.u32 s26;
	s26 =	smov.u32 s8;
	v21 =	vsub.s32 s11, v21;
	v31 =	vor.u32 $0x2003, v19;
	v22 =	vadd.s32 v23, v22;
	(xrf0) =	vmax.scan.msk.f32 $0xffff, v30  }
0x242: {  	v12 =	vsel vm4, v13, v12;
	v13 =	vmovc v21;
	v23 =	vor.u32 $0x2004, v19;
	v22 =	vadd.s32 v25, v22  }
0x243: {  	v33 =	vor.u32 $0x200A, v19;
	v21 =	vld.idx.msk [tilespmem:v24+s19+$0x0], $0xffff;
	v24 =	vor.u32 $0x2005, v19;
	v22 =	vadd.s32 v29, v22  }
0x244: {  	v30 =	vor.u32 $0x2006, v19;
	v25 =	vmov s8;
	v29 =	vld.idx.msk [tilespmem:v35+s19+$0x0], $0xffff;
	v36 =	vadd.s32 v26, v22  }
0x245: {  	vm3 =	vmor vm3, vm2;
	v26 =	vor.u32 $0x2007, v19;
	v32 =	vld.idx.msk [tilespmem:v20+s19+$0x0], $0xffff;
	v20 =	vadd.s32 v28, v36;
	s11 =	spop (v2sf)  }
0x246: {  	v35 =	vor.u32 $0x2009, v19;
	v28 =	vor.u32 $0x2008, v19;
	v34 =	vld.idx.msk [tilespmem:v31+s19+$0x0], $0xffff;
	(xrf0) =	vadd.scan.msk.s32 $0xffff, v18;
	v18 =	vadd.s32 v27, v20;
	p1 =	sgt.f32 s11, $0.0e+00;
	v22, _, _ =	vpop (xrf0)  }
0x247: {  	vm2 =	vmmov vm9;
	v23 =	vld.idx.msk [tilespmem:v23+s19+$0x0], $0xffff;
	v20 =	vperm.xlane v18, v5;
	v27, _, _ =	vpop (xrf0);
	v31 =	vbroadcast v22, $0xF  }
0x248: {  	vm4 =	vmneg vm3;
	v36 =	vld.idx.msk [tilespmem:v24+s19+$0x0], $0xffff;
	(v2sf) =	vpush v27, $0xF;
	vm2 =	vmneg @p1 vm2  }
0x249: {  	v37 =	vor.u32 $0x200B, v19;
	v22 =	vld.idx.msk [tilespmem:v30+s19+$0x0], $0xffff;
	(xrf0) =	vadd.scan.msk.s32 $0xffff, v20;
	v24 =	vadd.s32 v16, v31;
	vm4 =	vmand vm2, vm4;
	v16 =	vmovc v17  }
.Ltmp9:
0x24a: {  	v21 =	vadd.s32 v21, v29;
	v29 =	vor.u32 $0x200C, v19;
	v26 =	vld.idx.msk [tilespmem:v26+s19+$0x0], $0xffff;
	v14 =	vsel vm4, v24, v14;
	(pc) =	sbr.rel @p0 .LBB2_21-.Ltmp9, $4  }
0x24b: {  	v31 =	vor.u32 $0x200D, v19;
	v24 =	vshll.u32 v25, $0x4;
	v21 =	vadd.s32 v32, v21;
	v28 =	vld.idx.msk [tilespmem:v28+s19+$0x0], $0xffff  }
0x24c: {  	v32 =	vor.u32 $0x200E, v19;
	v24 =	vor.u32 v4, v24;
	v21 =	vadd.s32 v34, v21;
	v27 =	vld.idx.msk [tilespmem:v35+s19+$0x0], $0xffff;
	v25, _, _ =	vpop (xrf0)  }
0x24d: {  	v30 =	vor.u32 $0x200F, v19;
	v21 =	vadd.s32 v23, v21;
	v19 =	vmovc v24;
	v23 =	vld.idx.msk [tilespmem:v33+s19+$0x0], $0xffff;
	v33 =	vbroadcast v25, $0xF  }
0x24e: {  	s8 =	sadd.s32 $0xFFFFFFF0, s8;
	v24 =	vor.u32 $0x2000, v19;
	v34 =	vadd.s32 v36, v21;
	v21 =	vmctz.xlane vm5;
	v25 =	vld.idx.msk [tilespmem:v37+s19+$0x0], $0xffff  }
0x24f: {  	_ =	sdelay $0x3  }
0x250: {  	v35 =	vor.u32 $0x2001, v19;
	v29 =	vld.idx.msk [tilespmem:v29+s19+$0x0], $0xffff  }
0x251: {  	v22 =	vadd.s32 v22, v34;
	v31 =	vld.idx.msk [tilespmem:v31+s19+$0x0], $0xffff;
	v60 =	vor.u32 $0x2002, v19  }
0x252: {  	v61 =	vld.idx.msk [tilespmem:v32+s19+$0x0], $0xffff;
	v62 =	vor.u32 $0x2003, v19;
	v22 =	vadd.s32 v26, v22  }
0x253: {  	v63 =	vld.idx.msk [tilespmem:v30+s19+$0x0], $0xffff;
	v36 =	vor.u32 $0x2004, v19;
	v22 =	vadd.s32 v28, v22  }
0x254: {  	v24 =	vld.idx.msk [tilespmem:v24+s19+$0x0], $0xffff;
	v37 =	vor.u32 $0x2005, v19;
	v22 =	vadd.s32 v27, v22  }
0x255: {  	v17 =	vadd.s32 v17, v33;
	v22 =	vadd.s32 v23, v22;
	v23 =	vld.idx.msk [tilespmem:v35+s19+$0x0], $0xffff  }
0x256: {  	v38, _, _ =	vpop (xrf0);
	v39 =	vor.u32 $0x2006, v19;
	v41 =	vor.u32 $0x2007, v19;
	v43 =	vor.u32 $0x2008, v19;
	v40 =	vld.idx.msk [tilespmem:v60+s19+$0x0], $0xffff  }
0x257: {  	vm5 =	vgt.s32 v21, v0;
	v33 =	vadd.s32 v17, v38;
	v22 =	vadd.s32 v25, v22;
	v42 =	vld.idx.msk [tilespmem:v62+s19+$0x0], $0xffff  }
0x258: {  	v15 =	vnsel vm5, $0x0, v15;
	vm5 =	vge.s32 v33, v10;
	v30 =	vld.idx.msk [tilespmem:v36+s19+$0x0], $0xffff;
	v22 =	vadd.s32 v29, v22  }
0x259: {  	v44 =	vor.u32 $0x2009, v19;
	(xrf0) =	vadd.scan.msk.s32 $0xffff, v15;
	v15 =	vsel vm5, $0x3F800000, v6;
	v45 =	vld.idx.msk [tilespmem:v37+s19+$0x0], $0xffff;
	v22 =	vadd.s32 v31, v22  }
0x25a: {  	(xrf0) =	vmax.scan.msk.f32 $0xffff, v15;
	v15 =	vor.u32 $0x200A, v19;
	v22 =	vadd.s32 v61, v22;
	v23 =	vadd.s32 v24, v23  }
0x25b: {  	v46 =	vor.u32 $0x200B, v19;
	(xrf0) =	vadd.scan.msk.s32 $0xffff, v18;
	v18 =	vld.idx.msk [tilespmem:v39+s19+$0x0], $0xffff;
	v22 =	vadd.s32 v63, v22;
	v23 =	vadd.s32 v40, v23  }
0x25c: {  	v49 =	vor.u32 $0x200C, v19;
	v48 =	vld.idx.msk [tilespmem:v41+s19+$0x0], $0xffff;
	v47 =	vperm.xlane v22, v5;
	v23 =	vadd.s32 v42, v23  }
0x25d: {  	v51 =	vor.u32 $0x200D, v19;
	v50 =	vld.idx.msk [tilespmem:v43+s19+$0x0], $0xffff;
	v23 =	vadd.s32 v30, v23  }
0x25e: {  	v53 =	vor.u32 $0x200E, v19;
	v52 =	vld.idx.msk [tilespmem:v44+s19+$0x0], $0xffff;
	(xrf0) =	vadd.scan.msk.s32 $0xffff, v47;
	v23 =	vadd.s32 v45, v23  }
0x25f: {  	v19 =	vor.u32 $0x200F, v19;
	v54, _, _ =	vpop (xrf0);
	v15 =	vld.idx.msk [tilespmem:v15+s19+$0x0], $0xffff  }
0x260: {  	v27 =	vld.idx.msk [tilespmem:v46+s19+$0x0], $0xffff;
	v55, _, _ =	vpop (xrf0);
	v18 =	vadd.s32 v18, v23  }
0x261: {  	v33 =	vld.idx.msk [tilespmem:v49+s19+$0x0], $0xffff;
	v18 =	vadd.s32 v48, v18;
	v23, _, _ =	vpop (xrf0)  }
0x262: {  	v56 =	vld.idx.msk [tilespmem:v51+s19+$0x0], $0xffff;
	v18 =	vadd.s32 v50, v18;
	v23 =	vbroadcast v23, $0xF  }
0x263: {  	v57 =	vmctz.xlane vm5;
	v31 =	vld.idx.msk [tilespmem:v53+s19+$0x0], $0xffff;
	v18 =	vadd.s32 v52, v18  }
0x264: {  	v19 =	vld.idx.msk [tilespmem:v19+s19+$0x0], $0xffff;
	v58, _, _ =	vpop (xrf0);
	v15 =	vadd.s32 v15, v18;
	v23 =	vadd.s32 v17, v23  }
0x265: {  	vm5 =	vgt.s32 v57, v0;
	v15 =	vadd.s32 v27, v15;
	v18 =	vadd.s32 v23, v58  }
0x266: {  	v15 =	vadd.s32 v33, v15;
	vm6 =	vge.s32 v18, v10;
	v18 =	vnsel vm5, $0x0, v20  }
0x267: {  	v15 =	vadd.s32 v56, v15;
	v20 =	vsel vm6, $0x3F800000, v6;
	(xrf0) =	vadd.scan.msk.s32 $0xffff, v18  }
0x268: {  	v15 =	vadd.s32 v31, v15;
	(xrf0) =	vmax.scan.msk.f32 $0xffff, v20  }
0x269: {  	v15 =	vadd.s32 v19, v15;
	(xrf0) =	vadd.scan.msk.s32 $0xffff, v22  }
0x26a: {  	v18 =	vperm.xlane v15, v5;
	_ =	sdelay $0x1  }
0x26b: {  	(xrf0) =	vadd.scan.msk.s32 $0xffff, v18  }
0x26c: {  	v19, _, _ =	vpop (xrf0)  }
0x26d: {  	v20, _, _ =	vpop (xrf0)  }
0x26e: {  	v22, _, _ =	vpop (xrf0)  }
0x26f: {  	v22 =	vbroadcast v22, $0xF  }
0x270: {  	v59 =	vmctz.xlane vm6  }
0x271: {  	v60, _, _ =	vpop (xrf0);
	v22 =	vadd.s32 v23, v22  }
0x272: {  	vm5 =	vgt.s32 v59, v0;
	v28 =	vadd.s32 v22, v60  }
0x273: {  	v24 =	vnsel vm5, $0x0, v47;
	vm6 =	vge.s32 v28, v10  }
0x274: {  	(v2sf) =	vpush v55, $0xF;
	(xrf0) =	vadd.scan.msk.s32 $0xffff, v24;
	v28 =	vsel vm6, $0x3F800000, v6  }
0x275: {  	(xrf0) =	vmax.scan.msk.f32 $0xffff, v28;
	_ =	sdelay $0x2  }
0x276: {  	(v2sf) =	vpush v20, $0xF;
	_ =	sdelay $0x1  }
0x277: {  	v20, _, _ =	vpop (xrf0)  }
0x278: {  	v61, _, _ =	vpop (xrf0)  }
0x279: {  	(v2sf) =	vpush v61, $0xF;
	_ =	sdelay $0x3  }
0x27a: {  	s8 =	spop (v2sf)  }
0x27b: {  	vm2 =	vmor vm3, vm2;
	vm3 =	vmmov vm9;
	p0 =	sgt.f32 s8, $0.0e+00;
	v62 =	vmctz.xlane vm6  }
0x27c: {  	s11 =	sadd.s32 $0xF, s31;
	v12 =	vsel vm4, v13, v12;
	v11 =	vshll.u32 v11, $0x8;
	v63 =	vbroadcast v54, $0xF  }
0x27d: {  	v21 =	vsub.s32 s11, v21;
	vm3 =	vmneg @p0 vm3;
	s11 =	spop (v2sf);
	vm5 =	vgt.s32 v62, v0  }
0x27e: {  	v13 =	vadd.s32 v16, v63;
	p0 =	sgt.f32 s11, $0.0e+00;
	vm6 =	vmneg vm2;
	(xrf0) =	vadd.scan.msk.s32 $0xffff, v15;
	v15 =	vnsel vm5, $0x0, v18  }
0x27f: {  	vm2 =	vmor vm2, vm3;
	vm4 =	vmand vm3, vm6;
	vm3 =	vmmov vm9;
	(xrf0) =	vadd.scan.msk.s32 $0xffff, v15  }
0x280: {  	v13 =	vsel vm4, v13, v14;
	v14 =	vbroadcast v19, $0xF;
	vm3 =	vmneg @p0 vm3  }
0x281: {  	s0 =	sadd.s32 $0xF, s0;
	v12 =	vsel vm4, v21, v12;
	vm5 =	vmneg vm2;
	vm2 =	vmor vm2, vm3;
	s31 =	spop (v2sf)  }
0x282: {  	v14 =	vadd.s32 v17, v14;
	vm4 =	vmand vm3, vm5;
	v15 =	vsub.s32 s0, v57;
	p0 =	sgt.f32 s31, $0.0e+00  }
0x283: {  	s3 =	sadd.s32 $0xF, s3;
	s11 =	simm.s32 $0x20;
	vm3 =	vmmov vm9;
	v13 =	vsel vm4, v14, v13;
	v14 =	vbroadcast v20, $0xF  }
0x284: {  	v16 =	vsub.s32 s3, v59;
	v19 =	vld [tilespmem:s11+$0x0];
	vm5 =	vmneg vm2;
	v17, _, _ =	vpop (xrf0);
	vm3 =	vmneg @p0 vm3  }
0x285: {  	v14 =	vadd.s32 v23, v14;
	v12 =	vsel vm4, v15, v12;
	v17 =	vld [tilespmem:s11+$0x10];
	vm4 =	vmand vm3, vm5;
	v15, _, _ =	vpop (xrf0);
	s8 =	spop (v2sf)  }
0x286: {  	s26 =	sadd.s32 $0xF, s26;
	vm2 =	vmor vm2, vm3;
	v13 =	vsel vm4, v14, v13;
	v14 =	vbroadcast v15, $0xF;
	p0 =	sgt.f32 s8, $0.0e+00  }
0x287: {  	v18 =	vsub.s32 s26, v62;
	s31 =	simm.s32 $0x60;
	vm3 =	vmmov vm9;
	v15 =	vld [tilespmem:s11+$0xFFFFFFF0];
	vm2 =	vmneg vm2  }
0x288: {  	v16 =	vsel vm4, v16, v12;
	v12 =	vadd.s32 v22, v14;
	v22 =	vld [tilespmem:s31+$0x10];
	vm3 =	vmneg @p0 vm3  }
0x289: {  	v20 =	vshll.u32 v19, $0x4;
	v19 =	vshra.s32 v19, $0x8;
	v14 =	vld [tilespmem:s11+$0xFFFFFFE0];
	vm2 =	vmand vm3, vm2  }
0x28a: {  	v12 =	vsel vm2, v12, v13;
	v13 =	vsel vm2, v18, v16;
	v16 =	vshra.s32 v17, $0x8  }
0x28b: {  	v17 =	vshll.u32 v17, $0x4;
	v11 =	vadd.s32 v11, v13;
	v13 =	vor.u32 $0x3000, v0  }
0x28c: {  	vm6 =	veq.s32 v16, v11;
	v16 =	vand.u32 $0xFF0, v17;
	v17 =	vshll.u32 v15, $0x4  }
0x28d: {  	v18 =	vld [tilespmem:s31+$0xFFFFFFF0];
	v15 =	vshra.s32 v15, $0x8;
	vm5 =	veq.s32 v19, v11;
	v19 =	vshra.s32 v22, $0x8  }
0x28e: {  	v21 =	vor.u32 v13, v16;
	v16 =	vshra.s32 v14, $0x8;
	v23 =	vand.u32 $0xFF0, v17;
	v17 =	vld [tilespmem:s31+$0x0]  }
0x28f: {  	v22 =	vshll.u32 v22, $0x4;
	vm2 =	veq.s32 v16, v11;
	v16 =	vand.u32 $0xFF0, v20;
	v20 =	vld [tilespmem:s31+$0xFFFFFFE0]  }
0x290: {  	v14 =	vshll.u32 v14, $0x4;
	vm4 =	veq.s32 v15, v11;
	vm3 =	veq.s32 v19, v11  }
0x291: {  	v19 =	vand.u32 $0xFF0, v22;
	v14 =	vand.u32 $0xFF0, v14;
	v15 =	vor.u32 v13, v23  }
0x292: {  	v19 =	vor.u32 v13, v19;
	v14 =	vor.u32 v13, v14;
	v16 =	vor.u32 v13, v16  }
0x293: {  	s3 =	simm.s32 $0xA0;
	s0 =	simm.s32 $0x4;
	vm2 =	vmmov vm2;
	v22 =	vshll.u32 v18, $0x4;
	[tilespmem:v21+s19+$0x0] =	vst.idx.add.s32.msk vm6, v3;
	v21 =	vshll.u32 v17, $0x4  }
.LBB2_23:
0x294: {  	v24 =	vshra.s32 v20, $0x8;
	v20 =	vshll.u32 v20, $0x4  }
0x295: {  	v23 =	vld [tilespmem:s3+$0x10];
	s0 =	sadd.s32 $0x4, s0;
	v25 =	vshra.s32 v18, $0x8;
	vm7 =	vmmov vm4;
	vm6 =	vmmov vm5  }
0x296: {  	v22 =	vand.u32 $0xFF0, v22;
	v26 =	vshra.s32 v17, $0x8;
	v18 =	vld [tilespmem:s3+$0xFFFFFFF0];
	p0 =	slt.u32 s0, $0xC40;
	v20 =	vand.u32 $0xFF0, v20  }
0x297: {  	v21 =	vand.u32 $0xFF0, v21;
	vm8 =	veq.s32 v24, v11;
	v17 =	vld [tilespmem:s3+$0x0];
	v24 =	vor.u32 v13, v20  }
.Ltmp10:
0x298: {  	vm4 =	veq.s32 v25, v11;
	v22 =	vor.u32 v13, v22;
	vm5 =	veq.s32 v26, v11;
	v20 =	vld [tilespmem:s3+$0xFFFFFFE0];
	(pc) =	sbr.rel @p0 .LBB2_23-.Ltmp10, $4  }
0x299: {  	v25 =	vor.u32 v13, v21;
	[tilespmem:v19+s19+$0x0] =	vst.idx.add.s32.msk vm3, v3  }
0x29a: {  	v19 =	vshra.s32 v23, $0x8;
	v21 =	vshll.u32 v23, $0x4;
	[tilespmem:v14+s19+$0x0] =	vst.idx.add.s32.msk vm2, v3;
	v14 =	vmovc v24;
	vm2 =	vmmov vm8  }
0x29b: {  	vm3 =	veq.s32 v19, v11;
	v19 =	vand.u32 $0xFF0, v21;
	[tilespmem:v15+s19+$0x0] =	vst.idx.add.s32.msk vm7, v3;
	v15 =	vmov v22  }
0x29c: {  	s3 =	sadd.s32 $0x40, s3;
	v22 =	vshll.u32 v18, $0x4;
	v21 =	vshll.u32 v17, $0x4;
	v19 =	vor.u32 v13, v19;
	[tilespmem:v16+s19+$0x0] =	vst.idx.add.s32.msk vm6, v3;
	v16 =	vmovc v25  }
0x29d: {  	v23 =	vshra.s32 v20, $0x8  }
0x29e: {  	v60 =	vshll.u32 v20, $0x4;
	v18 =	vshra.s32 v18, $0x8;
	vm4 =	vmmov vm4  }
0x29f: {  	vm5 =	vmmov vm5;
	v17 =	vshra.s32 v17, $0x8;
	v62 =	vand.u32 $0xFF0, v21  }
0x2a0: {  	v20 =	vand.u32 $0xFF0, v60;
	vm6 =	veq.s32 v23, v11;
	vm8 =	veq.s32 v17, v11  }
0x2a1: {  	vm7 =	veq.s32 v18, v11;
	v17 =	vor.u32 v13, v62;
	vm6 =	vmmov vm6  }
0x2a2: {  	v22 =	vand.u32 $0xFF0, v22;
	[tilespmem:v19+s19+$0x0] =	vst.idx.add.s32.msk vm3, v3;
	v61 =	vor.u32 v13, v20;
	vm7 =	vmmov vm7  }
0x2a3: {  	[tilespmem:v14+s19+$0x0] =	vst.idx.add.s32.msk vm2, v3;
	v63 =	vor.u32 v13, v22  }
0x2a4: {  	[tilespmem:v15+s19+$0x0] =	vst.idx.add.s32.msk vm4, v3  }
0x2a5: {  	[tilespmem:v16+s19+$0x0] =	vst.idx.add.s32.msk vm5, v3  }
0x2a6: {  	[tilespmem:v17+s19+$0x0] =	vst.idx.add.s32.msk vm8, v3  }
0x2a7: {  	[tilespmem:v61+s19+$0x0] =	vst.idx.add.s32.msk vm6, v3  }
0x2a8: {  	s0 =	simm.s32 $0x0;
	vm3 =	vmmov vm8;
	[tilespmem:v63+s19+$0x0] =	vst.idx.add.s32.msk vm7, v3  }
.LBB2_25:
0x2a9: {  	s3 =	sshra.s32 s0, $0x2  }
0x2aa: {  	v14 =	vld [tilespmem:s3+$0xC440];
	_ =	sdelay $0x4  }
0x2ab: {  	v15 =	vshra.s32 v14, $0x8;
	v14 =	vshll.u32 v14, $0x4  }
0x2ac: {  	vm2 =	veq.s32 v15, v11;
	v14 =	vand.u32 $0xFF0, v14  }
0x2ad: {  	p0 =	sne.s32 s0, $0x40;
	v14 =	vor.u32 v13, v14  }
.Ltmp11:
0x2ae: {  	_ = 	snop;
	(pc) =	sbr.rel @p0 .LBB2_25-.Ltmp11, $2  }
0x2af: {  	_ =	sdelay $0x2  }
0x2b0: {  	s0 =	sadd.s32 $0x40, s0;
	[tilespmem:v14+s19+$0x0] =	vst.idx.add.s32.msk vm2, v3  }
0x2b1: {  	s0 =	simm.s32 $0xF0  }
0x2b2: {  	v13 =	vmov s0  }
0x2b3: {  	v13 =	vshll.u32 v13, $0x4  }
0x2b4: {  	v13 =	vor.u32 v4, v13  }
0x2b5: {  	v14 =	vor.u32 $0x3000, v13  }
0x2b6: {  	v15 =	vor.u32 $0x3001, v13  }
0x2b7: {  	v16 =	vor.u32 $0x3002, v13  }
0x2b8: {  	v17 =	vor.u32 $0x3003, v13  }
0x2b9: {  	v18 =	vor.u32 $0x3004, v13  }
0x2ba: {  	v19 =	vor.u32 $0x3005, v13;
	v14 =	vld.idx.msk [tilespmem:v14+s19+$0x0], $0xffff  }
0x2bb: {  	v20 =	vor.u32 $0x3006, v13;
	v15 =	vld.idx.msk [tilespmem:v15+s19+$0x0], $0xffff  }
0x2bc: {  	v21 =	vor.u32 $0x3007, v13;
	v16 =	vld.idx.msk [tilespmem:v16+s19+$0x0], $0xffff  }
0x2bd: {  	v22 =	vor.u32 $0x3008, v13;
	v17 =	vld.idx.msk [tilespmem:v17+s19+$0x0], $0xffff  }
0x2be: {  	v23 =	vor.u32 $0x3009, v13;
	v18 =	vld.idx.msk [tilespmem:v18+s19+$0x0], $0xffff  }
0x2bf: {  	v24 =	vor.u32 $0x300A, v13;
	v19 =	vld.idx.msk [tilespmem:v19+s19+$0x0], $0xffff  }
0x2c0: {  	v25 =	vor.u32 $0x300B, v13;
	v20 =	vld.idx.msk [tilespmem:v20+s19+$0x0], $0xffff;
	v14 =	vadd.s32 v14, v15  }
0x2c1: {  	v15 =	vld.idx.msk [tilespmem:v21+s19+$0x0], $0xffff;
	v21 =	vor.u32 $0x300C, v13;
	v14 =	vadd.s32 v16, v14  }
0x2c2: {  	s31 =	simm.s32 $0xE0;
	v16 =	vld.idx.msk [tilespmem:v22+s19+$0x0], $0xffff;
	v22 =	vor.u32 $0x300D, v13;
	v14 =	vadd.s32 v17, v14  }
0x2c3: {  	v17 =	vld.idx.msk [tilespmem:v23+s19+$0x0], $0xffff;
	v23 =	vor.u32 $0x300E, v13;
	v14 =	vadd.s32 v18, v14;
	v18 =	vmov s31  }
0x2c4: {  	v24 =	vld.idx.msk [tilespmem:v24+s19+$0x0], $0xffff;
	v13 =	vor.u32 $0x300F, v13;
	v14 =	vadd.s32 v19, v14;
	v18 =	vshll.u32 v18, $0x4  }
0x2c5: {  	v19 =	vld.idx.msk [tilespmem:v25+s19+$0x0], $0xffff;
	v14 =	vadd.s32 v20, v14;
	v18 =	vor.u32 v4, v18  }
0x2c6: {  	v20 =	vld.idx.msk [tilespmem:v21+s19+$0x0], $0xffff;
	v14 =	vadd.s32 v15, v14;
	v15 =	vor.u32 $0x3000, v18  }
0x2c7: {  	v21 =	vld.idx.msk [tilespmem:v22+s19+$0x0], $0xffff;
	v14 =	vadd.s32 v16, v14;
	v16 =	vor.u32 $0x3001, v18  }
0x2c8: {  	v22 =	vld.idx.msk [tilespmem:v23+s19+$0x0], $0xffff;
	v14 =	vadd.s32 v17, v14;
	v17 =	vor.u32 $0x3002, v18  }
0x2c9: {  	v13 =	vld.idx.msk [tilespmem:v13+s19+$0x0], $0xffff;
	v23 =	vor.u32 $0x3003, v18;
	v14 =	vadd.s32 v24, v14  }
0x2ca: {  	v14 =	vadd.s32 v19, v14;
	v19 =	vor.u32 $0x3004, v18  }
0x2cb: {  	v14 =	vadd.s32 v20, v14;
	v15 =	vld.idx.msk [tilespmem:v15+s19+$0x0], $0xffff;
	v20 =	vor.u32 $0x3005, v18  }
0x2cc: {  	v14 =	vadd.s32 v21, v14;
	v16 =	vld.idx.msk [tilespmem:v16+s19+$0x0], $0xffff;
	v21 =	vor.u32 $0x3006, v18  }
0x2cd: {  	v14 =	vadd.s32 v22, v14;
	v17 =	vld.idx.msk [tilespmem:v17+s19+$0x0], $0xffff;
	v22 =	vor.u32 $0x3007, v18  }
0x2ce: {  	v13 =	vadd.s32 v13, v14;
	v14 =	vld.idx.msk [tilespmem:v23+s19+$0x0], $0xffff;
	v23 =	vor.u32 $0x3008, v18  }
0x2cf: {  	v25 =	vor.u32 $0x3009, v18;
	v24 =	vperm.xlane v13, v5;
	v19 =	vld.idx.msk [tilespmem:v19+s19+$0x0], $0xffff  }
0x2d0: {  	v26 =	vor.u32 $0x300A, v18;
	v20 =	vld.idx.msk [tilespmem:v20+s19+$0x0], $0xffff  }
0x2d1: {  	v27 =	vor.u32 $0x300B, v18;
	(xrf0) =	vadd.scan.msk.s32 $0xffff, v24;
	v21 =	vld.idx.msk [tilespmem:v21+s19+$0x0], $0xffff;
	v15 =	vadd.s32 v15, v16  }
0x2d2: {  	v16 =	vld.idx.msk [tilespmem:v22+s19+$0x0], $0xffff;
	v22 =	vor.u32 $0x300C, v18;
	v15 =	vadd.s32 v17, v15  }
0x2d3: {  	v17 =	vld.idx.msk [tilespmem:v23+s19+$0x0], $0xffff;
	v23 =	vor.u32 $0x300D, v18;
	v14 =	vadd.s32 v14, v15  }
0x2d4: {  	v10 =	vsub.s32 v10, v12;
	s0 =	simm.s32 $0xD0;
	v15 =	vld.idx.msk [tilespmem:v25+s19+$0x0], $0xffff;
	v25 =	vor.u32 $0x300E, v18;
	v12 =	vadd.s32 v19, v14  }
0x2d5: {  	v18 =	vor.u32 $0x300F, v18;
	v14 =	vmov s0;
	v19 =	vld.idx.msk [tilespmem:v26+s19+$0x0], $0xffff;
	v20 =	vadd.s32 v20, v12  }
0x2d6: {  	v26 =	vld.idx.msk [tilespmem:v27+s19+$0x0], $0xffff;
	v14 =	vshll.u32 v14, $0x4;
	v20 =	vadd.s32 v21, v20  }
0x2d7: {  	v12 =	vimm.s32 $0x0;
	v14 =	vor.u32 v4, v14;
	v21, _, _ =	vpop (xrf0);
	v22 =	vld.idx.msk [tilespmem:v22+s19+$0x0], $0xffff;
	v16 =	vadd.s32 v16, v20  }
0x2d8: {  	v20 =	vadd.s32 v12, v21;
	v21 =	vor.u32 $0x3000, v14;
	v23 =	vld.idx.msk [tilespmem:v23+s19+$0x0], $0xffff;
	v16 =	vadd.s32 v17, v16  }
0x2d9: {  	v17 =	vor.u32 $0x3001, v14;
	vm2 =	vge.s32 v20, v10;
	v20 =	vld.idx.msk [tilespmem:v25+s19+$0x0], $0xffff;
	v15 =	vadd.s32 v15, v16  }
0x2da: {  	v18 =	vld.idx.msk [tilespmem:v18+s19+$0x0], $0xffff;
	v25 =	vor.u32 $0x3002, v14;
	v16 =	vsel vm2, $0x3F800000, v6;
	v15 =	vadd.s32 v19, v15  }
0x2db: {  	(xrf0) =	vmax.scan.msk.f32 $0xffff, v16;
	v16 =	vor.u32 $0x3003, v14;
	v15 =	vadd.s32 v26, v15  }
0x2dc: {  	v19 =	vor.u32 $0x3004, v14;
	v15 =	vadd.s32 v22, v15  }
0x2dd: {  	v22 =	vor.u32 $0x3005, v14;
	v21 =	vld.idx.msk [tilespmem:v21+s19+$0x0], $0xffff;
	v15 =	vadd.s32 v23, v15  }
0x2de: {  	v17 =	vld.idx.msk [tilespmem:v17+s19+$0x0], $0xffff;
	v15 =	vadd.s32 v20, v15;
	v20 =	vor.u32 $0x3006, v14  }
0x2df: {  	(xrf0) =	vadd.scan.msk.s32 $0xffff, v13;
	v13 =	vor.u32 $0x3007, v14;
	v23 =	vld.idx.msk [tilespmem:v25+s19+$0x0], $0xffff;
	v15 =	vadd.s32 v18, v15  }
0x2e0: {  	v26 =	vor.u32 $0x3008, v14;
	v18 =	vld.idx.msk [tilespmem:v16+s19+$0x0], $0xffff;
	v16 =	vperm.xlane v15, v5  }
0x2e1: {  	v27 =	vor.u32 $0x3009, v14;
	v31 =	vmctz.xlane vm2;
	v19 =	vld.idx.msk [tilespmem:v19+s19+$0x0], $0xffff  }
0x2e2: {  	v28 =	vor.u32 $0x300A, v14;
	v29 =	vor.u32 $0x300B, v14;
	v25, _, _ =	vpop (xrf0);
	v22 =	vld.idx.msk [tilespmem:v22+s19+$0x0], $0xffff;
	(xrf0) =	vadd.scan.msk.s32 $0xffff, v16  }
0x2e3: {  	v30 =	vor.u32 $0x300E, v14;
	vm2 =	vgt.s32 v31, v0;
	v17 =	vadd.s32 v21, v17;
	v20 =	vld.idx.msk [tilespmem:v20+s19+$0x0], $0xffff  }
0x2e4: {  	s3 =	simm.s32 $0xC0;
	v13 =	vld.idx.msk [tilespmem:v13+s19+$0x0], $0xffff;
	(v2sf) =	vpush v25, $0xF;
	v21 =	vor.u32 $0x300C, v14;
	v17 =	vadd.s32 v23, v17  }
0x2e5: {  	v26 =	vld.idx.msk [tilespmem:v26+s19+$0x0], $0xffff;
	v25 =	vmov s3;
	v23 =	vor.u32 $0x300D, v14;
	v17 =	vadd.s32 v18, v17;
	v18, _, _ =	vpop (xrf0)  }
0x2e6: {  	v25 =	vshll.u32 v25, $0x4;
	v17 =	vadd.s32 v19, v17;
	v18 =	vbroadcast v18, $0xF;
	v19 =	vld.idx.msk [tilespmem:v27+s19+$0x0], $0xffff  }
0x2e7: {  	v28 =	vld.idx.msk [tilespmem:v28+s19+$0x0], $0xffff;
	v14 =	vor.u32 $0x300F, v14;
	v25 =	vor.u32 v4, v25;
	v22 =	vadd.s32 v22, v17  }
0x2e8: {  	v32 =	vor.u32 $0x3001, v25;
	v33, _, _ =	vpop (xrf0);
	v17 =	vadd.s32 v12, v18;
	v18 =	vld.idx.msk [tilespmem:v29+s19+$0x0], $0xffff;
	v20 =	vadd.s32 v20, v22  }
0x2e9: {  	v27 =	vor.u32 $0x3000, v25;
	v21 =	vld.idx.msk [tilespmem:v21+s19+$0x0], $0xffff;
	v22 =	vadd.s32 v17, v33;
	v13 =	vadd.s32 v13, v20  }
0x2ea: {  	v20 =	vnsel vm2, $0x0, v24;
	vm4 =	vge.s32 v22, v10;
	v22 =	vld.idx.msk [tilespmem:v23+s19+$0x0], $0xffff;
	v13 =	vadd.s32 v26, v13  }
0x2eb: {  	v23 =	vor.u32 $0x3002, v25;
	(xrf0) =	vadd.scan.msk.s32 $0xffff, v20;
	v20 =	vld.idx.msk [tilespmem:v30+s19+$0x0], $0xffff;
	v13 =	vadd.s32 v19, v13  }
0x2ec: {  	v24 =	vsel vm4, $0x3F800000, v6;
	v19 =	vor.u32 $0x3003, v25;
	v13 =	vadd.s32 v28, v13  }
0x2ed: {  	v26 =	vor.u32 $0x3004, v25;
	(xrf0) =	vmax.scan.msk.f32 $0xffff, v24;
	v24 =	vld.idx.msk [tilespmem:v14+s19+$0x0], $0xffff;
	v13 =	vadd.s32 v18, v13  }
0x2ee: {  	v27 =	vld.idx.msk [tilespmem:v27+s19+$0x0], $0xffff;
	v13 =	vadd.s32 v21, v13  }
0x2ef: {  	v29 =	vor.u32 $0x3006, v25;
	v21 =	vld.idx.msk [tilespmem:v32+s19+$0x0], $0xffff;
	v13 =	vadd.s32 v22, v13  }
0x2f0: {  	s8 =	simm.s32 $0xFF;
	v62 =	vor.u32 $0x300A, v25;
	v28 =	vor.u32 $0x3005, v25;
	v23 =	vld.idx.msk [tilespmem:v23+s19+$0x0], $0xffff;
	v13 =	vadd.s32 v20, v13  }
0x2f1: {  	v34 =	vor.u32 $0x3009, v25;
	v14 =	vsub.s32 s8, v31;
	v31 =	vor.u32 $0x3007, v25;
	(xrf0) =	vadd.scan.msk.s32 $0xffff, v15;
	v63 =	vld.idx.msk [tilespmem:v19+s19+$0x0], $0xffff;
	v15, _, _ =	vpop (xrf0)  }
0x2f2: {  	s26 =	simm.s32 $0xB0;
	v36 =	vor.u32 $0x300B, v25;
	v18 =	vadd.s32 v24, v13;
	v24 =	vld.idx.msk [tilespmem:v26+s19+$0x0], $0xffff;
	v15 =	vbroadcast v15, $0xF  }
0x2f3: {  	v30 =	vmov s26;
	v19 =	vor.u32 $0x3008, v25;
	v20 =	vperm.xlane v18, v5;
	v13, _, _ =	vpop (xrf0)  }
0x2f4: {  	v22 =	vld.idx.msk [tilespmem:v29+s19+$0x0], $0xffff;
	s11 =	spop (v2sf);
	(v2sf) =	vpush v13, $0xF;
	v13 =	vadd.s32 v12, v15;
	v15 =	vadd.s32 v27, v21  }
0x2f5: {  	vm2 =	vmmov vm9;
	v35 =	vld.idx.msk [tilespmem:v28+s19+$0x0], $0xffff;
	p0 =	sgt.f32 s11, $0.0e+00;
	v21 =	vshll.u32 v30, $0x4;
	(xrf0) =	vadd.scan.msk.s32 $0xffff, v20;
	v15 =	vadd.s32 v23, v15  }
0x2f6: {  	v32 =	vor.u32 $0x300E, v25;
	v29 =	vor.u32 $0x300C, v25;
	v26 =	vld.idx.msk [tilespmem:v31+s19+$0x0], $0xffff;
	v15 =	vadd.s32 v63, v15  }
0x2f7: {  	v31 =	vor.u32 $0x300D, v25;
	vm2 =	vmneg @p0 vm2;
	v27 =	vld.idx.msk [tilespmem:v34+s19+$0x0], $0xffff;
	v15 =	vadd.s32 v24, v15  }
0x2f8: {  	v30 =	vor.u32 $0x300F, v25;
	vm3 =	vmand vm2, vm1;
	v28 =	vld.idx.msk [tilespmem:v19+s19+$0x0], $0xffff;
	v19 =	vor.u32 v4, v21;
	v21, _, _ =	vpop (xrf0)  }
0x2f9: {  	v25 =	vld.idx.msk [tilespmem:v36+s19+$0x0], $0xffff;
	vm1 =	vmmov vm9;
	v13 =	vsel vm3, v13, v12;
	v33 =	vbroadcast v21, $0xF  }
0x2fa: {  	s8 =	simm.s32 $0xA0;
	v23 =	vld.idx.msk [tilespmem:v62+s19+$0x0], $0xffff;
	v24 =	vor.u32 $0x3000, v19;
	v34 =	vadd.s32 v35, v15;
	v21 =	vmctz.xlane vm4;
	v15 =	vmovc v17  }
.LBB2_27:
0x2fb: {  	p0 =	sne.s32 s8, $0x0;
	v35 =	vor.u32 $0x3001, v19;
	v22 =	vadd.s32 v22, v34;
	v29 =	vld.idx.msk [tilespmem:v29+s19+$0x0], $0xffff;
	v34, _, _ =	vpop (xrf0);
	v17 =	vadd.s32 v17, v33  }
0x2fc: {  	v22 =	vadd.s32 v26, v22;
	v26 =	vld.idx.msk [tilespmem:v31+s19+$0x0], $0xffff;
	v31 =	vadd.s32 v17, v34;
	vm5 =	vgt.s32 v21, v0  }
0x2fd: {  	v22 =	vadd.s32 v28, v22;
	v28 =	vld.idx.msk [tilespmem:v32+s19+$0x0], $0xffff;
	vm4 =	vge.s32 v31, v10;
	v31 =	vnsel vm5, $0x0, v16;
	v16 =	vmovc v20  }
0x2fe: {  	s11 =	sadd.s32 $0xF, s31;
	s31 =	smov.u32 s0;
	s0 =	smov.u32 s3;
	v20 =	vor.u32 $0x3002, v19;
	v22 =	vadd.s32 v27, v22;
	v27 =	vld.idx.msk [tilespmem:v30+s19+$0x0], $0xffff;
	v30 =	vsel vm4, $0x3F800000, v6;
	(xrf0) =	vadd.scan.msk.s32 $0xffff, v31  }
0x2ff: {  	s3 =	smov.u32 s26;
	s26 =	smov.u32 s8;
	v21 =	vsub.s32 s11, v21;
	v31 =	vor.u32 $0x3003, v19;
	v22 =	vadd.s32 v23, v22;
	(xrf0) =	vmax.scan.msk.f32 $0xffff, v30  }
0x300: {  	v12 =	vsel vm3, v14, v12;
	v14 =	vmovc v21;
	v23 =	vor.u32 $0x3004, v19;
	v22 =	vadd.s32 v25, v22  }
0x301: {  	v33 =	vor.u32 $0x300A, v19;
	v21 =	vld.idx.msk [tilespmem:v24+s19+$0x0], $0xffff;
	v24 =	vor.u32 $0x3005, v19;
	v22 =	vadd.s32 v29, v22  }
0x302: {  	v30 =	vor.u32 $0x3006, v19;
	v25 =	vmov s8;
	v29 =	vld.idx.msk [tilespmem:v35+s19+$0x0], $0xffff;
	v36 =	vadd.s32 v26, v22  }
0x303: {  	vm1 =	vmor vm1, vm2;
	v26 =	vor.u32 $0x3007, v19;
	v32 =	vld.idx.msk [tilespmem:v20+s19+$0x0], $0xffff;
	v20 =	vadd.s32 v28, v36;
	s11 =	spop (v2sf)  }
0x304: {  	v35 =	vor.u32 $0x3009, v19;
	v28 =	vor.u32 $0x3008, v19;
	v34 =	vld.idx.msk [tilespmem:v31+s19+$0x0], $0xffff;
	(xrf0) =	vadd.scan.msk.s32 $0xffff, v18;
	v18 =	vadd.s32 v27, v20;
	p1 =	sgt.f32 s11, $0.0e+00;
	v22, _, _ =	vpop (xrf0)  }
0x305: {  	vm2 =	vmmov vm9;
	v23 =	vld.idx.msk [tilespmem:v23+s19+$0x0], $0xffff;
	v20 =	vperm.xlane v18, v5;
	v27, _, _ =	vpop (xrf0);
	v31 =	vbroadcast v22, $0xF  }
0x306: {  	vm3 =	vmneg vm1;
	v36 =	vld.idx.msk [tilespmem:v24+s19+$0x0], $0xffff;
	(v2sf) =	vpush v27, $0xF;
	vm2 =	vmneg @p1 vm2  }
0x307: {  	v37 =	vor.u32 $0x300B, v19;
	v22 =	vld.idx.msk [tilespmem:v30+s19+$0x0], $0xffff;
	(xrf0) =	vadd.scan.msk.s32 $0xffff, v20;
	v24 =	vadd.s32 v15, v31;
	vm3 =	vmand vm2, vm3;
	v15 =	vmovc v17  }
.Ltmp12:
0x308: {  	v21 =	vadd.s32 v21, v29;
	v29 =	vor.u32 $0x300C, v19;
	v26 =	vld.idx.msk [tilespmem:v26+s19+$0x0], $0xffff;
	v13 =	vsel vm3, v24, v13;
	(pc) =	sbr.rel @p0 .LBB2_27-.Ltmp12, $4  }
0x309: {  	v31 =	vor.u32 $0x300D, v19;
	v24 =	vshll.u32 v25, $0x4;
	v21 =	vadd.s32 v32, v21;
	v28 =	vld.idx.msk [tilespmem:v28+s19+$0x0], $0xffff  }
0x30a: {  	v32 =	vor.u32 $0x300E, v19;
	v24 =	vor.u32 v4, v24;
	v21 =	vadd.s32 v34, v21;
	v27 =	vld.idx.msk [tilespmem:v35+s19+$0x0], $0xffff;
	v25, _, _ =	vpop (xrf0)  }
0x30b: {  	v30 =	vor.u32 $0x300F, v19;
	v21 =	vadd.s32 v23, v21;
	v19 =	vmovc v24;
	v23 =	vld.idx.msk [tilespmem:v33+s19+$0x0], $0xffff;
	v33 =	vbroadcast v25, $0xF  }
0x30c: {  	s8 =	sadd.s32 $0xFFFFFFF0, s8;
	v24 =	vor.u32 $0x3000, v19;
	v34 =	vadd.s32 v36, v21;
	v21 =	vmctz.xlane vm4;
	v25 =	vld.idx.msk [tilespmem:v37+s19+$0x0], $0xffff  }
0x30d: {  	_ =	sdelay $0x3  }
0x30e: {  	v35 =	vor.u32 $0x3001, v19;
	v29 =	vld.idx.msk [tilespmem:v29+s19+$0x0], $0xffff  }
0x30f: {  	v22 =	vadd.s32 v22, v34;
	v31 =	vld.idx.msk [tilespmem:v31+s19+$0x0], $0xffff;
	v54 =	vor.u32 $0x3002, v19  }
0x310: {  	v55 =	vld.idx.msk [tilespmem:v32+s19+$0x0], $0xffff;
	v56 =	vor.u32 $0x3003, v19;
	v22 =	vadd.s32 v26, v22  }
0x311: {  	v57 =	vld.idx.msk [tilespmem:v30+s19+$0x0], $0xffff;
	v58 =	vor.u32 $0x3004, v19;
	v22 =	vadd.s32 v28, v22  }
0x312: {  	v24 =	vld.idx.msk [tilespmem:v24+s19+$0x0], $0xffff;
	v59 =	vor.u32 $0x3005, v19;
	v22 =	vadd.s32 v27, v22  }
0x313: {  	v17 =	vadd.s32 v17, v33;
	v22 =	vadd.s32 v23, v22;
	v23 =	vld.idx.msk [tilespmem:v35+s19+$0x0], $0xffff  }
0x314: {  	v60, _, _ =	vpop (xrf0);
	v61 =	vor.u32 $0x3006, v19;
	v63 =	vor.u32 $0x3007, v19;
	v37 =	vor.u32 $0x3008, v19;
	v62 =	vld.idx.msk [tilespmem:v54+s19+$0x0], $0xffff  }
0x315: {  	vm4 =	vgt.s32 v21, v0;
	v33 =	vadd.s32 v17, v60;
	v22 =	vadd.s32 v25, v22;
	v36 =	vld.idx.msk [tilespmem:v56+s19+$0x0], $0xffff  }
0x316: {  	v16 =	vnsel vm4, $0x0, v16;
	vm4 =	vge.s32 v33, v10;
	v30 =	vld.idx.msk [tilespmem:v58+s19+$0x0], $0xffff;
	v22 =	vadd.s32 v29, v22  }
0x317: {  	v38 =	vor.u32 $0x3009, v19;
	(xrf0) =	vadd.scan.msk.s32 $0xffff, v16;
	v16 =	vsel vm4, $0x3F800000, v6;
	v39 =	vld.idx.msk [tilespmem:v59+s19+$0x0], $0xffff;
	v22 =	vadd.s32 v31, v22  }
0x318: {  	(xrf0) =	vmax.scan.msk.f32 $0xffff, v16;
	v16 =	vor.u32 $0x300A, v19;
	v22 =	vadd.s32 v55, v22;
	v23 =	vadd.s32 v24, v23  }
0x319: {  	v40 =	vor.u32 $0x300B, v19;
	(xrf0) =	vadd.scan.msk.s32 $0xffff, v18;
	v18 =	vld.idx.msk [tilespmem:v61+s19+$0x0], $0xffff;
	v22 =	vadd.s32 v57, v22;
	v23 =	vadd.s32 v62, v23  }
0x31a: {  	v43 =	vor.u32 $0x300C, v19;
	v42 =	vld.idx.msk [tilespmem:v63+s19+$0x0], $0xffff;
	v41 =	vperm.xlane v22, v5;
	v23 =	vadd.s32 v36, v23  }
0x31b: {  	v45 =	vor.u32 $0x300D, v19;
	v44 =	vld.idx.msk [tilespmem:v37+s19+$0x0], $0xffff;
	v23 =	vadd.s32 v30, v23  }
0x31c: {  	v47 =	vor.u32 $0x300E, v19;
	v46 =	vld.idx.msk [tilespmem:v38+s19+$0x0], $0xffff;
	(xrf0) =	vadd.scan.msk.s32 $0xffff, v41;
	v23 =	vadd.s32 v39, v23  }
0x31d: {  	v19 =	vor.u32 $0x300F, v19;
	v48, _, _ =	vpop (xrf0);
	v16 =	vld.idx.msk [tilespmem:v16+s19+$0x0], $0xffff  }
0x31e: {  	v27 =	vld.idx.msk [tilespmem:v40+s19+$0x0], $0xffff;
	v49, _, _ =	vpop (xrf0);
	v18 =	vadd.s32 v18, v23  }
0x31f: {  	v33 =	vld.idx.msk [tilespmem:v43+s19+$0x0], $0xffff;
	v18 =	vadd.s32 v42, v18;
	v23, _, _ =	vpop (xrf0)  }
0x320: {  	v50 =	vld.idx.msk [tilespmem:v45+s19+$0x0], $0xffff;
	v18 =	vadd.s32 v44, v18;
	v23 =	vbroadcast v23, $0xF  }
0x321: {  	v51 =	vmctz.xlane vm4;
	v31 =	vld.idx.msk [tilespmem:v47+s19+$0x0], $0xffff;
	v18 =	vadd.s32 v46, v18  }
0x322: {  	v19 =	vld.idx.msk [tilespmem:v19+s19+$0x0], $0xffff;
	v52, _, _ =	vpop (xrf0);
	v16 =	vadd.s32 v16, v18;
	v23 =	vadd.s32 v17, v23  }
0x323: {  	vm4 =	vgt.s32 v51, v0;
	v16 =	vadd.s32 v27, v16;
	v18 =	vadd.s32 v23, v52  }
0x324: {  	v16 =	vadd.s32 v33, v16;
	vm5 =	vge.s32 v18, v10;
	v18 =	vnsel vm4, $0x0, v20  }
0x325: {  	v16 =	vadd.s32 v50, v16;
	v20 =	vsel vm5, $0x3F800000, v6;
	(xrf0) =	vadd.scan.msk.s32 $0xffff, v18  }
0x326: {  	v16 =	vadd.s32 v31, v16;
	(xrf0) =	vmax.scan.msk.f32 $0xffff, v20  }
0x327: {  	v16 =	vadd.s32 v19, v16;
	(xrf0) =	vadd.scan.msk.s32 $0xffff, v22  }
0x328: {  	v18 =	vperm.xlane v16, v5;
	_ =	sdelay $0x1  }
0x329: {  	(xrf0) =	vadd.scan.msk.s32 $0xffff, v18  }
0x32a: {  	v19, _, _ =	vpop (xrf0)  }
0x32b: {  	v20, _, _ =	vpop (xrf0)  }
0x32c: {  	v22, _, _ =	vpop (xrf0)  }
0x32d: {  	v22 =	vbroadcast v22, $0xF  }
0x32e: {  	v53 =	vmctz.xlane vm5  }
0x32f: {  	v54, _, _ =	vpop (xrf0);
	v22 =	vadd.s32 v23, v22  }
0x330: {  	vm5 =	vgt.s32 v53, v0;
	v28 =	vadd.s32 v22, v54  }
0x331: {  	v24 =	vnsel vm5, $0x0, v41;
	vm4 =	vge.s32 v28, v10  }
0x332: {  	(xrf0) =	vadd.scan.msk.s32 $0xffff, v24;
	v28 =	vsel vm4, $0x3F800000, v6  }
0x333: {  	(xrf0) =	vmax.scan.msk.f32 $0xffff, v28;
	_ =	sdelay $0x1  }
0x334: {  	(v2sf) =	vpush v49, $0xF;
	_ =	sdelay $0x2  }
0x335: {  	(v2sf) =	vpush v20, $0xF;
	v20, _, _ =	vpop (xrf0)  }
0x336: {  	v55, _, _ =	vpop (xrf0)  }
0x337: {  	(v2sf) =	vpush v55, $0xF;
	_ =	sdelay $0x7  }
0x338: {  	s8 =	spop (v2sf)  }
0x339: {  	vm1 =	vmor vm1, vm2;
	p0 =	sgt.f32 s8, $0.0e+00  }
0x33a: {  	s11 =	sadd.s32 $0xF, s31;
	v12 =	vsel vm3, v14, v12;
	vm6 =	vmmov vm9;
	s8 =	spop (v2sf);
	vm5 =	vmmov vm9  }
0x33b: {  	s0 =	sadd.s32 $0xF, s0;
	v21 =	vsub.s32 s11, v21;
	vm2 =	vmneg vm1;
	vm5 =	vmneg @p0 vm5;
	p0 =	sgt.f32 s8, $0.0e+00  }
0x33c: {  	v14 =	vsub.s32 s0, v51;
	vm3 =	vmor vm1, vm5;
	vm1 =	vmand vm5, vm2  }
0x33d: {  	s3 =	sadd.s32 $0xF, s3;
	vm2 =	vmneg vm3;
	vm6 =	vmneg @p0 vm6;
	v12 =	vsel vm1, v21, v12;
	s31 =	spop (v2sf)  }
0x33e: {  	v21 =	vsub.s32 s3, v53;
	vm2 =	vmand vm6, vm2;
	v56 =	vmctz.xlane vm4;
	p0 =	sgt.f32 s31, $0.0e+00  }
0x33f: {  	vm5 =	vmor vm3, vm6;
	vm6 =	vmmov vm9;
	v12 =	vsel vm2, v14, v12;
	s8 =	spop (v2sf)  }
0x340: {  	s0 =	simm.s32 $0x10;
	vm3 =	vmneg vm5;
	vm4 =	vgt.s32 v56, v0;
	vm6 =	vmneg @p0 vm6;
	p0 =	sgt.f32 s8, $0.0e+00  }
0x341: {  	v57 =	vld [tilespmem:s0+$0xFFFFFFF0];
	vm3 =	vmand vm6, vm3;
	vm5 =	vmor vm5, vm6;
	vm6 =	vmmov vm9  }
0x342: {  	s11 =	sadd.s32 $0xF, s26;
	(xrf0) =	vadd.scan.msk.s32 $0xffff, v16;
	v14 =	vnsel vm4, $0x0, v18;
	vm4 =	vmneg vm5;
	vm6 =	vmneg @p0 vm6  }
0x343: {  	v16 =	vsub.s32 s11, v56;
	(xrf0) =	vadd.scan.msk.s32 $0xffff, v14;
	v12 =	vsel vm3, v21, v12;
	vm4 =	vmand vm6, vm4  }
0x344: {  	v11 =	vshll.u32 v11, $0x8;
	v12 =	vsel vm4, v16, v12  }
0x345: {  	v14 =	vadd.s32 v11, v12  }
0x346: {  	v11 =	vld [tilespmem:s0+$0x0];
	vm5 =	veq.s32 v57, v14  }
0x347: {  	v16 =	vbroadcast v48, $0xF;
	v12 =	vsel vm5, $0x1, v1  }
0x348: {  	v18, _, _ =	vpop (xrf0);
	(xrf0) =	vadd.scan.msk.s32 $0xffff, v12;
	v12 =	vbroadcast v19, $0xF  }
0x349: {  	v18, _, _ =	vpop (xrf0);
	v15 =	vadd.s32 v15, v16;
	v16 =	vbroadcast v20, $0xF  }
0x34a: {  	v13 =	vsel vm1, v15, v13;
	v15 =	vbroadcast v18, $0xF;
	v12 =	vadd.s32 v17, v12  }
0x34b: {  	vm1 =	veq.s32 v11, v14;
	v12 =	vsel vm2, v12, v13;
	v13 =	vadd.s32 v23, v16  }
0x34c: {  	v12 =	vsel vm3, v13, v12;
	v13 =	vadd.s32 v22, v15;
	v15 =	vsel vm1, $0x1, v1;
	_ =	sdelay $0x1  }
0x34d: {  	s26 =	simm.s32 $0x30;
	(xrf0) =	vadd.scan.msk.s32 $0xffff, v15  }
0x34e: {  	v18 =	vimm.s32 $0x0;
	v13 =	vsel vm4, v13, v12;
	v12 =	vld [tilespmem:s26+$0xFFFFFFF0];
	v15, _, _ =	vpop (xrf0)  }
0x34f: {  	v17 =	vsub.s32 v10, v13;
	v10 =	vadd.s32 v18, v15  }
0x350: {  	vm2 =	vle.s32 v10, v17  }
0x351: {  	vm3 =	vgt.s32 v57, v14;
	v13 =	vbroadcast v15, $0xF;
	v10 =	vld [tilespmem:s26+$0x0];
	vm2 =	vmand vm5, vm2  }
0x352: {  	vm2 =	vmor vm3, vm2  }
0x353: {  	vm4 =	veq.s32 v12, v14;
	v13 =	vadd.s32 v18, v13;
	v16, _, _ =	vpop (xrf0);
	v15 =	vsel vm2, $0x1, v1  }
0x354: {  	v19 =	vsel vm4, $0x1, v1;
	(xrf0) =	vadd.scan.msk.s32 $0xffff, v15;
	v15 =	vadd.s32 v13, v16  }
0x355: {  	(xrf0) =	vadd.scan.msk.s32 $0xffff, v19;
	vm3 =	vle.s32 v15, v17  }
0x356: {  	vm5 =	vgt.s32 v11, v14;
	vm1 =	vmand vm1, vm3;
	vm3 =	veq.s32 v10, v14  }
0x357: {  	v15 =	vbroadcast v16, $0xF;
	vm1 =	vmor vm5, vm1;
	v16 =	vsel vm3, $0x1, v1  }
0x358: {  	v19 =	vsel vm1, $0x1, v1;
	_ =	sdelay $0x1  }
0x359: {  	(xrf0) =	vadd.scan.msk.s32 $0xffff, v16;
	v16, _, _ =	vpop (xrf0)  }
0x35a: {  	s3 =	simm.s32 $0x50;
	v20 =	vadd.s32 v13, v15;
	(xrf0) =	vadd.scan.msk.s32 $0xffff, v19;
	v19, _, _ =	vpop (xrf0);
	v21 =	vadd.s32 v16, v18  }
0x35b: {  	v13 =	vld [tilespmem:s3+$0xFFFFFFF0];
	v22 =	vbroadcast v16, $0xF;
	v16 =	vadd.s32 v20, v19;
	v19 =	vbroadcast v19, $0xF;
	_ =	sdelay $0x1  }
0x35c: {  	vm6 =	vgt.s32 v12, v14;
	vm2 =	vmmov vm2;
	v15 =	vor.u32 $0x40, v0  }
0x35d: {  	vm1 =	vmmov vm1;
	v21 =	vadd.s32 $0xFFFFFFFF, v21;
	vm7 =	vle.s32 v16, v17  }
0x35e: {  	v21 =	vsel vm2, v21, v15;
	v16 =	vld [tilespmem:s3+$0x0];
	vm4 =	vmand vm4, vm7;
	v20 =	vadd.s32 v20, v19;
	v19, _, _ =	vpop (xrf0)  }
0x35f: {  	v18 =	vadd.s32 v18, v22;
	vm6 =	vmor vm6, vm4;
	vm4 =	veq.s32 v13, v14;
	v23, _, _ =	vpop (xrf0)  }
0x360: {  	v58 =	vsel vm6, $0x1, v1;
	v22 =	vadd.s32 v20, v19;
	v59 =	vadd.s32 v23, v18  }
0x361: {  	s31 =	simm.s32 $0x0;
	v60 =	vsel vm4, $0x1, v1;
	(xrf0) =	vadd.scan.msk.s32 $0xffff, v58;
	vm7 =	vle.s32 v22, v17;
	v22 =	vadd.s32 $0xFFFFFFFF, v59  }
0x362: {  	v61 =	vor.u32 s31, v0;
	v62 =	vbroadcast v19, $0xF;
	(xrf0) =	vadd.scan.msk.s32 $0xffff, v60;
	v19 =	vsel vm1, v22, v15  }
0x363: {  	vm5 =	vgt.s32 v10, v14;
	[tilespmem:v21+s20+$0x0] =	vst.idx.add.s32.msk vm2, v57;
	vm7 =	vmand vm3, vm7;
	vm3 =	veq.s32 v16, v14  }
0x364: {  	[tilespmem:v21+s21+$0x0] =	vst.idx.add.s32.msk vm2, v61;
	v21 =	vbroadcast v23, $0xF;
	vm5 =	vmor vm5, vm7;
	v63 =	vsel vm3, $0x1, v1  }
0x365: {  	s8 =	simm.s32 $0x4;
	v20 =	vadd.s32 v20, v62;
	vm2 =	vmmov vm6;
	v22 =	vsel vm5, $0x1, v1;
	(xrf0) =	vadd.scan.msk.s32 $0xffff, v63  }
.LBB2_29:
0x366: {  	s8 =	sadd.s32 $0x2, s8;
	(xrf0) =	vadd.scan.msk.s32 $0xffff, v22;
	v22 =	vor.u32 s0, v0;
	s0 =	sadd.s32 $0x20, s0  }
0x367: {  	vm6 =	vgt.s32 v16, v14;
	s3 =	sadd.s32 $0x20, s3;
	v18 =	vadd.s32 v18, v21;
	p0 =	slt.u32 s8, $0xC44;
	v23, _, _ =	vpop (xrf0);
	[tilespmem:v19+s20+$0x0] =	vst.idx.add.s32.msk vm1, v11  }
0x368: {  	vm7 =	vgt.s32 v13, v14;
	v24 =	vld [tilespmem:s3+$0xFFFFFFF0];
	v11, _, _ =	vpop (xrf0);
	v21 =	vadd.s32 v23, v18;
	v23 =	vbroadcast v23, $0xF  }
0x369: {  	v25 =	vadd.s32 v20, v11;
	v26 =	vbroadcast v11, $0xF;
	v21 =	vadd.s32 $0xFFFFFFFF, v21;
	[tilespmem:v19+s21+$0x0] =	vst.idx.add.s32.msk vm1, v22;
	v11 =	vmovc v10  }
0x36a: {  	v10 =	vmovc v16;
	vm1 =	vmmov vm5;
	vm8 =	vle.s32 v25, v17;
	v21 =	vsel vm2, v21, v15  }
0x36b: {  	v18 =	vadd.s32 v18, v23;
	v16 =	vld [tilespmem:s3+$0x0];
	vm4 =	vmand vm4, vm8;
	v20 =	vadd.s32 v20, v26;
	v22, _, _ =	vpop (xrf0)  }
0x36c: {  	vm7 =	vmor vm7, vm4;
	v19 =	vadd.s32 v20, v22;
	v23, _, _ =	vpop (xrf0)  }
0x36d: {  	vm4 =	veq.s32 v24, v14;
	v25 =	vsel vm7, $0x1, v1;
	v26 =	vadd.s32 v23, v18  }
.Ltmp13:
0x36e: {  	s11 =	sadd.s32 $0xFFFFFFF0, s0;
	vm5 =	vle.s32 v19, v17;
	v27 =	vsel vm4, $0x1, v1;
	(xrf0) =	vadd.scan.msk.s32 $0xffff, v25;
	v19 =	vadd.s32 $0xFFFFFFFF, v26;
	(pc) =	sbr.rel @p0 .LBB2_29-.Ltmp13, $4  }
0x36f: {  	vm5 =	vmand vm3, vm5;
	v25 =	vor.u32 s11, v0;
	(xrf0) =	vadd.scan.msk.s32 $0xffff, v27;
	v19 =	vsel vm1, v19, v15  }
0x370: {  	v26 =	vbroadcast v22, $0xF;
	vm5 =	vmor vm6, vm5;
	vm3 =	veq.s32 v16, v14;
	[tilespmem:v21+s20+$0x0] =	vst.idx.add.s32.msk vm2, v12;
	v12 =	vmovc v13  }
0x371: {  	v22 =	vsel vm5, $0x1, v1;
	v13 =	vmovc v24;
	v27 =	vsel vm3, $0x1, v1;
	[tilespmem:v21+s21+$0x0] =	vst.idx.add.s32.msk vm2, v25;
	v21 =	vbroadcast v23, $0xF  }
0x372: {  	v20 =	vadd.s32 v20, v26;
	vm2 =	vmmov vm7;
	(xrf0) =	vadd.scan.msk.s32 $0xffff, v27  }
0x373: {  	_ = 	snop  }
0x374: {  	v23, _, _ =	vpop (xrf0)  }
0x375: {  	v24, _, _ =	vpop (xrf0)  }
0x376: {  	v25 =	vadd.s32 v20, v24;
	v24 =	vbroadcast v24, $0xF  }
0x377: {  	vm6 =	vle.s32 v25, v17  }
0x378: {  	vm7 =	vgt.s32 v13, v14;
	vm4 =	vmand vm4, vm6  }
0x379: {  	(xrf0) =	vadd.scan.msk.s32 $0xffff, v22;
	vm4 =	vmor vm7, vm4  }
0x37a: {  	v20 =	vadd.s32 v20, v24;
	v24, _, _ =	vpop (xrf0);
	v22 =	vsel vm4, $0x1, v1  }
0x37b: {  	v20 =	vadd.s32 v20, v24;
	(xrf0) =	vadd.scan.msk.s32 $0xffff, v22  }
0x37c: {  	vm6 =	vle.s32 v20, v17  }
0x37d: {  	vm7 =	vgt.s32 v16, v14;
	vm3 =	vmand vm3, vm6  }
0x37e: {  	v17 =	vadd.s32 v18, v21;
	v18 =	vbroadcast v23, $0xF;
	vm3 =	vmor vm7, vm3  }
0x37f: {  	v20, _, _ =	vpop (xrf0);
	v14 =	vsel vm3, $0x1, v1  }
0x380: {  	(xrf0) =	vadd.scan.msk.s32 $0xffff, v14;
	v14 =	vadd.s32 v23, v17;
	v17 =	vadd.s32 v17, v18;
	v18 =	vbroadcast v20, $0xF  }
0x381: {  	v14 =	vadd.s32 $0xFFFFFFFF, v14;
	v21, _, _ =	vpop (xrf0)  }
0x382: {  	v20 =	vadd.s32 v20, v17;
	v17 =	vadd.s32 v17, v18;
	v18 =	vbroadcast v21, $0xF  }
0x383: {  	v14 =	vsel vm2, v14, v15  }
0x384: {  	vm5 =	vmmov vm5;
	v20 =	vadd.s32 $0xFFFFFFFF, v20  }
0x385: {  	vm4 =	vmmov vm4;
	v20 =	vsel vm5, v20, v15;
	v21 =	vadd.s32 v21, v17  }
0x386: {  	s26 =	sadd.s32 $0x20, s0;
	[tilespmem:v19+s20+$0x0] =	vst.idx.add.s32.msk vm1, v11;
	v22 =	vor.u32 s0, v0;
	v11 =	vadd.s32 $0xFFFFFFFF, v21;
	v17 =	vadd.s32 v17, v18;
	v18, _, _ =	vpop (xrf0)  }
0x387: {  	s3 =	sadd.s32 $0xFFFFFFF0, s26;
	[tilespmem:v19+s21+$0x0] =	vst.idx.add.s32.msk vm1, v22;
	v11 =	vsel vm4, v11, v15;
	v17 =	vadd.s32 v18, v17  }
0x388: {  	vm1 =	vmmov vm3;
	v18 =	vor.u32 s3, v0;
	[tilespmem:v14+s20+$0x0] =	vst.idx.add.s32.msk vm2, v12;
	v12 =	vadd.s32 $0xFFFFFFFF, v17  }
0x389: {  	[tilespmem:v14+s21+$0x0] =	vst.idx.add.s32.msk vm2, v18;
	v12 =	vsel vm1, v12, v15  }
0x38a: {  	s0 =	sadd.s32 $0x20, s26;
	v14 =	vor.u32 s26, v0;
	[tilespmem:v20+s20+$0x0] =	vst.idx.add.s32.msk vm5, v10  }
0x38b: {  	s31 =	sadd.s32 $0xFFFFFFF0, s0;
	[tilespmem:v20+s21+$0x0] =	vst.idx.add.s32.msk vm5, v14  }
0x38c: {  	v10 =	vor.u32 s31, v0;
	[tilespmem:v11+s20+$0x0] =	vst.idx.add.s32.msk vm4, v13  }
0x38d: {  	[tilespmem:v11+s21+$0x0] =	vst.idx.add.s32.msk vm4, v10  }
0x38e: {  	v10 =	vor.u32 s0, v0;
	[tilespmem:v12+s20+$0x0] =	vst.idx.add.s32.msk vm3, v16  }
0x38f: {  	[tilespmem:v12+s21+$0x0] =	vst.idx.add.s32.msk vm3, v10  }
0x390: {  	v12 =	vld [tilespmem:$0x10500]  }
0x391: {  	v13 =	vld [tilespmem:$0x10510]  }
0x392: {  	v14 =	vld [tilespmem:$0x104B0]  }
0x393: {  	v11 =	vld [tilespmem:$0x10520]  }
0x394: {  	v10 =	vld [tilespmem:$0x10530]  }
0x395: {  	vm0 =	vmmov $0x3;
	v16 =	vimm.s32 $0x0;
	vm2 =	vgt.s32 v12, $0x0  }
0x396: {  	s8 =	smul.u32 $0xC451, s30;
	v16 =	vsel vm0, $0xFFFFFFFF, v16;
	v15 =	vnsel vm2, $0x0, v12;
	vm2 =	vgt.s32 v13, $0x0  }
0x397: {  	[tilespmem:$0x1FFE0] =	vst v16;
	v14 =	vnsel vm0, $0x80000000, v14;
	v15 =	vmin.u32 v15, $0xC450;
	v16 =	vnsel vm2, $0x0, v13  }
0x398: {  	vm2 =	vgt.s32 v11, $0x0;
	v15 =	vadd.s32 s8, v15;
	v16 =	vmin.u32 v16, $0xC450  }
0x399: {  	s11 =	simm.s32 $0x1;
	[tilespmem:$0x104B0] =	vst v14;
	v17 =	vadd.s32 s8, v16;
	v16 =	vnsel vm2, $0x0, v11;
	vm2 =	vgt.s32 v10, $0x0  }
0x39a: {  	v19 =	vmov s11;
	[tilespmem:$0x10580] =	vst v15;
	v15 =	vmin.u32 v16, $0xC450;
	v18 =	vnsel vm2, $0x0, v10  }
0x39b: {  	v19 =	vand.u32 $0xFFFFFFFD, v19;
	v14 =	vld [tilespmem:$0x10480];
	[tilespmem:$0x10590] =	vst v17;
	v15 =	vadd.s32 s8, v15;
	v18 =	vmin.u32 v18, $0xC450  }
0x39c: {  	v19 =	vbroadcast v19, $0x0;
	v16 =	vld [tilespmem:$0x10490];
	[tilespmem:$0x105A0] =	vst v15;
	v18 =	vadd.s32 s8, v18  }
0x39d: {  	v17 =	vld [tilespmem:$0x104A0];
	[tilespmem:$0x105B0] =	vst v18  }
0x39e: {  	v15 =	vld [tilespmem:$0x104B0];
	[tilespmem:s24], [sflag:$0x1] =	stream.indirect.gather [hbm4b:s1+s22], $0x1, s23, s22, $0xb8  }
0x39f: {  	s30 =	simm.s32 $0x3;
	_ =	swait.ge [sflag:s25], $0x40  }
0x3a0: {  	v20 =	vmov s30;
	[sflag:s25] =	ssyncset.done $0x0  }
0x3a1: {  	s26 =	simm.s32 $0x2;
	[sflag:s25] =	ssyncadd.s32 $0xFFFFFFC0  }
0x3a2: {  	v18 =	vmov s26;
	v22 =	vld.idx.msk [tilespmem:v19+s20+$0x0], $0xffff  }
0x3a3: {  	v18 =	vand.u32 $0xFFFFFFFE, v18;
	v19 =	vld.idx.msk [tilespmem:v19+s21+$0x0], $0xffff  }
0x3a4: {  	v21 =	vbroadcast v18, $0x0  }
0x3a5: {  	s31 =	simm.s32 $0x0;
	v23 =	vld.idx.msk [tilespmem:v20+s21+$0x0], $0xffff  }
0x3a6: {  	v24 =	vmov s31;
	v18 =	vimm.s32 $0x0  }
0x3a7: {  	vm5 =	vgt.s32 v22, v14;
	vm2 =	vgt.s32 v22, v16;
	vm3 =	veq.s32 v22, v16  }
0x3a8: {  	vm4 =	vlt.s32 v19, v13;
	vm8 =	vlt.s32 v19, v11;
	vm9 =	veq.s32 v22, v15  }
0x3a9: {  	vm10 =	vgt.s32 v22, v17;
	vm11 =	vlt.s32 v19, v12;
	vm7 =	vgt.s32 v22, v15  }
0x3aa: {  	v25 =	vld.idx.msk [tilespmem:v21+s20+$0x0], $0xffff;
	vm12 =	vlt.s32 v19, v10;
	vm0 =	vlt.s32 v23, v12;
	v19 =	vimm.s32 $0x0  }
0x3ab: {  	v21 =	vld.idx.msk [tilespmem:v21+s21+$0x0], $0xffff;
	vm13 =	veq.s32 v22, v14;
	vm3 =	vmand vm3, vm4;
	vm4 =	veq.s32 v22, v17  }
0x3ac: {  	v19 =	vsel vm0, $0xFFFFFFFF, v19;
	vm12 =	vmand vm9, vm12;
	vm11 =	vmand vm13, vm11  }
0x3ad: {  	vm6 =	vmor vm2, vm3;
	vm2 =	vlt.s32 v23, v11;
	[tilespmem:$0x1FFF0] =	vst v19;
	v19 =	vand.u32 $0xFFFFFFFC, v24  }
0x3ae: {  	vm15 =	vmand vm4, vm8;
	vm3 =	vlt.s32 v23, v10;
	vm11 =	vmor vm5, vm11  }
0x3af: {  	vm5 =	vlt.s32 v23, v13;
	vm7 =	vmor vm7, vm12;
	vm14 =	veq.s32 v25, v14  }
0x3b0: {  	v19 =	vbroadcast v19, $0x0;
	vm4 =	vlt.s32 v21, v11;
	vm8 =	veq.s32 v25, v17  }
0x3b1: {  	vm9 =	veq.s32 v25, v15;
	vm13 =	vlt.s32 v21, v10;
	vm1 =	vgt.s32 v25, v14  }
0x3b2: {  	vm12 =	vgt.s32 v25, v16;
	v22 =	vsel vm7, $0x1, v1;
	v26 =	vsel vm6, $0x1, v1  }
0x3b3: {  	v24 =	vld.idx.msk [tilespmem:v20+s20+$0x0], $0xffff;
	v20 =	vimm.s32 $0x0;
	vm8 =	vmand vm8, vm4;
	vm4 =	vlt.s32 v21, v12  }
0x3b4: {  	vm13 =	vmand vm9, vm13;
	vm9 =	vmor vm10, vm15;
	vm10 =	vgt.s32 v25, v15  }
0x3b5: {  	vm14 =	vmand vm14, vm4;
	vm10 =	vmor vm10, vm13;
	vm13 =	veq.s32 v25, v16  }
0x3b6: {  	v30 =	vsel vm9, $0x1, v1;
	vm1 =	vmor vm1, vm14;
	vm14 =	vlt.s32 v21, v13  }
0x3b7: {  	v21 =	vsel vm10, $0x1, v1;
	vm13 =	vmand vm13, vm14;
	v23 =	vsel vm1, $0x1, v1;
	v27 =	vld.idx.msk [tilespmem:v19+s20+$0x0], $0xffff  }
0x3b8: {  	vm14 =	veq.s32 v24, v16;
	vm7 =	vgt.s32 v24, v16;
	vm1 =	vmor vm12, vm13;
	v31 =	vld.idx.msk [tilespmem:v19+s21+$0x0], $0xffff  }
0x3b9: {  	vm6 =	vgt.s32 v24, v15;
	vm9 =	vgt.s32 v24, v14;
	vm5 =	vmand vm14, vm5  }
0x3ba: {  	vm14 =	vgt.s32 v25, v17;
	v25 =	vsel vm11, $0x1, v1;
	v28 =	vsel vm1, $0x1, v1  }
0x3bb: {  	vm7 =	vmor vm7, vm5;
	vm5 =	veq.s32 v24, v15;
	vm13 =	vmor vm14, vm8  }
0x3bc: {  	v29 =	vsel vm13, $0x1, v1;
	vm13 =	veq.s32 v24, v17;
	vm10 =	veq.s32 v27, v14  }
0x3bd: {  	vm11 =	veq.s32 v27, v16;
	vm1 =	vgt.s32 v27, v14;
	vm12 =	vlt.s32 v31, v12  }
0x3be: {  	vm14 =	vlt.s32 v31, v11;
	vm15 =	vgt.s32 v27, v17;
	vm8 =	vmand vm10, vm12  }
0x3bf: {  	vm10 =	vlt.s32 v31, v13;
	vm12 =	vgt.s32 v24, v17;
	vm1 =	vmor vm1, vm8  }
0x3c0: {  	vm8 =	vmand vm11, vm10;
	vm11 =	vgt.s32 v27, v16;
	v19 =	vsel vm1, $0x1, v1  }
0x3c1: {  	s0 =	simm.s32 $0x4;
	vm10 =	veq.s32 v27, v15;
	v32 =	vadd.s32 v19, v18;
	v19 =	vimm.s32 $0x0  }
.LBB2_31:
0x3c2: {  	s8 =	sadd.s32 $0x1, s0;
	vm1 =	veq.s32 v27, v17;
	vm0 =	vlt.s32 v31, v10;
	v31 =	vsel vm7, $0x1, v1  }
0x3c3: {  	vm7 =	veq.s32 v24, v14;
	vm4 =	vmand vm5, vm3;
	v33 =	vmov s8  }
0x3c4: {  	vm5 =	vmand vm13, vm2;
	v25 =	vadd.s32 v25, v32;
	v24 =	vand.u32 $0xFFFFFFFD, v33  }
0x3c5: {  	s3 =	smov.u32 s0;
	vm1 =	vmand vm1, vm14;
	vm2 =	vmor vm6, vm4;
	v24 =	vbroadcast v24, $0x0  }
0x3c6: {  	vm4 =	vgt.s32 v27, v15;
	v27 =	vld [tilespmem:$0x1FFF0];
	vm5 =	vmor vm12, vm5;
	s30 =	sadd.s32 $0x2, s3;
	vm6 =	vmor vm11, vm8  }
0x3c7: {  	s31 =	sadd.s32 $0x3, s3;
	vm0 =	vmand vm10, vm0;
	vm1 =	vmor vm15, vm1;
	v60 =	vmov s30  }
0x3c8: {  	v34 =	vsel vm6, $0x1, v1;
	v35 =	vmov s31;
	vm0 =	vmor vm4, vm0  }
0x3c9: {  	v33 =	vand.u32 $0xFFFFFFFE, v60;
	v19 =	vadd.s32 v34, v19;
	v61 =	vsel vm0, $0x1, v1  }
0x3ca: {  	v33 =	vbroadcast v33, $0x0;
	v20 =	vadd.s32 v61, v20;
	v19 =	vadd.s32 v26, v19  }
0x3cb: {  	v20 =	vadd.s32 v22, v20;
	vm3 =	vnez.u8 v27;
	v27 =	vsel vm1, $0x1, v1;
	v36 =	vld.idx.msk [tilespmem:v24+s20+$0x0], $0xffff  }
0x3cc: {  	v22 =	vsel vm5, $0x1, v1;
	vm3 =	vmand vm7, vm3;
	v18 =	vadd.s32 v27, v18;
	v24 =	vld.idx.msk [tilespmem:v24+s21+$0x0], $0xffff  }
0x3cd: {  	v20 =	vadd.s32 v21, v20;
	vm1 =	vmor vm9, vm3;
	v18 =	vadd.s32 v30, v18  }
0x3ce: {  	v21 =	vadd.s32 v23, v25;
	v27 =	vsel vm1, $0x1, v1;
	v18 =	vadd.s32 v29, v18  }
0x3cf: {  	v18 =	vadd.s32 v22, v18;
	v22 =	vsel vm2, $0x1, v1;
	v62 =	vadd.s32 v27, v21  }
0x3d0: {  	v21 =	vimm.s32 $0x0;
	v20 =	vadd.s32 v22, v20;
	v22 =	vimm.s32 $0x0  }
0x3d1: {  	v26 =	vld.idx.msk [tilespmem:v35+s21+$0x0], $0xffff;
	vm0 =	vgt.s32 v36, v14;
	vm1 =	veq.s32 v36, v16;
	vm2 =	vlt.s32 v24, v13  }
0x3d2: {  	v21 =	vsel vm0, $0xFFFFFFFF, v21;
	vm1 =	vmand vm1, vm2;
	vm2 =	vgt.s32 v36, v17  }
0x3d3: {  	vm10 =	vlt.s32 v24, v11;
	vm0 =	vgt.s32 v36, v16;
	[tilespmem:$0x1FF90] =	vst v21;
	v21 =	vld.idx.msk [tilespmem:v33+s21+$0x0], $0xffff;
	v22 =	vsel vm2, $0xFFFFFFFF, v22  }
0x3d4: {  	vm9 =	veq.s32 v36, v15;
	vm0 =	vmor vm0, vm1;
	[tilespmem:$0x1FF80] =	vst v22;
	v22 =	vimm.s32 $0x0  }
0x3d5: {  	v23 =	vld.idx.msk [tilespmem:v33+s20+$0x0], $0xffff;
	vm13 =	veq.s32 v36, v17;
	vm11 =	vlt.s32 v24, v12;
	v22 =	vsel vm0, $0xFFFFFFFF, v22  }
0x3d6: {  	vm13 =	vmand vm13, vm10;
	vm0 =	vlt.s32 v26, v11;
	[tilespmem:$0x1FFB0] =	vst v22;
	v22 =	vimm.s32 $0x0  }
0x3d7: {  	vm1 =	vlt.s32 v26, v12;
	v22 =	vsel vm0, $0xFFFFFFFF, v22;
	vm0 =	vgt.s32 v36, v15  }
0x3d8: {  	[tilespmem:$0x1FFC0] =	vst v22;
	v22 =	vimm.s32 $0x0;
	vm8 =	vlt.s32 v21, v13;
	vm10 =	vlt.s32 v21, v11  }
0x3d9: {  	v22 =	vsel vm0, $0xFFFFFFFF, v22;
	vm0 =	vlt.s32 v24, v10;
	v24 =	vimm.s32 $0x0  }
0x3da: {  	[tilespmem:$0x1FFA0] =	vst v22;
	v22 =	vimm.s32 $0x0;
	vm3 =	vmand vm9, vm0;
	vm0 =	veq.s32 v23, v17  }
0x3db: {  	v22 =	vsel vm1, $0xFFFFFFFF, v22;
	vm1 =	vlt.s32 v26, v10;
	vm10 =	vmand vm0, vm10  }
0x3dc: {  	vm0 =	vlt.s32 v21, v10;
	v24 =	vsel vm1, $0xFFFFFFFF, v24;
	vm1 =	vlt.s32 v21, v12;
	v21 =	vld [tilespmem:$0x1FF80]  }
0x3dd: {  	[tilespmem:$0x1FFF0] =	vst v22;
	v22 =	vmov s3  }
0x3de: {  	v22 =	vand.u32 $0xFFFFFFFC, v22  }
0x3df: {  	v19 =	vadd.s32 v28, v19;
	v22 =	vbroadcast v22, $0x0  }
0x3e0: {  	v19 =	vadd.s32 v31, v19;
	vm2 =	veq.s32 v23, v15  }
0x3e1: {  	vm7 =	vlt.s32 v26, v13;
	vm2 =	vmand vm2, vm0;
	vm0 =	vnez.u8 v21;
	v21 =	vld [tilespmem:$0x1FF90]  }
0x3e2: {  	vm6 =	veq.s32 v36, v14;
	vm14 =	vgt.s32 v23, v14;
	vm15 =	veq.s32 v23, v14  }
0x3e3: {  	vm4 =	vgt.s32 v23, v15;
	vm5 =	veq.s32 v23, v16;
	[tilespmem:$0x1FFD0] =	vst v24;
	v24 =	vld.idx.msk [tilespmem:v35+s20+$0x0], $0xffff  }
0x3e4: {  	vm12 =	vgt.s32 v23, v16;
	vm5 =	vmand vm5, vm8;
	v26 =	vld [tilespmem:$0x1FFB0];
	vm1 =	vmand vm15, vm1  }
0x3e5: {  	vm9 =	vgt.s32 v23, v17;
	vm2 =	vmor vm4, vm2;
	vm1 =	vmor vm14, vm1;
	v27 =	vld.idx.msk [tilespmem:v22+s20+$0x0], $0xffff  }
0x3e6: {  	v23 =	vsel vm1, $0x1, v1;
	vm1 =	vmor vm12, vm5;
	vm4 =	vnez.u8 v21;
	v21 =	vld [tilespmem:$0x1FFA0]  }
0x3e7: {  	vm6 =	vmand vm6, vm11;
	vm9 =	vmor vm9, vm10;
	v28 =	vsel vm1, $0x1, v1;
	v31 =	vld.idx.msk [tilespmem:v22+s21+$0x0], $0xffff  }
0x3e8: {  	vm0 =	vmor vm0, vm13;
	vm5 =	veq.s32 v24, v15;
	vm13 =	veq.s32 v24, v17  }
0x3e9: {  	v29 =	vld [tilespmem:$0x1FFC0];
	vm12 =	vgt.s32 v24, v17;
	vm4 =	vmor vm4, vm6;
	vm6 =	veq.s32 v24, v16  }
0x3ea: {  	v30 =	vsel vm0, $0x1, v1;
	vm6 =	vmand vm6, vm7;
	v25 =	vsel vm4, $0x1, v1  }
0x3eb: {  	vm8 =	vnez.u8 v21;
	v21 =	vsel vm2, $0x1, v1;
	vm2 =	vnez.u8 v26  }
0x3ec: {  	vm4 =	vlt.s32 v31, v12;
	v26 =	vsel vm2, $0x1, v1;
	vm2 =	veq.s32 v27, v14  }
0x3ed: {  	vm1 =	vgt.s32 v27, v14;
	vm14 =	vlt.s32 v31, v11;
	vm2 =	vmand vm2, vm4  }
0x3ee: {  	p0 =	slt.u32 s0, $0x3C;
	vm11 =	vgt.s32 v27, v16;
	vm0 =	vmor vm1, vm2;
	vm2 =	vnez.u8 v29;
	v29 =	vld [tilespmem:$0x1FFD0]  }
.Ltmp14:
0x3ef: {  	vm15 =	vgt.s32 v27, v17;
	vm3 =	vmor vm8, vm3;
	vm8 =	vgt.s32 v24, v16;
	(pc) =	sbr.rel @p0 .LBB2_31-.Ltmp14, $4  }
0x3f0: {  	vm10 =	veq.s32 v27, v15;
	v22 =	vsel vm3, $0x1, v1;
	vm7 =	vmor vm8, vm6  }
0x3f1: {  	vm3 =	veq.s32 v27, v16;
	vm4 =	vlt.s32 v31, v13;
	v63 =	vsel vm0, $0x1, v1  }
0x3f2: {  	vm6 =	vgt.s32 v24, v15;
	vm8 =	vmand vm3, vm4;
	v32 =	vadd.s32 v63, v62  }
0x3f3: {  	s0 =	sadd.s32 $0x4, s0;
	vm3 =	vnez.u8 v29;
	v29 =	vsel vm9, $0x1, v1;
	vm9 =	vgt.s32 v24, v14  }
0x3f4: {  	vm0 =	veq.s32 v27, v17;
	v16 =	vsel vm7, $0x1, v1  }
0x3f5: {  	vm1 =	vmand vm5, vm3;
	vm2 =	vmand vm13, vm2;
	v34 =	vld [tilespmem:$0x1FFF0];
	vm13 =	vlt.s32 v31, v10  }
0x3f6: {  	v35 =	vmov s29;
	v40 =	vadd.s32 v25, v32;
	vm0 =	vmand vm0, vm14  }
0x3f7: {  	vm1 =	vmor vm6, vm1;
	vm2 =	vmor vm12, vm2;
	vm12 =	vmor vm11, vm8  }
0x3f8: {  	vm14 =	vmand vm10, vm13;
	vm0 =	vmor vm15, vm0;
	vm15 =	veq.s32 v24, v14  }
0x3f9: {  	v37 =	vsel vm12, $0x1, v1;
	v44 =	vsel vm2, $0x1, v1;
	v36 =	vsel vm0, $0x1, v1  }
0x3fa: {  	v17 =	vadd.s32 v36, v18;
	v18 =	vadd.s32 v23, v40;
	vm4 =	vnez.u8 v34  }
0x3fb: {  	v17 =	vadd.s32 v30, v17;
	vm3 =	vmand vm15, vm4;
	vm15 =	vgt.s32 v27, v15  }
0x3fc: {  	v15 =	vadd.s32 v37, v19;
	v17 =	vadd.s32 v29, v17;
	vm0 =	vmor vm15, vm14  }
0x3fd: {  	v43 =	vld [tilespmem:$0x10600];
	vm3 =	vmor vm9, vm3;
	v15 =	vadd.s32 v26, v15;
	v39 =	vsel vm0, $0x1, v1  }
0x3fe: {  	v45 =	vld [tilespmem:$0x10610];
	v17 =	vadd.s32 v44, v17;
	v38 =	vsel vm3, $0x1, v1;
	v41 =	vadd.s32 v39, v20  }
0x3ff: {  	v47 =	vld [tilespmem:$0x10620];
	v15 =	vadd.s32 v28, v15;
	v18 =	vadd.s32 v38, v18;
	v19 =	vadd.s32 v22, v41  }
0x400: {  	v48 =	vld [tilespmem:$0x10630];
	v46 =	vsel vm1, $0x1, v1;
	v15 =	vadd.s32 v16, v15;
	v19 =	vadd.s32 v21, v19  }
0x401: {  	v42 =	vld.idx.msk [tilespmem:v35+s14+$0x0], $0xffff;
	v19 =	vadd.s32 v46, v19;
	_ =	sdelay $0x1  }
0x402: {  	v51 =	vld.idx.msk [tilespmem:v17+s18+$0x0], $0xffff  }
0x403: {  	v23 =	vsub.f32 $0.0e+00, v43;
	v24 =	vld.idx.msk [tilespmem:v18+s18+$0x0], $0xffff  }
0x404: {  	v16 =	vsub.f32 $0.0e+00, v45;
	v22 =	vsub.f32 $0.0e+00, v47;
	v49 =	vld.idx.msk [tilespmem:v15+s18+$0x0], $0xffff  }
0x405: {  	v50 =	vmul.f32 $1.000000010e-10, v23;
	vm4 =	veq.s32 v12, v42;
	v21 =	vsub.f32 $0.0e+00, v48;
	v52 =	vld.idx.msk [tilespmem:v19+s18+$0x0], $0xffff  }
0x406: {  	v57 =	vld [tilespmem:$0x1FFE0];
	vm5 =	veq.s32 v13, v42;
	v53 =	vmul.f32 $1.000000010e-10, v16;
	v54 =	vmul.f32 $1.000000010e-10, v22  }
0x407: {  	vm6 =	veq.s32 v11, v42;
	vm7 =	veq.s32 v10, v42;
	v55 =	vmul.f32 $1.000000010e-10, v21  }
0x408: {  	v23 =	vsel vm4, v50, v23;
	v16 =	vsel vm5, v53, v16;
	v22 =	vsel vm6, v54, v22  }
0x409: {  	v21 =	vsel vm7, v55, v21;
	v56 =	vadd.f32 v23, v24;
	v16 =	vadd.f32 v16, v49  }
0x40a: {  	v22 =	vadd.f32 v22, v51;
	v21 =	vadd.f32 v21, v52  }
0x40b: {  	vm12 =	vnez.u8 v57;
	v23 =	vmax.f32 v56, v16  }
0x40c: {  	v23 =	vmax.f32 v23, v22;
	v21 =	vnsel vm12, $0xFF800000, v21  }
0x40d: {  	v23 =	vmax.f32 v23, v21  }
0x40e: {  	(xrf0) =	vmax.scan.msk.f32 $0xffff, v23;
	_ =	sdelay $0x5  }
0x40f: {  	v23, _, _ =	vpop (xrf0)  }
0x410: {  	v23 =	vbroadcast v23, $0xF  }
0x411: {  	vm13 =	vlt.s32 v18, $0x40  }
0x412: {  	v58 =	vnsel vm13, $0x40, v18;
	vm14 =	veq.f32 v56, v23  }
0x413: {  	v20 =	vnsel vm14, $0x40, v58  }
0x414: {  	vm15 =	vlt.s32 v20, v15  }
0x415: {  	vm4 =	veq.f32 v16, v23;
	vm5 =	veq.f32 v22, v23;
	v59 =	vsel vm15, v20, v15  }
0x416: {  	v60 =	vnsel vm5, $0x40, v17;
	v16 =	vsel vm4, v59, v20  }
0x417: {  	vm6 =	veq.f32 v21, v23;
	vm0 =	vlt.s32 v16, v60  }
0x418: {  	v61 =	vnsel vm6, $0x40, v19;
	v16 =	vsel vm0, v16, v60  }
0x419: {  	vm0 =	vlt.s32 v16, v61  }
0x41a: {  	v16 =	vsel vm0, v16, v61  }
0x41b: {  	v16 =	vxor.u32 $0x80000000, v16  }
0x41c: {  	(xrf0) =	vmin.scan.msk.u32 $0xffff, v16;
	_ =	sdelay $0x5  }
0x41d: {  	v16, _, _ =	vpop (xrf0)  }
0x41e: {  	(v2sf) =	vpush v16, $0xF;
	_ =	sdelay $0xe  }
0x41f: {  	s0 =	spop (v2sf)  }
0x420: {  	s0 =	sxor.u32 $0x80000000, s0  }
0x421: {  	vm7 =	veq.s32 v18, s0;
	vm12 =	veq.s32 v15, s0  }
0x422: {  	vm13 =	veq.s32 v17, s0;
	v62 =	vnsel vm7, $0x0, v12;
	v63 =	vnsel vm12, $0x0, v13  }
0x423: {  	vm14 =	veq.s32 v19, s0;
	v11 =	vnsel vm13, $0x0, v11;
	v12 =	vadd.s32 v63, v62  }
0x424: {  	v10 =	vnsel vm14, $0x0, v10;
	v11 =	vadd.s32 v11, v12  }
0x425: {  	v10 =	vadd.s32 v10, v11  }
0x426: {  	(xrf0) =	vadd.scan.msk.s32 $0xffff, v10;
	_ =	sdelay $0x2  }
0x427: {  	s29 =	sadd.s32 $0x1, s29  }
0x428: {  	p0 =	sne.s32 s29, $0x10  }
.Ltmp15:
0x429: {  	_ = 	snop;
	(pc) =	sbr.rel @p0 .LBB2_2-.Ltmp15, $4  }
0x42a: {  	v10, _, _ =	vpop (xrf0)  }
0x42b: {  	v10 =	vbroadcast v10, $0xF  }
0x42c: {  	vm15 =	veq.s32 v35, v0  }
0x42d: {  	vm9 =	vmxor vm9, vm9;
	v9 =	vsel vm15, v10, v9  }
0x42e: {  	vm0 =	vgt.s32 v9, $0x0  }
0x42f: {  	v9 =	vnsel vm0, $0x0, v9  }
0x430: {  	v9 =	vmin.u32 v9, $0xC450  }
0x431: {  	v10 =	vshrl.u32 v9, $0x3  }
0x432: {  	v10 =	vmul.u32 $0x30, v10  }
0x433: {  	v11 =	vand.u32 $0x7, v9  }
0x434: {  	v12 =	vshrl.u32 v0, $0x3;
	v10 =	vor.u32 v11, v10;
	v11 =	vand.u32 $0x7, v0  }
0x435: {  	v12 =	vmul.u32 $0x8, v12;
	v11 =	vperm.xlane v10, v11;
	_ =	sdelay $0x1  }
0x436: {  	v11 =	vadd.s32 v12, v11;
	_ =	sdelay $0x2  }
0x437: {  	v13 =	vor.u32 $0x8, v0  }
0x438: {  	vm15 =	vmmov $0xffff;
	s3 =	simm.s32 $0x10800;
	[tilespmem:$0x10780] =	vst v9;
	v9 =	vperm.xlane v10, v13  }
0x439: {  	[tilespmem:s3], [sflag:$0x1] =	stream.indirect_vreg.gather [hbm4b:s2+s4], $0x80, v11, vm15, $0xb8;
	[tilespmem:$0x13800] =	vst v63  }
0x43a: {  	s0 =	simm.s32 $0x11000;
	v9 =	vadd.s32 v12, v9  }
0x43b: {  	[tilespmem:s0], [sflag:$0x1] =	stream.indirect_vreg.gather [hbm4b:s9+s4], $0x80, v11, vm15, $0xb8;
	[tilespmem:$0x13800] =	vst v63  }
0x43c: {  	s8 =	simm.s32 $0x11800  }
0x43d: {  	[tilespmem:s8], [sflag:$0x1] =	stream.indirect_vreg.gather [hbm4b:s10+s4], $0x80, v11, vm15, $0xb8;
	[tilespmem:$0x13800] =	vst v63  }
0x43e: {  	s11 =	simm.s32 $0x12000  }
0x43f: {  	[tilespmem:s11], [sflag:$0x1] =	stream.indirect_vreg.gather [hbm4b:s2+s4], $0x80, v9, vm15, $0xb8;
	[tilespmem:$0x13800] =	vst v63  }
0x440: {  	s26 =	simm.s32 $0x12800  }
0x441: {  	[tilespmem:s26], [sflag:$0x1] =	stream.indirect_vreg.gather [hbm4b:s9+s4], $0x80, v9, vm15, $0xb8;
	[tilespmem:$0x13800] =	vst v63  }
0x442: {  	s29 =	simm.s32 $0x13000  }
0x443: {  	[tilespmem:s29], [sflag:$0x1] =	stream.indirect_vreg.gather [hbm4b:s10+s4], $0x80, v9, vm15, $0xb8;
	[tilespmem:$0x13800] =	vst v63  }
0x444: {  	_ =	swait.ge [sflag:s25], $0x3000  }
0x445: {  	[sflag:s25] =	ssyncset.done $0x0  }
0x446: {  	s30 =	rddreg [dreg:$0x8];
	[sflag:s25] =	ssyncadd.s32 $0xFFFFD000  }
0x447: {  	[hbm4b:s30+s4] =	stream.linear.scatter [tilespmem:s3], [sflag:$0x2], $0x3000, $0x38;
	[tilespmem:$0x13800] =	vst v63  }
0x448: {  	s28 =	sadd.s32 $0x1, s28;
	_ =	swait.ge [sflag:s15], $0x3000  }
0x449: {  	p0 =	sne.s32 s28, s13;
	[sflag:s15] =	ssyncset.done $0x0  }
.Ltmp16:
0x44a: {  	s31 =	simm.s32 $0x10780;
	[sflag:s15] =	ssyncadd.s32 $0xFFFFD000;
	(pc) =	sbr.rel @p0 .LBB2_1-.Ltmp16, $4  }
0x44b: {  	[hbm4b:s12+s4] =	stream.linear.scatter [tilespmem:s31], [sflag:$0x2], $0x10, $0x38;
	[tilespmem:$0x13800] =	vst v63  }
0x44c: {  	_ =	swait.ge [sflag:s15], $0x10  }
0x44d: {  	[sflag:s15] =	ssyncset.done $0x0  }
0x44e: {  	[sflag:s15] =	ssyncadd.s32 $0xFFFFFFF0  }
0x44f: {  	_ =	sfence.sel $0x180000  }
0x450: {  	[bflag:$0x0] =	sbarrier.arrive $0xFFFF  }
0x451: {  	_ =	strace $0x90000047  }
0x452: {  	s0 =	stileid.u32;
	[bflag:$0x2] =	sbarrier.arrive $0xFFFF  }
0x453: {  	p0 =	sne.s32 s0, $0x0;
	s0 =	rddreg [dreg:$0x6]  }
0x454: {  	s0 =	sadd.s32 @!p0 $0x100000, s0  }
0x455: {  	[sflag:s0] =	ssyncadd.tile.s32 @!p0 $0x1;
	_ =	shalt  }
.Lfunc_end2:
_tile_overlayer_lowered:
.L_overlay_start_2:
0x456: {  	(tag) =	ssettag $0x2  }
0x457: {  	s0 =	rddreg [dreg:$0x0];
	s2 =	stileid.u32  }
0x458: {  	s1 =	rddreg [dreg:$0x1];
	p0 =	sne.s32 s2, $0x0  }
0x459: {  	s3 =	rddreg [dreg:$0x2];
	[bflag:$0x3] =	sbarrier.arrive $0xFFFF;
	s2 =	simm.s32 @!p0 $0x1C02  }
0x45a: {  	[timem:s3], [sflag:s2] =	dma.local @!p0 [hbm:s0], s1  }
0x45b: {  	s0 =	simm.s32 @!p0 $0x2  }
0x45c: {  	_ =	swait.ge @!p0 [sflag:s0], s1  }
0x45d: {  	s1 =	ssub.s32 @!p0 $0x0, s1;
	[sflag:s0] =	ssyncset.done @!p0 $0x0  }
0x45e: {  	[sflag:s0] =	ssyncadd.s32 @!p0 s1  }
0x45f: {  	[bflag:$0x3] =	sbarrier.arrive $0xFFFF  }
0x460: {  	_ =	shalt  }

</sc_bundles>
